<compile_context>
chip_gen: v7x
topology: tpu7x:2x2x1
jax: 0.10.2.dev20260603
libtpu: 0.0.44.dev20260713+nightly
codegen_flags: <defaults>
</compile_context>

<pallas_src>
import functools

import jax
import jax.numpy as jnp
from jax import lax
from jax.experimental import pallas as pl
from jax.experimental.pallas import tpu as pltpu
from jax.experimental.pallas import tpu_sc as plsc

F32 = jnp.float32

_NC = 2
_NS = 16
_NW = _NC * _NS

_CHUNK = 80


def _pre_body(x_ref, ws_ref, wd_ref, u_ref, wu_ref, b1_ref,
              xs_ref, xd_ref, c0_ref):
    x = x_ref[...]
    xs_ref[...] = jnp.dot(x, ws_ref[...], preferred_element_type=F32)
    xd_ref[...] = jnp.dot(x, wd_ref[...], preferred_element_type=F32)
    c0_ref[...] = jnp.dot(u_ref[...], wu_ref[...],
                          preferred_element_type=F32) + b1_ref[...]


def _precompute(x, ws, wd, u, wu, b1):
    n, d = x.shape
    return pl.pallas_call(
        _pre_body,
        out_shape=[
            jax.ShapeDtypeStruct((n, ws.shape[1]), F32),
            jax.ShapeDtypeStruct((n, wd.shape[1]), F32),
            jax.ShapeDtypeStruct((1, wu.shape[1]), F32),
        ],
    )(x, ws, wd, u, wu, b1)


def _make_gather(n_edges, d, chunk):
    steps = n_edges // (_NW * chunk)
    epw = n_edges // _NW
    mesh = plsc.VectorSubcoreMesh(core_axis_name="c", subcore_axis_name="s")

    @functools.partial(
        pl.kernel,
        mesh=mesh,
        out_type=jax.ShapeDtypeStruct((n_edges, d), F32),
        scratch_types=[
            pltpu.VMEM((steps, chunk), jnp.int32),
            pltpu.VMEM((steps, chunk), jnp.int32),
            pltpu.VMEM((2, chunk, d), F32),
            pltpu.VMEM((2, chunk, d), F32),
            pltpu.SemaphoreType.DMA((2,)),
            pltpu.SemaphoreType.DMA((2,)),
            pltpu.SemaphoreType.DMA((2,)),
        ],
    )
    def gather_k(xs_hbm, xd_hbm, src_hbm, dst_hbm, out_hbm,
                 sidx, didx, abuf, bbuf, sem_a, sem_b, sem_o):
        wid = lax.axis_index("s") * _NC + lax.axis_index("c")
        pltpu.sync_copy(src_hbm.at[wid], sidx)
        pltpu.sync_copy(dst_hbm.at[wid], didx)

        def issue(j, b):
            pltpu.async_copy(xs_hbm.at[sidx.at[j]], abuf.at[b], sem_a.at[b])
            pltpu.async_copy(xd_hbm.at[didx.at[j]], bbuf.at[b], sem_b.at[b])

        def out_slice(j):
            return out_hbm.at[pl.ds(wid * epw + j * chunk, chunk)]

        def wait_gather(j, b):
            pltpu.make_async_copy(xs_hbm.at[sidx.at[j]], abuf.at[b],
                                  sem_a.at[b]).wait()
            pltpu.make_async_copy(xd_hbm.at[didx.at[j]], bbuf.at[b],
                                  sem_b.at[b]).wait()

        def wait_out(j, b):
            pltpu.make_async_copy(abuf.at[b], out_slice(j),
                                  sem_o.at[b]).wait()

        def add_and_write(j, b):
            def add_row(r, c2):
                for cc in range(d // 16):
                    sl = pl.ds(cc * 16, 16)
                    abuf[b, r, sl] = abuf[b, r, sl] + bbuf[b, r, sl]
                return c2

            lax.fori_loop(0, chunk, add_row, 0)
            pltpu.async_copy(abuf.at[b], out_slice(j), sem_o.at[b])

        issue(0, 0)

        def step2(t, carry):
            j0 = 2 * t

            @pl.when(t > 0)
            def _():
                wait_out(j0 - 1, 1)

            issue(j0 + 1, 1)
            wait_gather(j0, 0)
            add_and_write(j0, 0)

            wait_out(j0, 0)

            @pl.when(j0 + 2 < steps)
            def _():
                issue(j0 + 2, 0)

            wait_gather(j0 + 1, 1)
            add_and_write(j0 + 1, 1)
            return carry

        lax.fori_loop(0, steps // 2, step2, 0)
        if steps % 2:
            wait_gather(steps - 1, 0)
            add_and_write(steps - 1, 0)
            wait_out(steps - 2, 1)
            wait_out(steps - 1, 0)
        else:
            wait_out(steps - 1, 1)

    return gather_k


def _edge_body(pre_ref, ea_ref, we_ref, c0_ref, w2_ref, b2_ref,
               w3_ref, b3_ref, w4_ref, b4_ref, out_ref):
    h = (pre_ref[...]
         + jnp.dot(ea_ref[...], we_ref[...], preferred_element_type=F32)
         + c0_ref[...])
    h = jnp.maximum(h, 0.0)
    h = jnp.maximum(jnp.dot(h, w2_ref[...], preferred_element_type=F32)
                    + b2_ref[...], 0.0)
    h = jnp.maximum(jnp.dot(h, w3_ref[...], preferred_element_type=F32)
                    + b3_ref[...], 0.0)
    out_ref[...] = jnp.dot(h, w4_ref[...],
                           preferred_element_type=F32) + b4_ref[...]


def _edge_mlp(pre, ea, we, c0, w2, b2, w3, b3, w4, b4, blk,
              e_total, blk_off, buf=None):
    e, d = pre.shape
    de = ea.shape[1]
    grid = e // blk

    def wspec(shape):
        return pl.BlockSpec(shape, lambda i: (0, 0))

    in_specs = [
        pl.BlockSpec((blk, d), lambda i: (i, 0)),
        pl.BlockSpec((blk, de), lambda i: (i, 0)),
        wspec((de, d)), wspec((1, d)),
        wspec((d, d)), wspec((1, d)),
        wspec((d, d)), wspec((1, d)),
        wspec((d, d)), wspec((1, d)),
    ]
    args = [pre, ea, we, c0, w2, b2, w3, b3, w4, b4]
    aliases = {}
    body = _edge_body
    if buf is not None:
        in_specs = [pl.BlockSpec((8, d), lambda i: (0, 0))] + in_specs
        args = [buf] + args
        aliases = {0: 0}
        body = lambda dummy_ref, *refs: _edge_body(*refs)

    return pl.pallas_call(
        body,
        grid=(grid,),
        in_specs=in_specs,
        out_specs=pl.BlockSpec((blk, d), lambda i: (i + blk_off, 0)),
        out_shape=jax.ShapeDtypeStruct((e_total, d), F32),
        input_output_aliases=aliases,
    )(*args)


def _make_scatter(n_edges, n_nodes, d, chunk, base):
    steps = n_edges // (_NW * chunk)
    epw = n_edges // _NW
    rps = (n_nodes // (8 * _NS)) * 8
    rem = n_nodes - rps * _NS
    mesh = plsc.VectorSubcoreMesh(core_axis_name="c", subcore_axis_name="s")

    @functools.partial(
        pl.kernel,
        mesh=mesh,
        out_type=jax.ShapeDtypeStruct((_NC, n_nodes, d), F32),
        scratch_types=[
            pltpu.VMEM((steps, chunk), jnp.int32),
            pltpu.VMEM((2, chunk, d), F32),
            pltpu.VMEM_SHARED((n_nodes, d), F32),
            pltpu.SemaphoreType.DMA((2,)),
            pltpu.SemaphoreType.DMA((2,)),
        ],
    )
    def scatter_k(eout_hbm, dst_hbm, zeros_hbm, out_hbm,
                  didx, rbuf, acc, sem_r, sem_w):
        cid = lax.axis_index("c")
        sid = lax.axis_index("s")
        g = cid * _NS + sid
        zsl = pl.ds(sid * rps, rps)
        tsl = pl.ds(_NS * rps, rem)
        pltpu.sync_copy(zeros_hbm.at[zsl], acc.at[zsl])

        @pl.when(sid == _NS - 1)
        def _zero_tail():
            pltpu.sync_copy(zeros_hbm.at[tsl], acc.at[tsl])

        plsc.subcore_barrier()

        pltpu.sync_copy(dst_hbm.at[g], didx)

        def in_slice(j):
            return eout_hbm.at[pl.ds(base + g * epw + j * chunk, chunk)]

        def wait_read(j, b):
            pltpu.make_async_copy(in_slice(j), rbuf.at[b], sem_r.at[b]).wait()

        def wait_add(j, b):
            pltpu.make_async_copy(rbuf.at[b], acc.at[didx.at[j]],
                                  sem_w.at[b]).wait()

        def start_add(j, b):
            pltpu.async_copy(rbuf.at[b], acc.at[didx.at[j]], sem_w.at[b],
                             add=True)

        pltpu.async_copy(in_slice(0), rbuf.at[0], sem_r.at[0])

        def step2(t, carry):
            j0 = 2 * t

            @pl.when(t > 0)
            def _():
                wait_add(j0 - 1, 1)

            pltpu.async_copy(in_slice(j0 + 1), rbuf.at[1], sem_r.at[1])
            wait_read(j0, 0)
            start_add(j0, 0)

            wait_add(j0, 0)

            @pl.when(j0 + 2 < steps)
            def _():
                pltpu.async_copy(in_slice(j0 + 2), rbuf.at[0], sem_r.at[0])

            wait_read(j0 + 1, 1)
            start_add(j0 + 1, 1)
            return carry

        lax.fori_loop(0, steps // 2, step2, 0)
        if steps % 2:
            wait_read(steps - 1, 0)
            start_add(steps - 1, 0)
            wait_add(steps - 2, 1)
            wait_add(steps - 1, 0)
        else:
            wait_add(steps - 1, 1)
        plsc.subcore_barrier()
        pltpu.sync_copy(acc.at[zsl], out_hbm.at[cid, zsl])

        @pl.when(sid == _NS - 1)
        def _write_tail():
            pltpu.sync_copy(acc.at[tsl], out_hbm.at[cid, tsl])

    return scatter_k


def _node_body(x_ref, a0_ref, a1_ref, u_ref,
               wnx_ref, wna_ref, wnu_ref, bn1_ref,
               wn2_ref, bn2_ref, wn3_ref, bn3_ref, wn4_ref, bn4_ref,
               wgu_ref, wgn_ref, wge_ref, bg1_ref,
               wg2_ref, bg2_ref, wg3_ref, bg3_ref, wg4_ref, bg4_ref,
               inv_n_ref, inv_e_ref,
               nout_ref, uout_ref):
    agg = a0_ref[...] + a1_ref[...]
    u = u_ref[...]
    h = (jnp.dot(x_ref[...], wnx_ref[...], preferred_element_type=F32)
         + jnp.dot(agg, wna_ref[...], preferred_element_type=F32)
         + jnp.dot(u, wnu_ref[...], preferred_element_type=F32)
         + bn1_ref[...])
    h = jnp.maximum(h, 0.0)
    h = jnp.maximum(jnp.dot(h, wn2_ref[...], preferred_element_type=F32)
                    + bn2_ref[...], 0.0)
    h = jnp.maximum(jnp.dot(h, wn3_ref[...], preferred_element_type=F32)
                    + bn3_ref[...], 0.0)
    nout = jnp.dot(h, wn4_ref[...], preferred_element_type=F32) + bn4_ref[...]
    nout_ref[...] = nout

    mean_n = jnp.sum(nout, axis=0, keepdims=True) * inv_n_ref[0, 0]
    mean_e = jnp.sum(agg, axis=0, keepdims=True) * inv_e_ref[0, 0]
    g = (jnp.dot(u, wgu_ref[...], preferred_element_type=F32)
         + jnp.dot(mean_n, wgn_ref[...], preferred_element_type=F32)
         + jnp.dot(mean_e, wge_ref[...], preferred_element_type=F32)
         + bg1_ref[...])
    g = jnp.maximum(g, 0.0)
    g = jnp.maximum(jnp.dot(g, wg2_ref[...], preferred_element_type=F32)
                    + bg2_ref[...], 0.0)
    g = jnp.maximum(jnp.dot(g, wg3_ref[...], preferred_element_type=F32)
                    + bg3_ref[...], 0.0)
    uout_ref[...] = jnp.dot(g, wg4_ref[...],
                            preferred_element_type=F32) + bg4_ref[...]


def _node_global(x, aggs, u, node_w, glob_w, inv_n, inv_e):
    n, d = x.shape
    return pl.pallas_call(
        _node_body,
        out_shape=[
            jax.ShapeDtypeStruct((n, d), F32),
            jax.ShapeDtypeStruct((1, d), F32),
        ],
    )(x, *aggs, u, *node_w, *glob_w, inv_n, inv_e)


def kernel(x, edge_attr, u, edge_params, node_params, global_params,
           edge_index):
    n_nodes, d_feat = x.shape
    n_edges, d_edge = edge_attr.shape
    d_u = u.shape[1]

    (w1, b1), (w2, b2), (w3, b3), (w4, b4) = edge_params
    d = w4.shape[1]
    we = w1[:d_edge]
    ws = w1[d_edge:d_edge + d_feat]
    wd = w1[d_edge + d_feat:d_edge + 2 * d_feat]
    wu = w1[d_edge + 2 * d_feat:]

    steps = n_edges // (_NW * _CHUNK)
    src = edge_index[0].reshape(_NW, steps, _CHUNK)
    dst = edge_index[1].reshape(_NW, steps, _CHUNK)

    xs, xd, c0 = _precompute(x, ws, wd, u, wu, b1.reshape(1, -1))

    zeros = jnp.zeros((n_nodes, d), F32)

    pre = _make_gather(n_edges, d_feat, _CHUNK)(xs, xd, src, dst)
    e_out = _edge_mlp(pre, edge_attr, we, c0,
                      w2, b2.reshape(1, -1), w3, b3.reshape(1, -1),
                      w4, b4.reshape(1, -1), blk=4000,
                      e_total=n_edges, blk_off=0)
    aggp = _make_scatter(n_edges, n_nodes, d, _CHUNK, 0)(e_out, dst, zeros)

    (nw1, nb1), (nw2, nb2), (nw3, nb3), (nw4, nb4) = node_params
    node_w = (nw1[:d_feat], nw1[d_feat:d_feat + d], nw1[d_feat + d:],
              nb1.reshape(1, -1),
              nw2, nb2.reshape(1, -1), nw3, nb3.reshape(1, -1),
              nw4, nb4.reshape(1, -1))
    (gw1, gb1), (gw2, gb2), (gw3, gb3), (gw4, gb4) = global_params
    glob_w = (gw1[:d_u], gw1[d_u:d_u + d], gw1[d_u + d:],
              gb1.reshape(1, -1),
              gw2, gb2.reshape(1, -1), gw3, gb3.reshape(1, -1),
              gw4, gb4.reshape(1, -1))

    inv_n = jnp.full((1, 1), 1.0 / n_nodes, F32)
    inv_e = jnp.full((1, 1), 1.0 / n_edges, F32)
    n_out, u_out = _node_global(x, (aggp[0], aggp[1]), u,
                                node_w, glob_w, inv_n, inv_e)

    return (e_out, n_out, u_out)

# --- scband reference (transcript-rebuilt; emitter-appended) ---
"""Pipeline reference for scband-mlpgraph-network-30227979829768 (READ-ONLY COPY).

The authoritative reference and input builder live on the scoring server;
editing this copy changes nothing except your own understanding.
"""

import jax, jax.numpy as jnp
import numpy as np

N = 10000
E = 320000
D_FEAT = 128
D_EDGE = 16
D_U = 128
HIDDEN = 128
OUT = 128
NUM_LAYERS = 4


def _init_mlp(key, d_in, d_out):
    dims = [d_in] + [HIDDEN] * (NUM_LAYERS - 1) + [d_out]
    params = []
    for i in range(NUM_LAYERS):
        key, k1 = jax.random.split(key)
        W = jax.random.normal(k1, (dims[i], dims[i + 1]), dtype=jnp.float32) / jnp.sqrt(dims[i])
        b = jnp.zeros((dims[i + 1],), dtype=jnp.float32)
        params.append((W, b))
    return params


def _apply_mlp(params, h):
    n = len(params)
    for i, (W, b) in enumerate(params):
        h = h @ W + b
        if i < n - 1:
            h = jax.nn.relu(h)
    return h


def setup_inputs(seed: int = 0):
    key = jax.random.key(seed)
    k0, k1, k2, k3, k4, k5, k6 = jax.random.split(key, 7)
    x = jax.random.normal(k0, (N, D_FEAT), dtype=jnp.float32)
    edge_index = jax.random.randint(k1, (2, E), 0, N, dtype=jnp.int32)
    edge_attr = jax.random.normal(k2, (E, D_EDGE), dtype=jnp.float32)
    u = jax.random.normal(k3, (1, D_U), dtype=jnp.float32)
    edge_params = _init_mlp(k4, D_EDGE + 2 * D_FEAT + D_U, OUT)
    node_params = _init_mlp(k5, D_FEAT + OUT + D_U, OUT)
    global_params = _init_mlp(k6, D_U + OUT + OUT, OUT)
    return {"x": x, "edge_attr": edge_attr, "u": u,
            "edge_params": edge_params, "node_params": node_params,
            "global_params": global_params, "edge_index": edge_index}


def reference(x, edge_attr, u, edge_params, node_params, global_params, edge_index):
    src = edge_index[0]
    dst = edge_index[1]
    n_nodes = x.shape[0]
    n_edges = edge_attr.shape[0]
    # edge update: phi_e(concat[e, x_src, x_dst, u])
    u_e = jnp.broadcast_to(u, (n_edges, u.shape[1]))
    e_in = jnp.concatenate([edge_attr, x[src], x[dst], u_e], axis=1)
    e_out = _apply_mlp(edge_params, e_in)
    # node update: phi_v(concat[x, sum_{e: dst==v} e', u])
    agg = jax.ops.segment_sum(e_out, dst, num_segments=n_nodes)
    u_n = jnp.broadcast_to(u, (n_nodes, u.shape[1]))
    n_in = jnp.concatenate([x, agg, u_n], axis=1)
    n_out = _apply_mlp(node_params, n_in)
    # global update: phi_g(concat[u, mean(n'), mean(e')])
    g_in = jnp.concatenate([u, jnp.mean(n_out, axis=0, keepdims=True), jnp.mean(e_out, axis=0, keepdims=True)], axis=1)
    u_out = _apply_mlp(global_params, g_in)
    return (e_out, n_out, u_out)

if __name__ == "__main__":
    import jax
    _d = setup_inputs()
    print(jax.jit(kernel)(*tuple(_d.values())))

</pallas_src>

<mosaic_0001>
#map = affine_map<(d0, d1) -> (0, 0)>
#map1 = affine_map<(d0, d1) -> (0, 0, 0)>
module attributes {stable_mosaic.version = 14 : i64} {
  func.func @scatter_k(%arg0: i32, %arg1: i32, %arg2: memref<320000x128xf32, #tpu.memory_space<hbm>>, %arg3: memref<32x125x80xi32, #tpu.memory_space<hbm>>, %arg4: memref<10000x128xf32, #tpu.memory_space<hbm>>, %arg5: memref<2x10000x128xf32, #tpu.memory_space<hbm>>, %arg6: memref<125x80xi32, #tpu.memory_space<vmem>>, %arg7: memref<2x80x128xf32, #tpu.memory_space<vmem>>, %arg8: memref<10000x128xf32, #tpu.memory_space<vmem_shared>>, %arg9: memref<2x!tpu.dma_semaphore, #tpu.memory_space<semaphore_mem>>, %arg10: memref<2x!tpu.dma_semaphore, #tpu.memory_space<semaphore_mem>>) attributes {dimension_semantics = [#tpu.dimension_semantics<core_parallel>, #tpu.dimension_semantics<subcore_parallel>], iteration_bounds = array<i64: 2, 16>, scalar_prefetch = 0 : i64, scratch_operands = 5 : i64, tpu.core_type = #tpu.core_type<sc_vector_subcore>, window_params = [{transform_indices = #map}, {transform_indices = #map1}, {transform_indices = #map}, {transform_indices = #map1}]} {
    %mul3A = arith.constant 16 : i32
    %mul3A_0 = arith.muli %arg0, %mul3A : i32
    %add3A = arith.addi %mul3A_0, %arg1 : i32
    %mul3A_1 = arith.constant 624 : i32
    %mul3A_2 = arith.muli %arg1, %mul3A_1 : i32
    "tpu.region"() ({
      %run_scoped3A = tpu.sem_alloc : memref<!tpu.dma_semaphore, #tpu.memory_space<semaphore_mem>>
      %dma_start3A_103 = arith.constant 0 : i32
      %dma_start3A_104 = tpu.memref_slice %arg8[%mul3A_2, %dma_start3A_103] : memref<10000x128xf32, #tpu.memory_space<vmem_shared>> -> memref<624x128xf32, #tpu.memory_space<vmem_shared>>
      %dma_start3A_105 = arith.constant 0 : i32
      %dma_start3A_106 = tpu.memref_slice %arg4[%mul3A_2, %dma_start3A_105] : memref<10000x128xf32, #tpu.memory_space<hbm>> -> memref<624x128xf32, #tpu.memory_space<hbm>>
      tpu.enqueue_dma source(%dma_start3A_106 : memref<624x128xf32, #tpu.memory_space<hbm>>) target(%dma_start3A_104 : memref<624x128xf32, #tpu.memory_space<vmem_shared>>) target_semaphore(%run_scoped3A : memref<!tpu.dma_semaphore, #tpu.memory_space<semaphore_mem>>)
      %dma_wait3A_107 = arith.constant 0 : i32
      %dma_wait3A_108 = tpu.memref_slice %arg8[%mul3A_2, %dma_wait3A_107] : memref<10000x128xf32, #tpu.memory_space<vmem_shared>> -> memref<624x128xf32, #tpu.memory_space<vmem_shared>>
      %dma_wait3A_109 = arith.constant 0 : i32
      %dma_wait3A_110 = tpu.memref_slice %arg4[%mul3A_2, %dma_wait3A_109] : memref<10000x128xf32, #tpu.memory_space<hbm>> -> memref<624x128xf32, #tpu.memory_space<hbm>>
      tpu.wait_dma2 semaphore(%run_scoped3A : memref<!tpu.dma_semaphore, #tpu.memory_space<semaphore_mem>>) src(%dma_wait3A_110 : memref<624x128xf32, #tpu.memory_space<hbm>>) dst(%dma_wait3A_108 : memref<624x128xf32, #tpu.memory_space<vmem_shared>>)
      tpu.yield
    }) : () -> ()
    %eq3A = arith.constant 15 : i32
    %eq3A_3 = arith.cmpi eq, %arg1, %eq3A : i32
    %convert_element_type3A = arith.extui %eq3A_3 : i1 to i32
    %cond3A = arith.constant 0 : i32
    %cond3A_4 = arith.cmpi ne, %convert_element_type3A, %cond3A : i32
    scf.if %cond3A_4 {
      "tpu.region"() ({
        %run_scoped3A = tpu.sem_alloc : memref<!tpu.dma_semaphore, #tpu.memory_space<semaphore_mem>>
        %dma_start3A_103 = arith.constant 9984 : i32
        %dma_start3A_104 = arith.constant 0 : i32
        %dma_start3A_105 = tpu.memref_slice %arg8[%dma_start3A_103, %dma_start3A_104] : memref<10000x128xf32, #tpu.memory_space<vmem_shared>> -> memref<16x128xf32, #tpu.memory_space<vmem_shared>>
        %dma_start3A_106 = arith.constant 9984 : i32
        %dma_start3A_107 = arith.constant 0 : i32
        %dma_start3A_108 = tpu.memref_slice %arg4[%dma_start3A_106, %dma_start3A_107] : memref<10000x128xf32, #tpu.memory_space<hbm>> -> memref<16x128xf32, #tpu.memory_space<hbm>>
        tpu.enqueue_dma source(%dma_start3A_108 : memref<16x128xf32, #tpu.memory_space<hbm>>) target(%dma_start3A_105 : memref<16x128xf32, #tpu.memory_space<vmem_shared>>) target_semaphore(%run_scoped3A : memref<!tpu.dma_semaphore, #tpu.memory_space<semaphore_mem>>)
        %dma_wait3A_109 = arith.constant 9984 : i32
        %dma_wait3A_110 = arith.constant 0 : i32
        %dma_wait3A_111 = tpu.memref_slice %arg8[%dma_wait3A_109, %dma_wait3A_110] : memref<10000x128xf32, #tpu.memory_space<vmem_shared>> -> memref<16x128xf32, #tpu.memory_space<vmem_shared>>
        %dma_wait3A_112 = arith.constant 9984 : i32
        %dma_wait3A_113 = arith.constant 0 : i32
        %dma_wait3A_114 = tpu.memref_slice %arg4[%dma_wait3A_112, %dma_wait3A_113] : memref<10000x128xf32, #tpu.memory_space<hbm>> -> memref<16x128xf32, #tpu.memory_space<hbm>>
        tpu.wait_dma2 semaphore(%run_scoped3A : memref<!tpu.dma_semaphore, #tpu.memory_space<semaphore_mem>>) src(%dma_wait3A_114 : memref<16x128xf32, #tpu.memory_space<hbm>>) dst(%dma_wait3A_111 : memref<16x128xf32, #tpu.memory_space<vmem_shared>>)
        tpu.yield
      }) : () -> ()
    } else {
    }
    %barrier3A = arith.constant 0 : index
    tpu.barrier barrier_id(%barrier3A)
    "tpu.region"() ({
      %run_scoped3A = tpu.sem_alloc : memref<!tpu.dma_semaphore, #tpu.memory_space<semaphore_mem>>
      %dma_start3A_103 = arith.constant 0 : i32
      %dma_start3A_104 = arith.constant 0 : i32
      %dma_start3A_105 = tpu.memref_slice %arg3[%add3A, %dma_start3A_103, %dma_start3A_104] : memref<32x125x80xi32, #tpu.memory_space<hbm>> -> memref<1x125x80xi32, #tpu.memory_space<hbm>>
      %dma_start3A_106 = tpu.memref_squeeze %dma_start3A_105 : memref<1x125x80xi32, #tpu.memory_space<hbm>> -> memref<125x80xi32, #tpu.memory_space<hbm>>
      %dma_start3A_107 = arith.constant 0 : i32
      %dma_start3A_108 = arith.constant 0 : i32
      %dma_start3A_109 = tpu.memref_slice %arg3[%add3A, %dma_start3A_107, %dma_start3A_108] : memref<32x125x80xi32, #tpu.memory_space<hbm>> -> memref<1x125x80xi32, #tpu.memory_space<hbm>>
      %dma_start3A_110 = tpu.memref_squeeze %dma_start3A_109 : memref<1x125x80xi32, #tpu.memory_space<hbm>> -> memref<125x80xi32, #tpu.memory_space<hbm>>
      tpu.enqueue_dma source(%dma_start3A_110 : memref<125x80xi32, #tpu.memory_space<hbm>>) target(%arg6 : memref<125x80xi32, #tpu.memory_space<vmem>>) target_semaphore(%run_scoped3A : memref<!tpu.dma_semaphore, #tpu.memory_space<semaphore_mem>>)
      %dma_wait3A_111 = arith.constant 0 : i32
      %dma_wait3A_112 = arith.constant 0 : i32
      %dma_wait3A_113 = tpu.memref_slice %arg3[%add3A, %dma_wait3A_111, %dma_wait3A_112] : memref<32x125x80xi32, #tpu.memory_space<hbm>> -> memref<1x125x80xi32, #tpu.memory_space<hbm>>
      %dma_wait3A_114 = tpu.memref_squeeze %dma_wait3A_113 : memref<1x125x80xi32, #tpu.memory_space<hbm>> -> memref<125x80xi32, #tpu.memory_space<hbm>>
      %dma_wait3A_115 = arith.constant 0 : i32
      %dma_wait3A_116 = arith.constant 0 : i32
      %dma_wait3A_117 = tpu.memref_slice %arg3[%add3A, %dma_wait3A_115, %dma_wait3A_116] : memref<32x125x80xi32, #tpu.memory_space<hbm>> -> memref<1x125x80xi32, #tpu.memory_space<hbm>>
      %dma_wait3A_118 = tpu.memref_squeeze %dma_wait3A_117 : memref<1x125x80xi32, #tpu.memory_space<hbm>> -> memref<125x80xi32, #tpu.memory_space<hbm>>
      tpu.wait_dma2 semaphore(%run_scoped3A : memref<!tpu.dma_semaphore, #tpu.memory_space<semaphore_mem>>) src(%dma_wait3A_118 : memref<125x80xi32, #tpu.memory_space<hbm>>) dst(%arg6 : memref<125x80xi32, #tpu.memory_space<vmem>>)
      tpu.yield
    }) : () -> ()
    %mul3A_5 = arith.constant 10000 : i32
    %mul3A_6 = arith.muli %add3A, %mul3A_5 : i32
    %add3A_7 = arith.constant 0 : i32
    %add3A_8 = arith.addi %add3A_7, %mul3A_6 : i32
    %add3A_9 = arith.constant 0 : i32
    %add3A_10 = arith.addi %add3A_8, %add3A_9 : i32
    %dma_start3A = arith.constant 0 : i32
    %dma_start3A_11 = arith.constant 0 : i32
    %dma_start3A_12 = arith.constant 0 : i32
    %dma_start3A_13 = arith.constant 0 : i32
    %dma_start3A_14 = tpu.memref_slice %arg7[%dma_start3A, %dma_start3A_12, %dma_start3A_13] : memref<2x80x128xf32, #tpu.memory_space<vmem>> -> memref<1x80x128xf32, #tpu.memory_space<vmem>>
    %dma_start3A_15 = tpu.memref_squeeze %dma_start3A_14 : memref<1x80x128xf32, #tpu.memory_space<vmem>> -> memref<80x128xf32, #tpu.memory_space<vmem>>
    %dma_start3A_16 = arith.constant 0 : i32
    %dma_start3A_17 = tpu.memref_slice %arg2[%add3A_10, %dma_start3A_16] : memref<320000x128xf32, #tpu.memory_space<hbm>> -> memref<80x128xf32, #tpu.memory_space<hbm>>
    %dma_start3A_18 = tpu.memref_slice %arg9[%dma_start3A_11] : memref<2x!tpu.dma_semaphore, #tpu.memory_space<semaphore_mem>> -> memref<1x!tpu.dma_semaphore, #tpu.memory_space<semaphore_mem>>
    %dma_start3A_19 = tpu.memref_squeeze %dma_start3A_18 : memref<1x!tpu.dma_semaphore, #tpu.memory_space<semaphore_mem>> -> memref<!tpu.dma_semaphore, #tpu.memory_space<semaphore_mem>>
    %dma_start3A_20 = arith.constant 0 : i32
    %dma_start3A_21 = arith.constant 0 : i32
    %dma_start3A_22 = tpu.memref_slice %arg7[%dma_start3A, %dma_start3A_20, %dma_start3A_21] : memref<2x80x128xf32, #tpu.memory_space<vmem>> -> memref<1x80x128xf32, #tpu.memory_space<vmem>>
    %dma_start3A_23 = tpu.memref_squeeze %dma_start3A_22 : memref<1x80x128xf32, #tpu.memory_space<vmem>> -> memref<80x128xf32, #tpu.memory_space<vmem>>
    %dma_start3A_24 = arith.constant 0 : i32
    %dma_start3A_25 = tpu.memref_slice %arg2[%add3A_10, %dma_start3A_24] : memref<320000x128xf32, #tpu.memory_space<hbm>> -> memref<80x128xf32, #tpu.memory_space<hbm>>
    tpu.enqueue_dma source(%dma_start3A_25 : memref<80x128xf32, #tpu.memory_space<hbm>>) target(%dma_start3A_23 : memref<80x128xf32, #tpu.memory_space<vmem>>) target_semaphore(%dma_start3A_19 : memref<!tpu.dma_semaphore, #tpu.memory_space<semaphore_mem>>)
    %scan3A = arith.constant 0 : i32
    %scan3A_26 = arith.constant 0 : i32
    %scan3A_27 = arith.constant 62 : i32
    %scan3A_28 = arith.addi %scan3A_26, %scan3A_27 : i32
    %scan3A_29 = arith.constant 1 : i32
    scf.for %scan3A_103 = %scan3A_26 to %scan3A_28 step %scan3A_29  : i32 {
      %mul3A_104 = arith.constant 2 : i32
      %mul3A_105 = arith.muli %mul3A_104, %scan3A_103 : i32
      %gt3A = arith.constant 0 : i32
      %gt3A_106 = arith.cmpi sgt, %scan3A_103, %gt3A : i32
      %convert_element_type3A_107 = arith.extui %gt3A_106 : i1 to i32
      %cond3A_108 = arith.constant 0 : i32
      %cond3A_109 = arith.cmpi ne, %convert_element_type3A_107, %cond3A_108 : i32
      scf.if %cond3A_109 {
        %sub3A = arith.constant 1 : i32
        %sub3A_233 = arith.subi %mul3A_105, %sub3A : i32
        %dma_wait3A_234 = arith.constant 1 : i32
        %dma_wait3A_235 = arith.constant 1 : i32
        %dma_wait3A_236 = arith.constant 0 : i32
        %dma_wait3A_237 = arith.constant 0 : i32
        %dma_wait3A_238 = tpu.memref_slice %arg7[%dma_wait3A_234, %dma_wait3A_236, %dma_wait3A_237] : memref<2x80x128xf32, #tpu.memory_space<vmem>> -> memref<1x80x128xf32, #tpu.memory_space<vmem>>
        %dma_wait3A_239 = tpu.memref_squeeze %dma_wait3A_238 : memref<1x80x128xf32, #tpu.memory_space<vmem>> -> memref<80x128xf32, #tpu.memory_space<vmem>>
        %dma_wait3A_240 = arith.constant 0 : i32
        %dma_wait3A_241 = tpu.memref_slice %arg6[%sub3A_233, %dma_wait3A_240] : memref<125x80xi32, #tpu.memory_space<vmem>> -> memref<1x80xi32, #tpu.memory_space<vmem>>
        %dma_wait3A_242 = tpu.memref_squeeze %dma_wait3A_241 : memref<1x80xi32, #tpu.memory_space<vmem>> -> memref<80xi32, #tpu.memory_space<vmem>>
        %dma_wait3A_243 = arith.constant 0 : i32
        %dma_wait3A_244 = arith.constant 0 : i32
        %dma_wait3A_245 = tpu.memref_slice %arg8[%dma_wait3A_243, %dma_wait3A_244] : memref<10000x128xf32, #tpu.memory_space<vmem_shared>> -> memref<10000x128xf32, #tpu.memory_space<vmem_shared>>
        %dma_wait3A_246 = tpu.memref_slice %arg10[%dma_wait3A_235] : memref<2x!tpu.dma_semaphore, #tpu.memory_space<semaphore_mem>> -> memref<1x!tpu.dma_semaphore, #tpu.memory_space<semaphore_mem>>
        %dma_wait3A_247 = tpu.memref_squeeze %dma_wait3A_246 : memref<1x!tpu.dma_semaphore, #tpu.memory_space<semaphore_mem>> -> memref<!tpu.dma_semaphore, #tpu.memory_space<semaphore_mem>>
        tpu.wait_indirect_dma semaphore(%dma_wait3A_247 : memref<!tpu.dma_semaphore, #tpu.memory_space<semaphore_mem>>) src(%dma_wait3A_239 : memref<80x128xf32, #tpu.memory_space<vmem>>) dst(%dma_wait3A_245 : memref<10000x128xf32, #tpu.memory_space<vmem_shared>>)
      } else {
      }
      %add3A_110 = arith.constant 1 : i32
      %add3A_111 = arith.addi %mul3A_105, %add3A_110 : i32
      %mul3A_112 = arith.constant 10000 : i32
      %mul3A_113 = arith.muli %add3A, %mul3A_112 : i32
      %add3A_114 = arith.constant 0 : i32
      %add3A_115 = arith.addi %add3A_114, %mul3A_113 : i32
      %mul3A_116 = arith.constant 80 : i32
      %mul3A_117 = arith.muli %add3A_111, %mul3A_116 : i32
      %add3A_118 = arith.addi %add3A_115, %mul3A_117 : i32
      %dma_start3A_119 = arith.constant 1 : i32
      %dma_start3A_120 = arith.constant 1 : i32
      %dma_start3A_121 = arith.constant 0 : i32
      %dma_start3A_122 = arith.constant 0 : i32
      %dma_start3A_123 = tpu.memref_slice %arg7[%dma_start3A_119, %dma_start3A_121, %dma_start3A_122] : memref<2x80x128xf32, #tpu.memory_space<vmem>> -> memref<1x80x128xf32, #tpu.memory_space<vmem>>
      %dma_start3A_124 = tpu.memref_squeeze %dma_start3A_123 : memref<1x80x128xf32, #tpu.memory_space<vmem>> -> memref<80x128xf32, #tpu.memory_space<vmem>>
      %dma_start3A_125 = arith.constant 0 : i32
      %dma_start3A_126 = tpu.memref_slice %arg2[%add3A_118, %dma_start3A_125] : memref<320000x128xf32, #tpu.memory_space<hbm>> -> memref<80x128xf32, #tpu.memory_space<hbm>>
      %dma_start3A_127 = tpu.memref_slice %arg9[%dma_start3A_120] : memref<2x!tpu.dma_semaphore, #tpu.memory_space<semaphore_mem>> -> memref<1x!tpu.dma_semaphore, #tpu.memory_space<semaphore_mem>>
      %dma_start3A_128 = tpu.memref_squeeze %dma_start3A_127 : memref<1x!tpu.dma_semaphore, #tpu.memory_space<semaphore_mem>> -> memref<!tpu.dma_semaphore, #tpu.memory_space<semaphore_mem>>
      %dma_start3A_129 = arith.constant 0 : i32
      %dma_start3A_130 = arith.constant 0 : i32
      %dma_start3A_131 = tpu.memref_slice %arg7[%dma_start3A_119, %dma_start3A_129, %dma_start3A_130] : memref<2x80x128xf32, #tpu.memory_space<vmem>> -> memref<1x80x128xf32, #tpu.memory_space<vmem>>
      %dma_start3A_132 = tpu.memref_squeeze %dma_start3A_131 : memref<1x80x128xf32, #tpu.memory_space<vmem>> -> memref<80x128xf32, #tpu.memory_space<vmem>>
      %dma_start3A_133 = arith.constant 0 : i32
      %dma_start3A_134 = tpu.memref_slice %arg2[%add3A_118, %dma_start3A_133] : memref<320000x128xf32, #tpu.memory_space<hbm>> -> memref<80x128xf32, #tpu.memory_space<hbm>>
      tpu.enqueue_dma source(%dma_start3A_134 : memref<80x128xf32, #tpu.memory_space<hbm>>) target(%dma_start3A_132 : memref<80x128xf32, #tpu.memory_space<vmem>>) target_semaphore(%dma_start3A_128 : memref<!tpu.dma_semaphore, #tpu.memory_space<semaphore_mem>>)
      %mul3A_135 = arith.constant 10000 : i32
      %mul3A_136 = arith.muli %add3A, %mul3A_135 : i32
      %add3A_137 = arith.constant 0 : i32
      %add3A_138 = arith.addi %add3A_137, %mul3A_136 : i32
      %mul3A_139 = arith.constant 80 : i32
      %mul3A_140 = arith.muli %mul3A_105, %mul3A_139 : i32
      %add3A_141 = arith.addi %add3A_138, %mul3A_140 : i32
      %dma_wait3A_142 = arith.constant 0 : i32
      %dma_wait3A_143 = arith.constant 0 : i32
      %dma_wait3A_144 = arith.constant 0 : i32
      %dma_wait3A_145 = arith.constant 0 : i32
      %dma_wait3A_146 = tpu.memref_slice %arg7[%dma_wait3A_142, %dma_wait3A_144, %dma_wait3A_145] : memref<2x80x128xf32, #tpu.memory_space<vmem>> -> memref<1x80x128xf32, #tpu.memory_space<vmem>>
      %dma_wait3A_147 = tpu.memref_squeeze %dma_wait3A_146 : memref<1x80x128xf32, #tpu.memory_space<vmem>> -> memref<80x128xf32, #tpu.memory_space<vmem>>
      %dma_wait3A_148 = arith.constant 0 : i32
      %dma_wait3A_149 = tpu.memref_slice %arg2[%add3A_141, %dma_wait3A_148] : memref<320000x128xf32, #tpu.memory_space<hbm>> -> memref<80x128xf32, #tpu.memory_space<hbm>>
      %dma_wait3A_150 = tpu.memref_slice %arg9[%dma_wait3A_143] : memref<2x!tpu.dma_semaphore, #tpu.memory_space<semaphore_mem>> -> memref<1x!tpu.dma_semaphore, #tpu.memory_space<semaphore_mem>>
      %dma_wait3A_151 = tpu.memref_squeeze %dma_wait3A_150 : memref<1x!tpu.dma_semaphore, #tpu.memory_space<semaphore_mem>> -> memref<!tpu.dma_semaphore, #tpu.memory_space<semaphore_mem>>
      %dma_wait3A_152 = arith.constant 0 : i32
      %dma_wait3A_153 = arith.constant 0 : i32
      %dma_wait3A_154 = tpu.memref_slice %arg7[%dma_wait3A_142, %dma_wait3A_152, %dma_wait3A_153] : memref<2x80x128xf32, #tpu.memory_space<vmem>> -> memref<1x80x128xf32, #tpu.memory_space<vmem>>
      %dma_wait3A_155 = tpu.memref_squeeze %dma_wait3A_154 : memref<1x80x128xf32, #tpu.memory_space<vmem>> -> memref<80x128xf32, #tpu.memory_space<vmem>>
      %dma_wait3A_156 = arith.constant 0 : i32
      %dma_wait3A_157 = tpu.memref_slice %arg2[%add3A_141, %dma_wait3A_156] : memref<320000x128xf32, #tpu.memory_space<hbm>> -> memref<80x128xf32, #tpu.memory_space<hbm>>
      tpu.wait_dma2 semaphore(%dma_wait3A_151 : memref<!tpu.dma_semaphore, #tpu.memory_space<semaphore_mem>>) src(%dma_wait3A_157 : memref<80x128xf32, #tpu.memory_space<hbm>>) dst(%dma_wait3A_155 : memref<80x128xf32, #tpu.memory_space<vmem>>)
      %dma_start3A_158 = arith.constant 0 : i32
      %dma_start3A_159 = arith.constant 0 : i32
      %dma_start3A_160 = arith.constant 0 : i32
      %dma_start3A_161 = arith.constant 0 : i32
      %dma_start3A_162 = tpu.memref_slice %arg7[%dma_start3A_158, %dma_start3A_160, %dma_start3A_161] : memref<2x80x128xf32, #tpu.memory_space<vmem>> -> memref<1x80x128xf32, #tpu.memory_space<vmem>>
      %dma_start3A_163 = tpu.memref_squeeze %dma_start3A_162 : memref<1x80x128xf32, #tpu.memory_space<vmem>> -> memref<80x128xf32, #tpu.memory_space<vmem>>
      %dma_start3A_164 = arith.constant 0 : i32
      %dma_start3A_165 = tpu.memref_slice %arg6[%mul3A_105, %dma_start3A_164] : memref<125x80xi32, #tpu.memory_space<vmem>> -> memref<1x80xi32, #tpu.memory_space<vmem>>
      %dma_start3A_166 = tpu.memref_squeeze %dma_start3A_165 : memref<1x80xi32, #tpu.memory_space<vmem>> -> memref<80xi32, #tpu.memory_space<vmem>>
      %dma_start3A_167 = arith.constant 0 : i32
      %dma_start3A_168 = arith.constant 0 : i32
      %dma_start3A_169 = tpu.memref_slice %arg8[%dma_start3A_167, %dma_start3A_168] : memref<10000x128xf32, #tpu.memory_space<vmem_shared>> -> memref<10000x128xf32, #tpu.memory_space<vmem_shared>>
      %dma_start3A_170 = tpu.memref_slice %arg10[%dma_start3A_159] : memref<2x!tpu.dma_semaphore, #tpu.memory_space<semaphore_mem>> -> memref<1x!tpu.dma_semaphore, #tpu.memory_space<semaphore_mem>>
      %dma_start3A_171 = tpu.memref_squeeze %dma_start3A_170 : memref<1x!tpu.dma_semaphore, #tpu.memory_space<semaphore_mem>> -> memref<!tpu.dma_semaphore, #tpu.memory_space<semaphore_mem>>
      tpu.enqueue_indirect_dma source(%dma_start3A_163 : memref<80x128xf32, #tpu.memory_space<vmem>>) target(%dma_start3A_169 : memref<10000x128xf32, #tpu.memory_space<vmem_shared>>) offsets(%dma_start3A_166 : memref<80xi32, #tpu.memory_space<vmem>>) semaphore(%dma_start3A_171 : memref<!tpu.dma_semaphore, #tpu.memory_space<semaphore_mem>>) {add = true}
      %dma_wait3A_172 = arith.constant 0 : i32
      %dma_wait3A_173 = arith.constant 0 : i32
      %dma_wait3A_174 = arith.constant 0 : i32
      %dma_wait3A_175 = arith.constant 0 : i32
      %dma_wait3A_176 = tpu.memref_slice %arg7[%dma_wait3A_172, %dma_wait3A_174, %dma_wait3A_175] : memref<2x80x128xf32, #tpu.memory_space<vmem>> -> memref<1x80x128xf32, #tpu.memory_space<vmem>>
      %dma_wait3A_177 = tpu.memref_squeeze %dma_wait3A_176 : memref<1x80x128xf32, #tpu.memory_space<vmem>> -> memref<80x128xf32, #tpu.memory_space<vmem>>
      %dma_wait3A_178 = arith.constant 0 : i32
      %dma_wait3A_179 = tpu.memref_slice %arg6[%mul3A_105, %dma_wait3A_178] : memref<125x80xi32, #tpu.memory_space<vmem>> -> memref<1x80xi32, #tpu.memory_space<vmem>>
      %dma_wait3A_180 = tpu.memref_squeeze %dma_wait3A_179 : memref<1x80xi32, #tpu.memory_space<vmem>> -> memref<80xi32, #tpu.memory_space<vmem>>
      %dma_wait3A_181 = arith.constant 0 : i32
      %dma_wait3A_182 = arith.constant 0 : i32
      %dma_wait3A_183 = tpu.memref_slice %arg8[%dma_wait3A_181, %dma_wait3A_182] : memref<10000x128xf32, #tpu.memory_space<vmem_shared>> -> memref<10000x128xf32, #tpu.memory_space<vmem_shared>>
      %dma_wait3A_184 = tpu.memref_slice %arg10[%dma_wait3A_173] : memref<2x!tpu.dma_semaphore, #tpu.memory_space<semaphore_mem>> -> memref<1x!tpu.dma_semaphore, #tpu.memory_space<semaphore_mem>>
      %dma_wait3A_185 = tpu.memref_squeeze %dma_wait3A_184 : memref<1x!tpu.dma_semaphore, #tpu.memory_space<semaphore_mem>> -> memref<!tpu.dma_semaphore, #tpu.memory_space<semaphore_mem>>
      tpu.wait_indirect_dma semaphore(%dma_wait3A_185 : memref<!tpu.dma_semaphore, #tpu.memory_space<semaphore_mem>>) src(%dma_wait3A_177 : memref<80x128xf32, #tpu.memory_space<vmem>>) dst(%dma_wait3A_183 : memref<10000x128xf32, #tpu.memory_space<vmem_shared>>)
      %add3A_186 = arith.constant 2 : i32
      %add3A_187 = arith.addi %mul3A_105, %add3A_186 : i32
      %lt3A = arith.constant 125 : i32
      %lt3A_188 = arith.cmpi slt, %add3A_187, %lt3A : i32
      %convert_element_type3A_189 = arith.extui %lt3A_188 : i1 to i32
      %cond3A_190 = arith.constant 0 : i32
      %cond3A_191 = arith.cmpi ne, %convert_element_type3A_189, %cond3A_190 : i32
      scf.if %cond3A_191 {
        %add3A_233 = arith.constant 2 : i32
        %add3A_234 = arith.addi %mul3A_105, %add3A_233 : i32
        %mul3A_235 = arith.constant 10000 : i32
        %mul3A_236 = arith.muli %add3A, %mul3A_235 : i32
        %add3A_237 = arith.constant 0 : i32
        %add3A_238 = arith.addi %add3A_237, %mul3A_236 : i32
        %mul3A_239 = arith.constant 80 : i32
        %mul3A_240 = arith.muli %add3A_234, %mul3A_239 : i32
        %add3A_241 = arith.addi %add3A_238, %mul3A_240 : i32
        %dma_start3A_242 = arith.constant 0 : i32
        %dma_start3A_243 = arith.constant 0 : i32
        %dma_start3A_244 = arith.constant 0 : i32
        %dma_start3A_245 = arith.constant 0 : i32
        %dma_start3A_246 = tpu.memref_slice %arg7[%dma_start3A_242, %dma_start3A_244, %dma_start3A_245] : memref<2x80x128xf32, #tpu.memory_space<vmem>> -> memref<1x80x128xf32, #tpu.memory_space<vmem>>
        %dma_start3A_247 = tpu.memref_squeeze %dma_start3A_246 : memref<1x80x128xf32, #tpu.memory_space<vmem>> -> memref<80x128xf32, #tpu.memory_space<vmem>>
        %dma_start3A_248 = arith.constant 0 : i32
        %dma_start3A_249 = tpu.memref_slice %arg2[%add3A_241, %dma_start3A_248] : memref<320000x128xf32, #tpu.memory_space<hbm>> -> memref<80x128xf32, #tpu.memory_space<hbm>>
        %dma_start3A_250 = tpu.memref_slice %arg9[%dma_start3A_243] : memref<2x!tpu.dma_semaphore, #tpu.memory_space<semaphore_mem>> -> memref<1x!tpu.dma_semaphore, #tpu.memory_space<semaphore_mem>>
        %dma_start3A_251 = tpu.memref_squeeze %dma_start3A_250 : memref<1x!tpu.dma_semaphore, #tpu.memory_space<semaphore_mem>> -> memref<!tpu.dma_semaphore, #tpu.memory_space<semaphore_mem>>
        %dma_start3A_252 = arith.constant 0 : i32
        %dma_start3A_253 = arith.constant 0 : i32
        %dma_start3A_254 = tpu.memref_slice %arg7[%dma_start3A_242, %dma_start3A_252, %dma_start3A_253] : memref<2x80x128xf32, #tpu.memory_space<vmem>> -> memref<1x80x128xf32, #tpu.memory_space<vmem>>
        %dma_start3A_255 = tpu.memref_squeeze %dma_start3A_254 : memref<1x80x128xf32, #tpu.memory_space<vmem>> -> memref<80x128xf32, #tpu.memory_space<vmem>>
        %dma_start3A_256 = arith.constant 0 : i32
        %dma_start3A_257 = tpu.memref_slice %arg2[%add3A_241, %dma_start3A_256] : memref<320000x128xf32, #tpu.memory_space<hbm>> -> memref<80x128xf32, #tpu.memory_space<hbm>>
        tpu.enqueue_dma source(%dma_start3A_257 : memref<80x128xf32, #tpu.memory_space<hbm>>) target(%dma_start3A_255 : memref<80x128xf32, #tpu.memory_space<vmem>>) target_semaphore(%dma_start3A_251 : memref<!tpu.dma_semaphore, #tpu.memory_space<semaphore_mem>>)
      } else {
      }
      %add3A_192 = arith.constant 1 : i32
      %add3A_193 = arith.addi %mul3A_105, %add3A_192 : i32
      %mul3A_194 = arith.constant 10000 : i32
      %mul3A_195 = arith.muli %add3A, %mul3A_194 : i32
      %add3A_196 = arith.constant 0 : i32
      %add3A_197 = arith.addi %add3A_196, %mul3A_195 : i32
      %mul3A_198 = arith.constant 80 : i32
      %mul3A_199 = arith.muli %add3A_193, %mul3A_198 : i32
      %add3A_200 = arith.addi %add3A_197, %mul3A_199 : i32
      %dma_wait3A_201 = arith.constant 1 : i32
      %dma_wait3A_202 = arith.constant 1 : i32
      %dma_wait3A_203 = arith.constant 0 : i32
      %dma_wait3A_204 = arith.constant 0 : i32
      %dma_wait3A_205 = tpu.memref_slice %arg7[%dma_wait3A_201, %dma_wait3A_203, %dma_wait3A_204] : memref<2x80x128xf32, #tpu.memory_space<vmem>> -> memref<1x80x128xf32, #tpu.memory_space<vmem>>
      %dma_wait3A_206 = tpu.memref_squeeze %dma_wait3A_205 : memref<1x80x128xf32, #tpu.memory_space<vmem>> -> memref<80x128xf32, #tpu.memory_space<vmem>>
      %dma_wait3A_207 = arith.constant 0 : i32
      %dma_wait3A_208 = tpu.memref_slice %arg2[%add3A_200, %dma_wait3A_207] : memref<320000x128xf32, #tpu.memory_space<hbm>> -> memref<80x128xf32, #tpu.memory_space<hbm>>
      %dma_wait3A_209 = tpu.memref_slice %arg9[%dma_wait3A_202] : memref<2x!tpu.dma_semaphore, #tpu.memory_space<semaphore_mem>> -> memref<1x!tpu.dma_semaphore, #tpu.memory_space<semaphore_mem>>
      %dma_wait3A_210 = tpu.memref_squeeze %dma_wait3A_209 : memref<1x!tpu.dma_semaphore, #tpu.memory_space<semaphore_mem>> -> memref<!tpu.dma_semaphore, #tpu.memory_space<semaphore_mem>>
      %dma_wait3A_211 = arith.constant 0 : i32
      %dma_wait3A_212 = arith.constant 0 : i32
      %dma_wait3A_213 = tpu.memref_slice %arg7[%dma_wait3A_201, %dma_wait3A_211, %dma_wait3A_212] : memref<2x80x128xf32, #tpu.memory_space<vmem>> -> memref<1x80x128xf32, #tpu.memory_space<vmem>>
      %dma_wait3A_214 = tpu.memref_squeeze %dma_wait3A_213 : memref<1x80x128xf32, #tpu.memory_space<vmem>> -> memref<80x128xf32, #tpu.memory_space<vmem>>
      %dma_wait3A_215 = arith.constant 0 : i32
      %dma_wait3A_216 = tpu.memref_slice %arg2[%add3A_200, %dma_wait3A_215] : memref<320000x128xf32, #tpu.memory_space<hbm>> -> memref<80x128xf32, #tpu.memory_space<hbm>>
      tpu.wait_dma2 semaphore(%dma_wait3A_210 : memref<!tpu.dma_semaphore, #tpu.memory_space<semaphore_mem>>) src(%dma_wait3A_216 : memref<80x128xf32, #tpu.memory_space<hbm>>) dst(%dma_wait3A_214 : memref<80x128xf32, #tpu.memory_space<vmem>>)
      %add3A_217 = arith.constant 1 : i32
      %add3A_218 = arith.addi %mul3A_105, %add3A_217 : i32
      %dma_start3A_219 = arith.constant 1 : i32
      %dma_start3A_220 = arith.constant 1 : i32
      %dma_start3A_221 = arith.constant 0 : i32
      %dma_start3A_222 = arith.constant 0 : i32
      %dma_start3A_223 = tpu.memref_slice %arg7[%dma_start3A_219, %dma_start3A_221, %dma_start3A_222] : memref<2x80x128xf32, #tpu.memory_space<vmem>> -> memref<1x80x128xf32, #tpu.memory_space<vmem>>
      %dma_start3A_224 = tpu.memref_squeeze %dma_start3A_223 : memref<1x80x128xf32, #tpu.memory_space<vmem>> -> memref<80x128xf32, #tpu.memory_space<vmem>>
      %dma_start3A_225 = arith.constant 0 : i32
      %dma_start3A_226 = tpu.memref_slice %arg6[%add3A_218, %dma_start3A_225] : memref<125x80xi32, #tpu.memory_space<vmem>> -> memref<1x80xi32, #tpu.memory_space<vmem>>
      %dma_start3A_227 = tpu.memref_squeeze %dma_start3A_226 : memref<1x80xi32, #tpu.memory_space<vmem>> -> memref<80xi32, #tpu.memory_space<vmem>>
      %dma_start3A_228 = arith.constant 0 : i32
      %dma_start3A_229 = arith.constant 0 : i32
      %dma_start3A_230 = tpu.memref_slice %arg8[%dma_start3A_228, %dma_start3A_229] : memref<10000x128xf32, #tpu.memory_space<vmem_shared>> -> memref<10000x128xf32, #tpu.memory_space<vmem_shared>>
      %dma_start3A_231 = tpu.memref_slice %arg10[%dma_start3A_220] : memref<2x!tpu.dma_semaphore, #tpu.memory_space<semaphore_mem>> -> memref<1x!tpu.dma_semaphore, #tpu.memory_space<semaphore_mem>>
      %dma_start3A_232 = tpu.memref_squeeze %dma_start3A_231 : memref<1x!tpu.dma_semaphore, #tpu.memory_space<semaphore_mem>> -> memref<!tpu.dma_semaphore, #tpu.memory_space<semaphore_mem>>
      tpu.enqueue_indirect_dma source(%dma_start3A_224 : memref<80x128xf32, #tpu.memory_space<vmem>>) target(%dma_start3A_230 : memref<10000x128xf32, #tpu.memory_space<vmem_shared>>) offsets(%dma_start3A_227 : memref<80xi32, #tpu.memory_space<vmem>>) semaphore(%dma_start3A_232 : memref<!tpu.dma_semaphore, #tpu.memory_space<semaphore_mem>>) {add = true}
    }
    %scan3A_30 = arith.constant 62 : i32
    %mul3A_31 = arith.constant 10000 : i32
    %mul3A_32 = arith.muli %add3A, %mul3A_31 : i32
    %add3A_33 = arith.constant 0 : i32
    %add3A_34 = arith.addi %add3A_33, %mul3A_32 : i32
    %add3A_35 = arith.constant 9920 : i32
    %add3A_36 = arith.addi %add3A_34, %add3A_35 : i32
    %dma_wait3A = arith.constant 0 : i32
    %dma_wait3A_37 = arith.constant 0 : i32
    %dma_wait3A_38 = arith.constant 0 : i32
    %dma_wait3A_39 = arith.constant 0 : i32
    %dma_wait3A_40 = tpu.memref_slice %arg7[%dma_wait3A, %dma_wait3A_38, %dma_wait3A_39] : memref<2x80x128xf32, #tpu.memory_space<vmem>> -> memref<1x80x128xf32, #tpu.memory_space<vmem>>
    %dma_wait3A_41 = tpu.memref_squeeze %dma_wait3A_40 : memref<1x80x128xf32, #tpu.memory_space<vmem>> -> memref<80x128xf32, #tpu.memory_space<vmem>>
    %dma_wait3A_42 = arith.constant 0 : i32
    %dma_wait3A_43 = tpu.memref_slice %arg2[%add3A_36, %dma_wait3A_42] : memref<320000x128xf32, #tpu.memory_space<hbm>> -> memref<80x128xf32, #tpu.memory_space<hbm>>
    %dma_wait3A_44 = tpu.memref_slice %arg9[%dma_wait3A_37] : memref<2x!tpu.dma_semaphore, #tpu.memory_space<semaphore_mem>> -> memref<1x!tpu.dma_semaphore, #tpu.memory_space<semaphore_mem>>
    %dma_wait3A_45 = tpu.memref_squeeze %dma_wait3A_44 : memref<1x!tpu.dma_semaphore, #tpu.memory_space<semaphore_mem>> -> memref<!tpu.dma_semaphore, #tpu.memory_space<semaphore_mem>>
    %dma_wait3A_46 = arith.constant 0 : i32
    %dma_wait3A_47 = arith.constant 0 : i32
    %dma_wait3A_48 = tpu.memref_slice %arg7[%dma_wait3A, %dma_wait3A_46, %dma_wait3A_47] : memref<2x80x128xf32, #tpu.memory_space<vmem>> -> memref<1x80x128xf32, #tpu.memory_space<vmem>>
    %dma_wait3A_49 = tpu.memref_squeeze %dma_wait3A_48 : memref<1x80x128xf32, #tpu.memory_space<vmem>> -> memref<80x128xf32, #tpu.memory_space<vmem>>
    %dma_wait3A_50 = arith.constant 0 : i32
    %dma_wait3A_51 = tpu.memref_slice %arg2[%add3A_36, %dma_wait3A_50] : memref<320000x128xf32, #tpu.memory_space<hbm>> -> memref<80x128xf32, #tpu.memory_space<hbm>>
    tpu.wait_dma2 semaphore(%dma_wait3A_45 : memref<!tpu.dma_semaphore, #tpu.memory_space<semaphore_mem>>) src(%dma_wait3A_51 : memref<80x128xf32, #tpu.memory_space<hbm>>) dst(%dma_wait3A_49 : memref<80x128xf32, #tpu.memory_space<vmem>>)
    %dma_start3A_52 = arith.constant 0 : i32
    %dma_start3A_53 = arith.constant 124 : i32
    %dma_start3A_54 = arith.constant 0 : i32
    %dma_start3A_55 = arith.constant 0 : i32
    %dma_start3A_56 = arith.constant 0 : i32
    %dma_start3A_57 = tpu.memref_slice %arg7[%dma_start3A_52, %dma_start3A_55, %dma_start3A_56] : memref<2x80x128xf32, #tpu.memory_space<vmem>> -> memref<1x80x128xf32, #tpu.memory_space<vmem>>
    %dma_start3A_58 = tpu.memref_squeeze %dma_start3A_57 : memref<1x80x128xf32, #tpu.memory_space<vmem>> -> memref<80x128xf32, #tpu.memory_space<vmem>>
    %dma_start3A_59 = arith.constant 0 : i32
    %dma_start3A_60 = tpu.memref_slice %arg6[%dma_start3A_53, %dma_start3A_59] : memref<125x80xi32, #tpu.memory_space<vmem>> -> memref<1x80xi32, #tpu.memory_space<vmem>>
    %dma_start3A_61 = tpu.memref_squeeze %dma_start3A_60 : memref<1x80xi32, #tpu.memory_space<vmem>> -> memref<80xi32, #tpu.memory_space<vmem>>
    %dma_start3A_62 = arith.constant 0 : i32
    %dma_start3A_63 = arith.constant 0 : i32
    %dma_start3A_64 = tpu.memref_slice %arg8[%dma_start3A_62, %dma_start3A_63] : memref<10000x128xf32, #tpu.memory_space<vmem_shared>> -> memref<10000x128xf32, #tpu.memory_space<vmem_shared>>
    %dma_start3A_65 = tpu.memref_slice %arg10[%dma_start3A_54] : memref<2x!tpu.dma_semaphore, #tpu.memory_space<semaphore_mem>> -> memref<1x!tpu.dma_semaphore, #tpu.memory_space<semaphore_mem>>
    %dma_start3A_66 = tpu.memref_squeeze %dma_start3A_65 : memref<1x!tpu.dma_semaphore, #tpu.memory_space<semaphore_mem>> -> memref<!tpu.dma_semaphore, #tpu.memory_space<semaphore_mem>>
    tpu.enqueue_indirect_dma source(%dma_start3A_58 : memref<80x128xf32, #tpu.memory_space<vmem>>) target(%dma_start3A_64 : memref<10000x128xf32, #tpu.memory_space<vmem_shared>>) offsets(%dma_start3A_61 : memref<80xi32, #tpu.memory_space<vmem>>) semaphore(%dma_start3A_66 : memref<!tpu.dma_semaphore, #tpu.memory_space<semaphore_mem>>) {add = true}
    %dma_wait3A_67 = arith.constant 1 : i32
    %dma_wait3A_68 = arith.constant 123 : i32
    %dma_wait3A_69 = arith.constant 1 : i32
    %dma_wait3A_70 = arith.constant 0 : i32
    %dma_wait3A_71 = arith.constant 0 : i32
    %dma_wait3A_72 = tpu.memref_slice %arg7[%dma_wait3A_67, %dma_wait3A_70, %dma_wait3A_71] : memref<2x80x128xf32, #tpu.memory_space<vmem>> -> memref<1x80x128xf32, #tpu.memory_space<vmem>>
    %dma_wait3A_73 = tpu.memref_squeeze %dma_wait3A_72 : memref<1x80x128xf32, #tpu.memory_space<vmem>> -> memref<80x128xf32, #tpu.memory_space<vmem>>
    %dma_wait3A_74 = arith.constant 0 : i32
    %dma_wait3A_75 = tpu.memref_slice %arg6[%dma_wait3A_68, %dma_wait3A_74] : memref<125x80xi32, #tpu.memory_space<vmem>> -> memref<1x80xi32, #tpu.memory_space<vmem>>
    %dma_wait3A_76 = tpu.memref_squeeze %dma_wait3A_75 : memref<1x80xi32, #tpu.memory_space<vmem>> -> memref<80xi32, #tpu.memory_space<vmem>>
    %dma_wait3A_77 = arith.constant 0 : i32
    %dma_wait3A_78 = arith.constant 0 : i32
    %dma_wait3A_79 = tpu.memref_slice %arg8[%dma_wait3A_77, %dma_wait3A_78] : memref<10000x128xf32, #tpu.memory_space<vmem_shared>> -> memref<10000x128xf32, #tpu.memory_space<vmem_shared>>
    %dma_wait3A_80 = tpu.memref_slice %arg10[%dma_wait3A_69] : memref<2x!tpu.dma_semaphore, #tpu.memory_space<semaphore_mem>> -> memref<1x!tpu.dma_semaphore, #tpu.memory_space<semaphore_mem>>
    %dma_wait3A_81 = tpu.memref_squeeze %dma_wait3A_80 : memref<1x!tpu.dma_semaphore, #tpu.memory_space<semaphore_mem>> -> memref<!tpu.dma_semaphore, #tpu.memory_space<semaphore_mem>>
    tpu.wait_indirect_dma semaphore(%dma_wait3A_81 : memref<!tpu.dma_semaphore, #tpu.memory_space<semaphore_mem>>) src(%dma_wait3A_73 : memref<80x128xf32, #tpu.memory_space<vmem>>) dst(%dma_wait3A_79 : memref<10000x128xf32, #tpu.memory_space<vmem_shared>>)
    %dma_wait3A_82 = arith.constant 0 : i32
    %dma_wait3A_83 = arith.constant 124 : i32
    %dma_wait3A_84 = arith.constant 0 : i32
    %dma_wait3A_85 = arith.constant 0 : i32
    %dma_wait3A_86 = arith.constant 0 : i32
    %dma_wait3A_87 = tpu.memref_slice %arg7[%dma_wait3A_82, %dma_wait3A_85, %dma_wait3A_86] : memref<2x80x128xf32, #tpu.memory_space<vmem>> -> memref<1x80x128xf32, #tpu.memory_space<vmem>>
    %dma_wait3A_88 = tpu.memref_squeeze %dma_wait3A_87 : memref<1x80x128xf32, #tpu.memory_space<vmem>> -> memref<80x128xf32, #tpu.memory_space<vmem>>
    %dma_wait3A_89 = arith.constant 0 : i32
    %dma_wait3A_90 = tpu.memref_slice %arg6[%dma_wait3A_83, %dma_wait3A_89] : memref<125x80xi32, #tpu.memory_space<vmem>> -> memref<1x80xi32, #tpu.memory_space<vmem>>
    %dma_wait3A_91 = tpu.memref_squeeze %dma_wait3A_90 : memref<1x80xi32, #tpu.memory_space<vmem>> -> memref<80xi32, #tpu.memory_space<vmem>>
    %dma_wait3A_92 = arith.constant 0 : i32
    %dma_wait3A_93 = arith.constant 0 : i32
    %dma_wait3A_94 = tpu.memref_slice %arg8[%dma_wait3A_92, %dma_wait3A_93] : memref<10000x128xf32, #tpu.memory_space<vmem_shared>> -> memref<10000x128xf32, #tpu.memory_space<vmem_shared>>
    %dma_wait3A_95 = tpu.memref_slice %arg10[%dma_wait3A_84] : memref<2x!tpu.dma_semaphore, #tpu.memory_space<semaphore_mem>> -> memref<1x!tpu.dma_semaphore, #tpu.memory_space<semaphore_mem>>
    %dma_wait3A_96 = tpu.memref_squeeze %dma_wait3A_95 : memref<1x!tpu.dma_semaphore, #tpu.memory_space<semaphore_mem>> -> memref<!tpu.dma_semaphore, #tpu.memory_space<semaphore_mem>>
    tpu.wait_indirect_dma semaphore(%dma_wait3A_96 : memref<!tpu.dma_semaphore, #tpu.memory_space<semaphore_mem>>) src(%dma_wait3A_88 : memref<80x128xf32, #tpu.memory_space<vmem>>) dst(%dma_wait3A_94 : memref<10000x128xf32, #tpu.memory_space<vmem_shared>>)
    %barrier3A_97 = arith.constant 0 : index
    tpu.barrier barrier_id(%barrier3A_97)
    "tpu.region"() ({
      %run_scoped3A = tpu.sem_alloc : memref<!tpu.dma_semaphore, #tpu.memory_space<semaphore_mem>>
      %dma_start3A_103 = arith.constant 0 : i32
      %dma_start3A_104 = tpu.memref_slice %arg5[%arg0, %mul3A_2, %dma_start3A_103] : memref<2x10000x128xf32, #tpu.memory_space<hbm>> -> memref<1x624x128xf32, #tpu.memory_space<hbm>>
      %dma_start3A_105 = tpu.memref_squeeze %dma_start3A_104 : memref<1x624x128xf32, #tpu.memory_space<hbm>> -> memref<624x128xf32, #tpu.memory_space<hbm>>
      %dma_start3A_106 = arith.constant 0 : i32
      %dma_start3A_107 = tpu.memref_slice %arg8[%mul3A_2, %dma_start3A_106] : memref<10000x128xf32, #tpu.memory_space<vmem_shared>> -> memref<624x128xf32, #tpu.memory_space<vmem_shared>>
      tpu.enqueue_dma source(%dma_start3A_107 : memref<624x128xf32, #tpu.memory_space<vmem_shared>>) target(%dma_start3A_105 : memref<624x128xf32, #tpu.memory_space<hbm>>) target_semaphore(%run_scoped3A : memref<!tpu.dma_semaphore, #tpu.memory_space<semaphore_mem>>)
      %dma_wait3A_108 = arith.constant 0 : i32
      %dma_wait3A_109 = tpu.memref_slice %arg5[%arg0, %mul3A_2, %dma_wait3A_108] : memref<2x10000x128xf32, #tpu.memory_space<hbm>> -> memref<1x624x128xf32, #tpu.memory_space<hbm>>
      %dma_wait3A_110 = tpu.memref_squeeze %dma_wait3A_109 : memref<1x624x128xf32, #tpu.memory_space<hbm>> -> memref<624x128xf32, #tpu.memory_space<hbm>>
      %dma_wait3A_111 = arith.constant 0 : i32
      %dma_wait3A_112 = tpu.memref_slice %arg8[%mul3A_2, %dma_wait3A_111] : memref<10000x128xf32, #tpu.memory_space<vmem_shared>> -> memref<624x128xf32, #tpu.memory_space<vmem_shared>>
      tpu.wait_dma2 semaphore(%run_scoped3A : memref<!tpu.dma_semaphore, #tpu.memory_space<semaphore_mem>>) src(%dma_wait3A_112 : memref<624x128xf32, #tpu.memory_space<vmem_shared>>) dst(%dma_wait3A_110 : memref<624x128xf32, #tpu.memory_space<hbm>>)
      tpu.yield
    }) : () -> ()
    %eq3A_98 = arith.constant 15 : i32
    %eq3A_99 = arith.cmpi eq, %arg1, %eq3A_98 : i32
    %convert_element_type3A_100 = arith.extui %eq3A_99 : i1 to i32
    %cond3A_101 = arith.constant 0 : i32
    %cond3A_102 = arith.cmpi ne, %convert_element_type3A_100, %cond3A_101 : i32
    scf.if %cond3A_102 {
      "tpu.region"() ({
        %run_scoped3A = tpu.sem_alloc : memref<!tpu.dma_semaphore, #tpu.memory_space<semaphore_mem>>
        %dma_start3A_103 = arith.constant 9984 : i32
        %dma_start3A_104 = arith.constant 0 : i32
        %dma_start3A_105 = tpu.memref_slice %arg5[%arg0, %dma_start3A_103, %dma_start3A_104] : memref<2x10000x128xf32, #tpu.memory_space<hbm>> -> memref<1x16x128xf32, #tpu.memory_space<hbm>>
        %dma_start3A_106 = tpu.memref_squeeze %dma_start3A_105 : memref<1x16x128xf32, #tpu.memory_space<hbm>> -> memref<16x128xf32, #tpu.memory_space<hbm>>
        %dma_start3A_107 = arith.constant 9984 : i32
        %dma_start3A_108 = arith.constant 0 : i32
        %dma_start3A_109 = tpu.memref_slice %arg8[%dma_start3A_107, %dma_start3A_108] : memref<10000x128xf32, #tpu.memory_space<vmem_shared>> -> memref<16x128xf32, #tpu.memory_space<vmem_shared>>
        tpu.enqueue_dma source(%dma_start3A_109 : memref<16x128xf32, #tpu.memory_space<vmem_shared>>) target(%dma_start3A_106 : memref<16x128xf32, #tpu.memory_space<hbm>>) target_semaphore(%run_scoped3A : memref<!tpu.dma_semaphore, #tpu.memory_space<semaphore_mem>>)
        %dma_wait3A_110 = arith.constant 9984 : i32
        %dma_wait3A_111 = arith.constant 0 : i32
        %dma_wait3A_112 = tpu.memref_slice %arg5[%arg0, %dma_wait3A_110, %dma_wait3A_111] : memref<2x10000x128xf32, #tpu.memory_space<hbm>> -> memref<1x16x128xf32, #tpu.memory_space<hbm>>
        %dma_wait3A_113 = tpu.memref_squeeze %dma_wait3A_112 : memref<1x16x128xf32, #tpu.memory_space<hbm>> -> memref<16x128xf32, #tpu.memory_space<hbm>>
        %dma_wait3A_114 = arith.constant 9984 : i32
        %dma_wait3A_115 = arith.constant 0 : i32
        %dma_wait3A_116 = tpu.memref_slice %arg8[%dma_wait3A_114, %dma_wait3A_115] : memref<10000x128xf32, #tpu.memory_space<vmem_shared>> -> memref<16x128xf32, #tpu.memory_space<vmem_shared>>
        tpu.wait_dma2 semaphore(%run_scoped3A : memref<!tpu.dma_semaphore, #tpu.memory_space<semaphore_mem>>) src(%dma_wait3A_116 : memref<16x128xf32, #tpu.memory_space<vmem_shared>>) dst(%dma_wait3A_113 : memref<16x128xf32, #tpu.memory_space<hbm>>)
        tpu.yield
      }) : () -> ()
    } else {
    }
    return
  }
}

#map = affine_map<(d0, d1) -> (0, 0)>
#map1 = affine_map<(d0, d1) -> (0, 0, 0)>
module attributes {stable_mosaic.version = 14 : i64} {
  func.func @gather_k(%arg0: i32, %arg1: i32, %arg2: memref<10000x128xf32, #tpu.memory_space<hbm>>, %arg3: memref<10000x128xf32, #tpu.memory_space<hbm>>, %arg4: memref<32x125x80xi32, #tpu.memory_space<hbm>>, %arg5: memref<32x125x80xi32, #tpu.memory_space<hbm>>, %arg6: memref<320000x128xf32, #tpu.memory_space<hbm>>, %arg7: memref<125x80xi32, #tpu.memory_space<vmem>>, %arg8: memref<125x80xi32, #tpu.memory_space<vmem>>, %arg9: memref<2x80x128xf32, #tpu.memory_space<vmem>>, %arg10: memref<2x80x128xf32, #tpu.memory_space<vmem>>, %arg11: memref<2x!tpu.dma_semaphore, #tpu.memory_space<semaphore_mem>>, %arg12: memref<2x!tpu.dma_semaphore, #tpu.memory_space<semaphore_mem>>, %arg13: memref<2x!tpu.dma_semaphore, #tpu.memory_space<semaphore_mem>>) attributes {dimension_semantics = [#tpu.dimension_semantics<core_parallel>, #tpu.dimension_semantics<subcore_parallel>], iteration_bounds = array<i64: 2, 16>, scalar_prefetch = 0 : i64, scratch_operands = 7 : i64, tpu.core_type = #tpu.core_type<sc_vector_subcore>, window_params = [{transform_indices = #map}, {transform_indices = #map}, {transform_indices = #map1}, {transform_indices = #map1}, {transform_indices = #map}]} {
    %mul3A = arith.constant 2 : i32
    %mul3A_0 = arith.muli %arg1, %mul3A : i32
    %add3A = arith.addi %mul3A_0, %arg0 : i32
    "tpu.region"() ({
      %run_scoped3A = tpu.sem_alloc : memref<!tpu.dma_semaphore, #tpu.memory_space<semaphore_mem>>
      %dma_start3A_130 = arith.constant 0 : i32
      %dma_start3A_131 = arith.constant 0 : i32
      %dma_start3A_132 = tpu.memref_slice %arg4[%add3A, %dma_start3A_130, %dma_start3A_131] : memref<32x125x80xi32, #tpu.memory_space<hbm>> -> memref<1x125x80xi32, #tpu.memory_space<hbm>>
      %dma_start3A_133 = tpu.memref_squeeze %dma_start3A_132 : memref<1x125x80xi32, #tpu.memory_space<hbm>> -> memref<125x80xi32, #tpu.memory_space<hbm>>
      %dma_start3A_134 = arith.constant 0 : i32
      %dma_start3A_135 = arith.constant 0 : i32
      %dma_start3A_136 = tpu.memref_slice %arg4[%add3A, %dma_start3A_134, %dma_start3A_135] : memref<32x125x80xi32, #tpu.memory_space<hbm>> -> memref<1x125x80xi32, #tpu.memory_space<hbm>>
      %dma_start3A_137 = tpu.memref_squeeze %dma_start3A_136 : memref<1x125x80xi32, #tpu.memory_space<hbm>> -> memref<125x80xi32, #tpu.memory_space<hbm>>
      tpu.enqueue_dma source(%dma_start3A_137 : memref<125x80xi32, #tpu.memory_space<hbm>>) target(%arg7 : memref<125x80xi32, #tpu.memory_space<vmem>>) target_semaphore(%run_scoped3A : memref<!tpu.dma_semaphore, #tpu.memory_space<semaphore_mem>>)
      %dma_wait3A_138 = arith.constant 0 : i32
      %dma_wait3A_139 = arith.constant 0 : i32
      %dma_wait3A_140 = tpu.memref_slice %arg4[%add3A, %dma_wait3A_138, %dma_wait3A_139] : memref<32x125x80xi32, #tpu.memory_space<hbm>> -> memref<1x125x80xi32, #tpu.memory_space<hbm>>
      %dma_wait3A_141 = tpu.memref_squeeze %dma_wait3A_140 : memref<1x125x80xi32, #tpu.memory_space<hbm>> -> memref<125x80xi32, #tpu.memory_space<hbm>>
      %dma_wait3A_142 = arith.constant 0 : i32
      %dma_wait3A_143 = arith.constant 0 : i32
      %dma_wait3A_144 = tpu.memref_slice %arg4[%add3A, %dma_wait3A_142, %dma_wait3A_143] : memref<32x125x80xi32, #tpu.memory_space<hbm>> -> memref<1x125x80xi32, #tpu.memory_space<hbm>>
      %dma_wait3A_145 = tpu.memref_squeeze %dma_wait3A_144 : memref<1x125x80xi32, #tpu.memory_space<hbm>> -> memref<125x80xi32, #tpu.memory_space<hbm>>
      tpu.wait_dma2 semaphore(%run_scoped3A : memref<!tpu.dma_semaphore, #tpu.memory_space<semaphore_mem>>) src(%dma_wait3A_145 : memref<125x80xi32, #tpu.memory_space<hbm>>) dst(%arg7 : memref<125x80xi32, #tpu.memory_space<vmem>>)
      tpu.yield
    }) : () -> ()
    "tpu.region"() ({
      %run_scoped3A = tpu.sem_alloc : memref<!tpu.dma_semaphore, #tpu.memory_space<semaphore_mem>>
      %dma_start3A_130 = arith.constant 0 : i32
      %dma_start3A_131 = arith.constant 0 : i32
      %dma_start3A_132 = tpu.memref_slice %arg5[%add3A, %dma_start3A_130, %dma_start3A_131] : memref<32x125x80xi32, #tpu.memory_space<hbm>> -> memref<1x125x80xi32, #tpu.memory_space<hbm>>
      %dma_start3A_133 = tpu.memref_squeeze %dma_start3A_132 : memref<1x125x80xi32, #tpu.memory_space<hbm>> -> memref<125x80xi32, #tpu.memory_space<hbm>>
      %dma_start3A_134 = arith.constant 0 : i32
      %dma_start3A_135 = arith.constant 0 : i32
      %dma_start3A_136 = tpu.memref_slice %arg5[%add3A, %dma_start3A_134, %dma_start3A_135] : memref<32x125x80xi32, #tpu.memory_space<hbm>> -> memref<1x125x80xi32, #tpu.memory_space<hbm>>
      %dma_start3A_137 = tpu.memref_squeeze %dma_start3A_136 : memref<1x125x80xi32, #tpu.memory_space<hbm>> -> memref<125x80xi32, #tpu.memory_space<hbm>>
      tpu.enqueue_dma source(%dma_start3A_137 : memref<125x80xi32, #tpu.memory_space<hbm>>) target(%arg8 : memref<125x80xi32, #tpu.memory_space<vmem>>) target_semaphore(%run_scoped3A : memref<!tpu.dma_semaphore, #tpu.memory_space<semaphore_mem>>)
      %dma_wait3A_138 = arith.constant 0 : i32
      %dma_wait3A_139 = arith.constant 0 : i32
      %dma_wait3A_140 = tpu.memref_slice %arg5[%add3A, %dma_wait3A_138, %dma_wait3A_139] : memref<32x125x80xi32, #tpu.memory_space<hbm>> -> memref<1x125x80xi32, #tpu.memory_space<hbm>>
      %dma_wait3A_141 = tpu.memref_squeeze %dma_wait3A_140 : memref<1x125x80xi32, #tpu.memory_space<hbm>> -> memref<125x80xi32, #tpu.memory_space<hbm>>
      %dma_wait3A_142 = arith.constant 0 : i32
      %dma_wait3A_143 = arith.constant 0 : i32
      %dma_wait3A_144 = tpu.memref_slice %arg5[%add3A, %dma_wait3A_142, %dma_wait3A_143] : memref<32x125x80xi32, #tpu.memory_space<hbm>> -> memref<1x125x80xi32, #tpu.memory_space<hbm>>
      %dma_wait3A_145 = tpu.memref_squeeze %dma_wait3A_144 : memref<1x125x80xi32, #tpu.memory_space<hbm>> -> memref<125x80xi32, #tpu.memory_space<hbm>>
      tpu.wait_dma2 semaphore(%run_scoped3A : memref<!tpu.dma_semaphore, #tpu.memory_space<semaphore_mem>>) src(%dma_wait3A_145 : memref<125x80xi32, #tpu.memory_space<hbm>>) dst(%arg8 : memref<125x80xi32, #tpu.memory_space<vmem>>)
      tpu.yield
    }) : () -> ()
    %dma_start3A = arith.constant 0 : i32
    %dma_start3A_1 = arith.constant 0 : i32
    %dma_start3A_2 = arith.constant 0 : i32
    %dma_start3A_3 = arith.constant 0 : i32
    %dma_start3A_4 = arith.constant 0 : i32
    %dma_start3A_5 = tpu.memref_slice %arg9[%dma_start3A_1, %dma_start3A_3, %dma_start3A_4] : memref<2x80x128xf32, #tpu.memory_space<vmem>> -> memref<1x80x128xf32, #tpu.memory_space<vmem>>
    %dma_start3A_6 = tpu.memref_squeeze %dma_start3A_5 : memref<1x80x128xf32, #tpu.memory_space<vmem>> -> memref<80x128xf32, #tpu.memory_space<vmem>>
    %dma_start3A_7 = arith.constant 0 : i32
    %dma_start3A_8 = tpu.memref_slice %arg7[%dma_start3A, %dma_start3A_7] : memref<125x80xi32, #tpu.memory_space<vmem>> -> memref<1x80xi32, #tpu.memory_space<vmem>>
    %dma_start3A_9 = tpu.memref_squeeze %dma_start3A_8 : memref<1x80xi32, #tpu.memory_space<vmem>> -> memref<80xi32, #tpu.memory_space<vmem>>
    %dma_start3A_10 = arith.constant 0 : i32
    %dma_start3A_11 = arith.constant 0 : i32
    %dma_start3A_12 = tpu.memref_slice %arg2[%dma_start3A_10, %dma_start3A_11] : memref<10000x128xf32, #tpu.memory_space<hbm>> -> memref<10000x128xf32, #tpu.memory_space<hbm>>
    %dma_start3A_13 = tpu.memref_slice %arg11[%dma_start3A_2] : memref<2x!tpu.dma_semaphore, #tpu.memory_space<semaphore_mem>> -> memref<1x!tpu.dma_semaphore, #tpu.memory_space<semaphore_mem>>
    %dma_start3A_14 = tpu.memref_squeeze %dma_start3A_13 : memref<1x!tpu.dma_semaphore, #tpu.memory_space<semaphore_mem>> -> memref<!tpu.dma_semaphore, #tpu.memory_space<semaphore_mem>>
    tpu.enqueue_indirect_dma source(%dma_start3A_12 : memref<10000x128xf32, #tpu.memory_space<hbm>>) target(%dma_start3A_6 : memref<80x128xf32, #tpu.memory_space<vmem>>) offsets(%dma_start3A_9 : memref<80xi32, #tpu.memory_space<vmem>>) semaphore(%dma_start3A_14 : memref<!tpu.dma_semaphore, #tpu.memory_space<semaphore_mem>>)
    %dma_start3A_15 = arith.constant 0 : i32
    %dma_start3A_16 = arith.constant 0 : i32
    %dma_start3A_17 = arith.constant 0 : i32
    %dma_start3A_18 = arith.constant 0 : i32
    %dma_start3A_19 = arith.constant 0 : i32
    %dma_start3A_20 = tpu.memref_slice %arg10[%dma_start3A_16, %dma_start3A_18, %dma_start3A_19] : memref<2x80x128xf32, #tpu.memory_space<vmem>> -> memref<1x80x128xf32, #tpu.memory_space<vmem>>
    %dma_start3A_21 = tpu.memref_squeeze %dma_start3A_20 : memref<1x80x128xf32, #tpu.memory_space<vmem>> -> memref<80x128xf32, #tpu.memory_space<vmem>>
    %dma_start3A_22 = arith.constant 0 : i32
    %dma_start3A_23 = tpu.memref_slice %arg8[%dma_start3A_15, %dma_start3A_22] : memref<125x80xi32, #tpu.memory_space<vmem>> -> memref<1x80xi32, #tpu.memory_space<vmem>>
    %dma_start3A_24 = tpu.memref_squeeze %dma_start3A_23 : memref<1x80xi32, #tpu.memory_space<vmem>> -> memref<80xi32, #tpu.memory_space<vmem>>
    %dma_start3A_25 = arith.constant 0 : i32
    %dma_start3A_26 = arith.constant 0 : i32
    %dma_start3A_27 = tpu.memref_slice %arg3[%dma_start3A_25, %dma_start3A_26] : memref<10000x128xf32, #tpu.memory_space<hbm>> -> memref<10000x128xf32, #tpu.memory_space<hbm>>
    %dma_start3A_28 = tpu.memref_slice %arg12[%dma_start3A_17] : memref<2x!tpu.dma_semaphore, #tpu.memory_space<semaphore_mem>> -> memref<1x!tpu.dma_semaphore, #tpu.memory_space<semaphore_mem>>
    %dma_start3A_29 = tpu.memref_squeeze %dma_start3A_28 : memref<1x!tpu.dma_semaphore, #tpu.memory_space<semaphore_mem>> -> memref<!tpu.dma_semaphore, #tpu.memory_space<semaphore_mem>>
    tpu.enqueue_indirect_dma source(%dma_start3A_27 : memref<10000x128xf32, #tpu.memory_space<hbm>>) target(%dma_start3A_21 : memref<80x128xf32, #tpu.memory_space<vmem>>) offsets(%dma_start3A_24 : memref<80xi32, #tpu.memory_space<vmem>>) semaphore(%dma_start3A_29 : memref<!tpu.dma_semaphore, #tpu.memory_space<semaphore_mem>>)
    %scan3A = arith.constant 0 : i32
    %scan3A_30 = arith.constant 0 : i32
    %scan3A_31 = arith.constant 62 : i32
    %scan3A_32 = arith.addi %scan3A_30, %scan3A_31 : i32
    %scan3A_33 = arith.constant 1 : i32
    scf.for %scan3A_130 = %scan3A_30 to %scan3A_32 step %scan3A_33  : i32 {
      %mul3A_131 = arith.constant 2 : i32
      %mul3A_132 = arith.muli %mul3A_131, %scan3A_130 : i32
      %gt3A = arith.constant 0 : i32
      %gt3A_133 = arith.cmpi sgt, %scan3A_130, %gt3A : i32
      %convert_element_type3A = arith.extui %gt3A_133 : i1 to i32
      %cond3A = arith.constant 0 : i32
      %cond3A_134 = arith.cmpi ne, %convert_element_type3A, %cond3A : i32
      scf.if %cond3A_134 {
        %sub3A = arith.constant 1 : i32
        %sub3A_306 = arith.subi %mul3A_132, %sub3A : i32
        %mul3A_307 = arith.constant 10000 : i32
        %mul3A_308 = arith.muli %add3A, %mul3A_307 : i32
        %mul3A_309 = arith.constant 80 : i32
        %mul3A_310 = arith.muli %sub3A_306, %mul3A_309 : i32
        %add3A_311 = arith.addi %mul3A_308, %mul3A_310 : i32
        %dma_wait3A_312 = arith.constant 1 : i32
        %dma_wait3A_313 = arith.constant 1 : i32
        %dma_wait3A_314 = arith.constant 0 : i32
        %dma_wait3A_315 = arith.constant 0 : i32
        %dma_wait3A_316 = tpu.memref_slice %arg9[%dma_wait3A_312, %dma_wait3A_314, %dma_wait3A_315] : memref<2x80x128xf32, #tpu.memory_space<vmem>> -> memref<1x80x128xf32, #tpu.memory_space<vmem>>
        %dma_wait3A_317 = tpu.memref_squeeze %dma_wait3A_316 : memref<1x80x128xf32, #tpu.memory_space<vmem>> -> memref<80x128xf32, #tpu.memory_space<vmem>>
        %dma_wait3A_318 = arith.constant 0 : i32
        %dma_wait3A_319 = tpu.memref_slice %arg6[%add3A_311, %dma_wait3A_318] : memref<320000x128xf32, #tpu.memory_space<hbm>> -> memref<80x128xf32, #tpu.memory_space<hbm>>
        %dma_wait3A_320 = tpu.memref_slice %arg13[%dma_wait3A_313] : memref<2x!tpu.dma_semaphore, #tpu.memory_space<semaphore_mem>> -> memref<1x!tpu.dma_semaphore, #tpu.memory_space<semaphore_mem>>
        %dma_wait3A_321 = tpu.memref_squeeze %dma_wait3A_320 : memref<1x!tpu.dma_semaphore, #tpu.memory_space<semaphore_mem>> -> memref<!tpu.dma_semaphore, #tpu.memory_space<semaphore_mem>>
        %dma_wait3A_322 = arith.constant 0 : i32
        %dma_wait3A_323 = tpu.memref_slice %arg6[%add3A_311, %dma_wait3A_322] : memref<320000x128xf32, #tpu.memory_space<hbm>> -> memref<80x128xf32, #tpu.memory_space<hbm>>
        %dma_wait3A_324 = arith.constant 0 : i32
        %dma_wait3A_325 = arith.constant 0 : i32
        %dma_wait3A_326 = tpu.memref_slice %arg9[%dma_wait3A_312, %dma_wait3A_324, %dma_wait3A_325] : memref<2x80x128xf32, #tpu.memory_space<vmem>> -> memref<1x80x128xf32, #tpu.memory_space<vmem>>
        %dma_wait3A_327 = tpu.memref_squeeze %dma_wait3A_326 : memref<1x80x128xf32, #tpu.memory_space<vmem>> -> memref<80x128xf32, #tpu.memory_space<vmem>>
        tpu.wait_dma2 semaphore(%dma_wait3A_321 : memref<!tpu.dma_semaphore, #tpu.memory_space<semaphore_mem>>) src(%dma_wait3A_327 : memref<80x128xf32, #tpu.memory_space<vmem>>) dst(%dma_wait3A_323 : memref<80x128xf32, #tpu.memory_space<hbm>>)
      } else {
      }
      %add3A_135 = arith.constant 1 : i32
      %add3A_136 = arith.addi %mul3A_132, %add3A_135 : i32
      %dma_start3A_137 = arith.constant 1 : i32
      %dma_start3A_138 = arith.constant 1 : i32
      %dma_start3A_139 = arith.constant 0 : i32
      %dma_start3A_140 = arith.constant 0 : i32
      %dma_start3A_141 = tpu.memref_slice %arg9[%dma_start3A_137, %dma_start3A_139, %dma_start3A_140] : memref<2x80x128xf32, #tpu.memory_space<vmem>> -> memref<1x80x128xf32, #tpu.memory_space<vmem>>
      %dma_start3A_142 = tpu.memref_squeeze %dma_start3A_141 : memref<1x80x128xf32, #tpu.memory_space<vmem>> -> memref<80x128xf32, #tpu.memory_space<vmem>>
      %dma_start3A_143 = arith.constant 0 : i32
      %dma_start3A_144 = tpu.memref_slice %arg7[%add3A_136, %dma_start3A_143] : memref<125x80xi32, #tpu.memory_space<vmem>> -> memref<1x80xi32, #tpu.memory_space<vmem>>
      %dma_start3A_145 = tpu.memref_squeeze %dma_start3A_144 : memref<1x80xi32, #tpu.memory_space<vmem>> -> memref<80xi32, #tpu.memory_space<vmem>>
      %dma_start3A_146 = arith.constant 0 : i32
      %dma_start3A_147 = arith.constant 0 : i32
      %dma_start3A_148 = tpu.memref_slice %arg2[%dma_start3A_146, %dma_start3A_147] : memref<10000x128xf32, #tpu.memory_space<hbm>> -> memref<10000x128xf32, #tpu.memory_space<hbm>>
      %dma_start3A_149 = tpu.memref_slice %arg11[%dma_start3A_138] : memref<2x!tpu.dma_semaphore, #tpu.memory_space<semaphore_mem>> -> memref<1x!tpu.dma_semaphore, #tpu.memory_space<semaphore_mem>>
      %dma_start3A_150 = tpu.memref_squeeze %dma_start3A_149 : memref<1x!tpu.dma_semaphore, #tpu.memory_space<semaphore_mem>> -> memref<!tpu.dma_semaphore, #tpu.memory_space<semaphore_mem>>
      tpu.enqueue_indirect_dma source(%dma_start3A_148 : memref<10000x128xf32, #tpu.memory_space<hbm>>) target(%dma_start3A_142 : memref<80x128xf32, #tpu.memory_space<vmem>>) offsets(%dma_start3A_145 : memref<80xi32, #tpu.memory_space<vmem>>) semaphore(%dma_start3A_150 : memref<!tpu.dma_semaphore, #tpu.memory_space<semaphore_mem>>)
      %dma_start3A_151 = arith.constant 1 : i32
      %dma_start3A_152 = arith.constant 1 : i32
      %dma_start3A_153 = arith.constant 0 : i32
      %dma_start3A_154 = arith.constant 0 : i32
      %dma_start3A_155 = tpu.memref_slice %arg10[%dma_start3A_151, %dma_start3A_153, %dma_start3A_154] : memref<2x80x128xf32, #tpu.memory_space<vmem>> -> memref<1x80x128xf32, #tpu.memory_space<vmem>>
      %dma_start3A_156 = tpu.memref_squeeze %dma_start3A_155 : memref<1x80x128xf32, #tpu.memory_space<vmem>> -> memref<80x128xf32, #tpu.memory_space<vmem>>
      %dma_start3A_157 = arith.constant 0 : i32
      %dma_start3A_158 = tpu.memref_slice %arg8[%add3A_136, %dma_start3A_157] : memref<125x80xi32, #tpu.memory_space<vmem>> -> memref<1x80xi32, #tpu.memory_space<vmem>>
      %dma_start3A_159 = tpu.memref_squeeze %dma_start3A_158 : memref<1x80xi32, #tpu.memory_space<vmem>> -> memref<80xi32, #tpu.memory_space<vmem>>
      %dma_start3A_160 = arith.constant 0 : i32
      %dma_start3A_161 = arith.constant 0 : i32
      %dma_start3A_162 = tpu.memref_slice %arg3[%dma_start3A_160, %dma_start3A_161] : memref<10000x128xf32, #tpu.memory_space<hbm>> -> memref<10000x128xf32, #tpu.memory_space<hbm>>
      %dma_start3A_163 = tpu.memref_slice %arg12[%dma_start3A_152] : memref<2x!tpu.dma_semaphore, #tpu.memory_space<semaphore_mem>> -> memref<1x!tpu.dma_semaphore, #tpu.memory_space<semaphore_mem>>
      %dma_start3A_164 = tpu.memref_squeeze %dma_start3A_163 : memref<1x!tpu.dma_semaphore, #tpu.memory_space<semaphore_mem>> -> memref<!tpu.dma_semaphore, #tpu.memory_space<semaphore_mem>>
      tpu.enqueue_indirect_dma source(%dma_start3A_162 : memref<10000x128xf32, #tpu.memory_space<hbm>>) target(%dma_start3A_156 : memref<80x128xf32, #tpu.memory_space<vmem>>) offsets(%dma_start3A_159 : memref<80xi32, #tpu.memory_space<vmem>>) semaphore(%dma_start3A_164 : memref<!tpu.dma_semaphore, #tpu.memory_space<semaphore_mem>>)
      %dma_wait3A_165 = arith.constant 0 : i32
      %dma_wait3A_166 = arith.constant 0 : i32
      %dma_wait3A_167 = arith.constant 0 : i32
      %dma_wait3A_168 = arith.constant 0 : i32
      %dma_wait3A_169 = tpu.memref_slice %arg9[%dma_wait3A_165, %dma_wait3A_167, %dma_wait3A_168] : memref<2x80x128xf32, #tpu.memory_space<vmem>> -> memref<1x80x128xf32, #tpu.memory_space<vmem>>
      %dma_wait3A_170 = tpu.memref_squeeze %dma_wait3A_169 : memref<1x80x128xf32, #tpu.memory_space<vmem>> -> memref<80x128xf32, #tpu.memory_space<vmem>>
      %dma_wait3A_171 = arith.constant 0 : i32
      %dma_wait3A_172 = tpu.memref_slice %arg7[%mul3A_132, %dma_wait3A_171] : memref<125x80xi32, #tpu.memory_space<vmem>> -> memref<1x80xi32, #tpu.memory_space<vmem>>
      %dma_wait3A_173 = tpu.memref_squeeze %dma_wait3A_172 : memref<1x80xi32, #tpu.memory_space<vmem>> -> memref<80xi32, #tpu.memory_space<vmem>>
      %dma_wait3A_174 = arith.constant 0 : i32
      %dma_wait3A_175 = arith.constant 0 : i32
      %dma_wait3A_176 = tpu.memref_slice %arg2[%dma_wait3A_174, %dma_wait3A_175] : memref<10000x128xf32, #tpu.memory_space<hbm>> -> memref<10000x128xf32, #tpu.memory_space<hbm>>
      %dma_wait3A_177 = tpu.memref_slice %arg11[%dma_wait3A_166] : memref<2x!tpu.dma_semaphore, #tpu.memory_space<semaphore_mem>> -> memref<1x!tpu.dma_semaphore, #tpu.memory_space<semaphore_mem>>
      %dma_wait3A_178 = tpu.memref_squeeze %dma_wait3A_177 : memref<1x!tpu.dma_semaphore, #tpu.memory_space<semaphore_mem>> -> memref<!tpu.dma_semaphore, #tpu.memory_space<semaphore_mem>>
      tpu.wait_indirect_dma semaphore(%dma_wait3A_178 : memref<!tpu.dma_semaphore, #tpu.memory_space<semaphore_mem>>) src(%dma_wait3A_176 : memref<10000x128xf32, #tpu.memory_space<hbm>>) dst(%dma_wait3A_170 : memref<80x128xf32, #tpu.memory_space<vmem>>)
      %dma_wait3A_179 = arith.constant 0 : i32
      %dma_wait3A_180 = arith.constant 0 : i32
      %dma_wait3A_181 = arith.constant 0 : i32
      %dma_wait3A_182 = arith.constant 0 : i32
      %dma_wait3A_183 = tpu.memref_slice %arg10[%dma_wait3A_179, %dma_wait3A_181, %dma_wait3A_182] : memref<2x80x128xf32, #tpu.memory_space<vmem>> -> memref<1x80x128xf32, #tpu.memory_space<vmem>>
      %dma_wait3A_184 = tpu.memref_squeeze %dma_wait3A_183 : memref<1x80x128xf32, #tpu.memory_space<vmem>> -> memref<80x128xf32, #tpu.memory_space<vmem>>
      %dma_wait3A_185 = arith.constant 0 : i32
      %dma_wait3A_186 = tpu.memref_slice %arg8[%mul3A_132, %dma_wait3A_185] : memref<125x80xi32, #tpu.memory_space<vmem>> -> memref<1x80xi32, #tpu.memory_space<vmem>>
      %dma_wait3A_187 = tpu.memref_squeeze %dma_wait3A_186 : memref<1x80xi32, #tpu.memory_space<vmem>> -> memref<80xi32, #tpu.memory_space<vmem>>
      %dma_wait3A_188 = arith.constant 0 : i32
      %dma_wait3A_189 = arith.constant 0 : i32
      %dma_wait3A_190 = tpu.memref_slice %arg3[%dma_wait3A_188, %dma_wait3A_189] : memref<10000x128xf32, #tpu.memory_space<hbm>> -> memref<10000x128xf32, #tpu.memory_space<hbm>>
      %dma_wait3A_191 = tpu.memref_slice %arg12[%dma_wait3A_180] : memref<2x!tpu.dma_semaphore, #tpu.memory_space<semaphore_mem>> -> memref<1x!tpu.dma_semaphore, #tpu.memory_space<semaphore_mem>>
      %dma_wait3A_192 = tpu.memref_squeeze %dma_wait3A_191 : memref<1x!tpu.dma_semaphore, #tpu.memory_space<semaphore_mem>> -> memref<!tpu.dma_semaphore, #tpu.memory_space<semaphore_mem>>
      tpu.wait_indirect_dma semaphore(%dma_wait3A_192 : memref<!tpu.dma_semaphore, #tpu.memory_space<semaphore_mem>>) src(%dma_wait3A_190 : memref<10000x128xf32, #tpu.memory_space<hbm>>) dst(%dma_wait3A_184 : memref<80x128xf32, #tpu.memory_space<vmem>>)
      %scan3A_193 = arith.constant 0 : i32
      %scan3A_194 = arith.constant 0 : i32
      %scan3A_195 = arith.constant 80 : i32
      %scan3A_196 = arith.addi %scan3A_194, %scan3A_195 : i32
      %scan3A_197 = arith.constant 1 : i32
      scf.for %scan3A_306 = %scan3A_194 to %scan3A_196 step %scan3A_197  : i32 {
        %get3A = arith.constant 0 : i32
        %get3A_307 = arith.index_cast %get3A : i32 to index
        %get3A_308 = arith.index_cast %scan3A_306 : i32 to index
        %get3A_309 = arith.constant 0 : index
        %get3A_310 = tpu.vector_load %arg9[%get3A_307, %get3A_308, %get3A_309] {strides = array<i32>} : memref<2x80x128xf32, #tpu.memory_space<vmem>>, vector<1x1x16xf32>,
        %get3A_311 = vector.shape_cast %get3A_310 : vector<1x1x16xf32> to vector<16xf32>
        %get3A_312 = arith.constant 0 : i32
        %get3A_313 = arith.index_cast %get3A_312 : i32 to index
        %get3A_314 = arith.index_cast %scan3A_306 : i32 to index
        %get3A_315 = arith.constant 0 : index
        %get3A_316 = tpu.vector_load %arg10[%get3A_313, %get3A_314, %get3A_315] {strides = array<i32>} : memref<2x80x128xf32, #tpu.memory_space<vmem>>, vector<1x1x16xf32>,
        %get3A_317 = vector.shape_cast %get3A_316 : vector<1x1x16xf32> to vector<16xf32>
        %add3A_318 = arith.addf %get3A_311, %get3A_317 : vector<16xf32>
        %swap3A = arith.constant 0 : i32
        %swap3A_319 = arith.index_cast %swap3A : i32 to index
        %swap3A_320 = arith.index_cast %scan3A_306 : i32 to index
        %swap3A_321 = arith.constant 0 : index
        %swap3A_322 = tpu.vector_load %arg9[%swap3A_319, %swap3A_320, %swap3A_321] {strides = array<i32>} : memref<2x80x128xf32, #tpu.memory_space<vmem>>, vector<1x1x16xf32>,
        %swap3A_323 = vector.shape_cast %swap3A_322 : vector<1x1x16xf32> to vector<16xf32>
        %swap3A_324 = vector.shape_cast %add3A_318 : vector<16xf32> to vector<1x1x16xf32>
        tpu.vector_store %arg9[%swap3A_319, %swap3A_320, %swap3A_321], %swap3A_324 {strides = array<i32>} : memref<2x80x128xf32, #tpu.memory_space<vmem>>, vector<1x1x16xf32>,
        %get3A_325 = arith.constant 0 : i32
        %get3A_326 = arith.index_cast %get3A_325 : i32 to index
        %get3A_327 = arith.index_cast %scan3A_306 : i32 to index
        %get3A_328 = arith.constant 16 : index
        %get3A_329 = tpu.vector_load %arg9[%get3A_326, %get3A_327, %get3A_328] {strides = array<i32>} : memref<2x80x128xf32, #tpu.memory_space<vmem>>, vector<1x1x16xf32>,
        %get3A_330 = vector.shape_cast %get3A_329 : vector<1x1x16xf32> to vector<16xf32>
        %get3A_331 = arith.constant 0 : i32
        %get3A_332 = arith.index_cast %get3A_331 : i32 to index
        %get3A_333 = arith.index_cast %scan3A_306 : i32 to index
        %get3A_334 = arith.constant 16 : index
        %get3A_335 = tpu.vector_load %arg10[%get3A_332, %get3A_333, %get3A_334] {strides = array<i32>} : memref<2x80x128xf32, #tpu.memory_space<vmem>>, vector<1x1x16xf32>,
        %get3A_336 = vector.shape_cast %get3A_335 : vector<1x1x16xf32> to vector<16xf32>
        %add3A_337 = arith.addf %get3A_330, %get3A_336 : vector<16xf32>
        %swap3A_338 = arith.constant 0 : i32
        %swap3A_339 = arith.index_cast %swap3A_338 : i32 to index
        %swap3A_340 = arith.index_cast %scan3A_306 : i32 to index
        %swap3A_341 = arith.constant 16 : index
        %swap3A_342 = tpu.vector_load %arg9[%swap3A_339, %swap3A_340, %swap3A_341] {strides = array<i32>} : memref<2x80x128xf32, #tpu.memory_space<vmem>>, vector<1x1x16xf32>,
        %swap3A_343 = vector.shape_cast %swap3A_342 : vector<1x1x16xf32> to vector<16xf32>
        %swap3A_344 = vector.shape_cast %add3A_337 : vector<16xf32> to vector<1x1x16xf32>
        tpu.vector_store %arg9[%swap3A_339, %swap3A_340, %swap3A_341], %swap3A_344 {strides = array<i32>} : memref<2x80x128xf32, #tpu.memory_space<vmem>>, vector<1x1x16xf32>,
        %get3A_345 = arith.constant 0 : i32
        %get3A_346 = arith.index_cast %get3A_345 : i32 to index
        %get3A_347 = arith.index_cast %scan3A_306 : i32 to index
        %get3A_348 = arith.constant 32 : index
        %get3A_349 = tpu.vector_load %arg9[%get3A_346, %get3A_347, %get3A_348] {strides = array<i32>} : memref<2x80x128xf32, #tpu.memory_space<vmem>>, vector<1x1x16xf32>,
        %get3A_350 = vector.shape_cast %get3A_349 : vector<1x1x16xf32> to vector<16xf32>
        %get3A_351 = arith.constant 0 : i32
        %get3A_352 = arith.index_cast %get3A_351 : i32 to index
        %get3A_353 = arith.index_cast %scan3A_306 : i32 to index
        %get3A_354 = arith.constant 32 : index
        %get3A_355 = tpu.vector_load %arg10[%get3A_352, %get3A_353, %get3A_354] {strides = array<i32>} : memref<2x80x128xf32, #tpu.memory_space<vmem>>, vector<1x1x16xf32>,
        %get3A_356 = vector.shape_cast %get3A_355 : vector<1x1x16xf32> to vector<16xf32>
        %add3A_357 = arith.addf %get3A_350, %get3A_356 : vector<16xf32>
        %swap3A_358 = arith.constant 0 : i32
        %swap3A_359 = arith.index_cast %swap3A_358 : i32 to index
        %swap3A_360 = arith.index_cast %scan3A_306 : i32 to index
        %swap3A_361 = arith.constant 32 : index
        %swap3A_362 = tpu.vector_load %arg9[%swap3A_359, %swap3A_360, %swap3A_361] {strides = array<i32>} : memref<2x80x128xf32, #tpu.memory_space<vmem>>, vector<1x1x16xf32>,
        %swap3A_363 = vector.shape_cast %swap3A_362 : vector<1x1x16xf32> to vector<16xf32>
        %swap3A_364 = vector.shape_cast %add3A_357 : vector<16xf32> to vector<1x1x16xf32>
        tpu.vector_store %arg9[%swap3A_359, %swap3A_360, %swap3A_361], %swap3A_364 {strides = array<i32>} : memref<2x80x128xf32, #tpu.memory_space<vmem>>, vector<1x1x16xf32>,
        %get3A_365 = arith.constant 0 : i32
        %get3A_366 = arith.index_cast %get3A_365 : i32 to index
        %get3A_367 = arith.index_cast %scan3A_306 : i32 to index
        %get3A_368 = arith.constant 48 : index
        %get3A_369 = tpu.vector_load %arg9[%get3A_366, %get3A_367, %get3A_368] {strides = array<i32>} : memref<2x80x128xf32, #tpu.memory_space<vmem>>, vector<1x1x16xf32>,
        %get3A_370 = vector.shape_cast %get3A_369 : vector<1x1x16xf32> to vector<16xf32>
        %get3A_371 = arith.constant 0 : i32
        %get3A_372 = arith.index_cast %get3A_371 : i32 to index
        %get3A_373 = arith.index_cast %scan3A_306 : i32 to index
        %get3A_374 = arith.constant 48 : index
        %get3A_375 = tpu.vector_load %arg10[%get3A_372, %get3A_373, %get3A_374] {strides = array<i32>} : memref<2x80x128xf32, #tpu.memory_space<vmem>>, vector<1x1x16xf32>,
        %get3A_376 = vector.shape_cast %get3A_375 : vector<1x1x16xf32> to vector<16xf32>
        %add3A_377 = arith.addf %get3A_370, %get3A_376 : vector<16xf32>
        %swap3A_378 = arith.constant 0 : i32
        %swap3A_379 = arith.index_cast %swap3A_378 : i32 to index
        %swap3A_380 = arith.index_cast %scan3A_306 : i32 to index
        %swap3A_381 = arith.constant 48 : index
        %swap3A_382 = tpu.vector_load %arg9[%swap3A_379, %swap3A_380, %swap3A_381] {strides = array<i32>} : memref<2x80x128xf32, #tpu.memory_space<vmem>>, vector<1x1x16xf32>,
        %swap3A_383 = vector.shape_cast %swap3A_382 : vector<1x1x16xf32> to vector<16xf32>
        %swap3A_384 = vector.shape_cast %add3A_377 : vector<16xf32> to vector<1x1x16xf32>
        tpu.vector_store %arg9[%swap3A_379, %swap3A_380, %swap3A_381], %swap3A_384 {strides = array<i32>} : memref<2x80x128xf32, #tpu.memory_space<vmem>>, vector<1x1x16xf32>,
        %get3A_385 = arith.constant 0 : i32
        %get3A_386 = arith.index_cast %get3A_385 : i32 to index
        %get3A_387 = arith.index_cast %scan3A_306 : i32 to index
        %get3A_388 = arith.constant 64 : index
        %get3A_389 = tpu.vector_load %arg9[%get3A_386, %get3A_387, %get3A_388] {strides = array<i32>} : memref<2x80x128xf32, #tpu.memory_space<vmem>>, vector<1x1x16xf32>,
        %get3A_390 = vector.shape_cast %get3A_389 : vector<1x1x16xf32> to vector<16xf32>
        %get3A_391 = arith.constant 0 : i32
        %get3A_392 = arith.index_cast %get3A_391 : i32 to index
        %get3A_393 = arith.index_cast %scan3A_306 : i32 to index
        %get3A_394 = arith.constant 64 : index
        %get3A_395 = tpu.vector_load %arg10[%get3A_392, %get3A_393, %get3A_394] {strides = array<i32>} : memref<2x80x128xf32, #tpu.memory_space<vmem>>, vector<1x1x16xf32>,
        %get3A_396 = vector.shape_cast %get3A_395 : vector<1x1x16xf32> to vector<16xf32>
        %add3A_397 = arith.addf %get3A_390, %get3A_396 : vector<16xf32>
        %swap3A_398 = arith.constant 0 : i32
        %swap3A_399 = arith.index_cast %swap3A_398 : i32 to index
        %swap3A_400 = arith.index_cast %scan3A_306 : i32 to index
        %swap3A_401 = arith.constant 64 : index
        %swap3A_402 = tpu.vector_load %arg9[%swap3A_399, %swap3A_400, %swap3A_401] {strides = array<i32>} : memref<2x80x128xf32, #tpu.memory_space<vmem>>, vector<1x1x16xf32>,
        %swap3A_403 = vector.shape_cast %swap3A_402 : vector<1x1x16xf32> to vector<16xf32>
        %swap3A_404 = vector.shape_cast %add3A_397 : vector<16xf32> to vector<1x1x16xf32>
        tpu.vector_store %arg9[%swap3A_399, %swap3A_400, %swap3A_401], %swap3A_404 {strides = array<i32>} : memref<2x80x128xf32, #tpu.memory_space<vmem>>, vector<1x1x16xf32>,
        %get3A_405 = arith.constant 0 : i32
        %get3A_406 = arith.index_cast %get3A_405 : i32 to index
        %get3A_407 = arith.index_cast %scan3A_306 : i32 to index
        %get3A_408 = arith.constant 80 : index
        %get3A_409 = tpu.vector_load %arg9[%get3A_406, %get3A_407, %get3A_408] {strides = array<i32>} : memref<2x80x128xf32, #tpu.memory_space<vmem>>, vector<1x1x16xf32>,
        %get3A_410 = vector.shape_cast %get3A_409 : vector<1x1x16xf32> to vector<16xf32>
        %get3A_411 = arith.constant 0 : i32
        %get3A_412 = arith.index_cast %get3A_411 : i32 to index
        %get3A_413 = arith.index_cast %scan3A_306 : i32 to index
        %get3A_414 = arith.constant 80 : index
        %get3A_415 = tpu.vector_load %arg10[%get3A_412, %get3A_413, %get3A_414] {strides = array<i32>} : memref<2x80x128xf32, #tpu.memory_space<vmem>>, vector<1x1x16xf32>,
        %get3A_416 = vector.shape_cast %get3A_415 : vector<1x1x16xf32> to vector<16xf32>
        %add3A_417 = arith.addf %get3A_410, %get3A_416 : vector<16xf32>
        %swap3A_418 = arith.constant 0 : i32
        %swap3A_419 = arith.index_cast %swap3A_418 : i32 to index
        %swap3A_420 = arith.index_cast %scan3A_306 : i32 to index
        %swap3A_421 = arith.constant 80 : index
        %swap3A_422 = tpu.vector_load %arg9[%swap3A_419, %swap3A_420, %swap3A_421] {strides = array<i32>} : memref<2x80x128xf32, #tpu.memory_space<vmem>>, vector<1x1x16xf32>,
        %swap3A_423 = vector.shape_cast %swap3A_422 : vector<1x1x16xf32> to vector<16xf32>
        %swap3A_424 = vector.shape_cast %add3A_417 : vector<16xf32> to vector<1x1x16xf32>
        tpu.vector_store %arg9[%swap3A_419, %swap3A_420, %swap3A_421], %swap3A_424 {strides = array<i32>} : memref<2x80x128xf32, #tpu.memory_space<vmem>>, vector<1x1x16xf32>,
        %get3A_425 = arith.constant 0 : i32
        %get3A_426 = arith.index_cast %get3A_425 : i32 to index
        %get3A_427 = arith.index_cast %scan3A_306 : i32 to index
        %get3A_428 = arith.constant 96 : index
        %get3A_429 = tpu.vector_load %arg9[%get3A_426, %get3A_427, %get3A_428] {strides = array<i32>} : memref<2x80x128xf32, #tpu.memory_space<vmem>>, vector<1x1x16xf32>,
        %get3A_430 = vector.shape_cast %get3A_429 : vector<1x1x16xf32> to vector<16xf32>
        %get3A_431 = arith.constant 0 : i32
        %get3A_432 = arith.index_cast %get3A_431 : i32 to index
        %get3A_433 = arith.index_cast %scan3A_306 : i32 to index
        %get3A_434 = arith.constant 96 : index
        %get3A_435 = tpu.vector_load %arg10[%get3A_432, %get3A_433, %get3A_434] {strides = array<i32>} : memref<2x80x128xf32, #tpu.memory_space<vmem>>, vector<1x1x16xf32>,
        %get3A_436 = vector.shape_cast %get3A_435 : vector<1x1x16xf32> to vector<16xf32>
        %add3A_437 = arith.addf %get3A_430, %get3A_436 : vector<16xf32>
        %swap3A_438 = arith.constant 0 : i32
        %swap3A_439 = arith.index_cast %swap3A_438 : i32 to index
        %swap3A_440 = arith.index_cast %scan3A_306 : i32 to index
        %swap3A_441 = arith.constant 96 : index
        %swap3A_442 = tpu.vector_load %arg9[%swap3A_439, %swap3A_440, %swap3A_441] {strides = array<i32>} : memref<2x80x128xf32, #tpu.memory_space<vmem>>, vector<1x1x16xf32>,
        %swap3A_443 = vector.shape_cast %swap3A_442 : vector<1x1x16xf32> to vector<16xf32>
        %swap3A_444 = vector.shape_cast %add3A_437 : vector<16xf32> to vector<1x1x16xf32>
        tpu.vector_store %arg9[%swap3A_439, %swap3A_440, %swap3A_441], %swap3A_444 {strides = array<i32>} : memref<2x80x128xf32, #tpu.memory_space<vmem>>, vector<1x1x16xf32>,
        %get3A_445 = arith.constant 0 : i32
        %get3A_446 = arith.index_cast %get3A_445 : i32 to index
        %get3A_447 = arith.index_cast %scan3A_306 : i32 to index
        %get3A_448 = arith.constant 112 : index
        %get3A_449 = tpu.vector_load %arg9[%get3A_446, %get3A_447, %get3A_448] {strides = array<i32>} : memref<2x80x128xf32, #tpu.memory_space<vmem>>, vector<1x1x16xf32>,
        %get3A_450 = vector.shape_cast %get3A_449 : vector<1x1x16xf32> to vector<16xf32>
        %get3A_451 = arith.constant 0 : i32
        %get3A_452 = arith.index_cast %get3A_451 : i32 to index
        %get3A_453 = arith.index_cast %scan3A_306 : i32 to index
        %get3A_454 = arith.constant 112 : index
        %get3A_455 = tpu.vector_load %arg10[%get3A_452, %get3A_453, %get3A_454] {strides = array<i32>} : memref<2x80x128xf32, #tpu.memory_space<vmem>>, vector<1x1x16xf32>,
        %get3A_456 = vector.shape_cast %get3A_455 : vector<1x1x16xf32> to vector<16xf32>
        %add3A_457 = arith.addf %get3A_450, %get3A_456 : vector<16xf32>
        %swap3A_458 = arith.constant 0 : i32
        %swap3A_459 = arith.index_cast %swap3A_458 : i32 to index
        %swap3A_460 = arith.index_cast %scan3A_306 : i32 to index
        %swap3A_461 = arith.constant 112 : index
        %swap3A_462 = tpu.vector_load %arg9[%swap3A_459, %swap3A_460, %swap3A_461] {strides = array<i32>} : memref<2x80x128xf32, #tpu.memory_space<vmem>>, vector<1x1x16xf32>,
        %swap3A_463 = vector.shape_cast %swap3A_462 : vector<1x1x16xf32> to vector<16xf32>
        %swap3A_464 = vector.shape_cast %add3A_457 : vector<16xf32> to vector<1x1x16xf32>
        tpu.vector_store %arg9[%swap3A_459, %swap3A_460, %swap3A_461], %swap3A_464 {strides = array<i32>} : memref<2x80x128xf32, #tpu.memory_space<vmem>>, vector<1x1x16xf32>,
      }
      %scan3A_198 = arith.constant 80 : i32
      %mul3A_199 = arith.constant 10000 : i32
      %mul3A_200 = arith.muli %add3A, %mul3A_199 : i32
      %mul3A_201 = arith.constant 80 : i32
      %mul3A_202 = arith.muli %mul3A_132, %mul3A_201 : i32
      %add3A_203 = arith.addi %mul3A_200, %mul3A_202 : i32
      %dma_start3A_204 = arith.constant 0 : i32
      %dma_start3A_205 = arith.constant 0 : i32
      %dma_start3A_206 = arith.constant 0 : i32
      %dma_start3A_207 = arith.constant 0 : i32
      %dma_start3A_208 = tpu.memref_slice %arg9[%dma_start3A_204, %dma_start3A_206, %dma_start3A_207] : memref<2x80x128xf32, #tpu.memory_space<vmem>> -> memref<1x80x128xf32, #tpu.memory_space<vmem>>
      %dma_start3A_209 = tpu.memref_squeeze %dma_start3A_208 : memref<1x80x128xf32, #tpu.memory_space<vmem>> -> memref<80x128xf32, #tpu.memory_space<vmem>>
      %dma_start3A_210 = arith.constant 0 : i32
      %dma_start3A_211 = tpu.memref_slice %arg6[%add3A_203, %dma_start3A_210] : memref<320000x128xf32, #tpu.memory_space<hbm>> -> memref<80x128xf32, #tpu.memory_space<hbm>>
      %dma_start3A_212 = tpu.memref_slice %arg13[%dma_start3A_205] : memref<2x!tpu.dma_semaphore, #tpu.memory_space<semaphore_mem>> -> memref<1x!tpu.dma_semaphore, #tpu.memory_space<semaphore_mem>>
      %dma_start3A_213 = tpu.memref_squeeze %dma_start3A_212 : memref<1x!tpu.dma_semaphore, #tpu.memory_space<semaphore_mem>> -> memref<!tpu.dma_semaphore, #tpu.memory_space<semaphore_mem>>
      %dma_start3A_214 = arith.constant 0 : i32
      %dma_start3A_215 = tpu.memref_slice %arg6[%add3A_203, %dma_start3A_214] : memref<320000x128xf32, #tpu.memory_space<hbm>> -> memref<80x128xf32, #tpu.memory_space<hbm>>
      %dma_start3A_216 = arith.constant 0 : i32
      %dma_start3A_217 = arith.constant 0 : i32
      %dma_start3A_218 = tpu.memref_slice %arg9[%dma_start3A_204, %dma_start3A_216, %dma_start3A_217] : memref<2x80x128xf32, #tpu.memory_space<vmem>> -> memref<1x80x128xf32, #tpu.memory_space<vmem>>
      %dma_start3A_219 = tpu.memref_squeeze %dma_start3A_218 : memref<1x80x128xf32, #tpu.memory_space<vmem>> -> memref<80x128xf32, #tpu.memory_space<vmem>>
      tpu.enqueue_dma source(%dma_start3A_219 : memref<80x128xf32, #tpu.memory_space<vmem>>) target(%dma_start3A_215 : memref<80x128xf32, #tpu.memory_space<hbm>>) target_semaphore(%dma_start3A_213 : memref<!tpu.dma_semaphore, #tpu.memory_space<semaphore_mem>>)
      %mul3A_220 = arith.constant 10000 : i32
      %mul3A_221 = arith.muli %add3A, %mul3A_220 : i32
      %mul3A_222 = arith.constant 80 : i32
      %mul3A_223 = arith.muli %mul3A_132, %mul3A_222 : i32
      %add3A_224 = arith.addi %mul3A_221, %mul3A_223 : i32
      %dma_wait3A_225 = arith.constant 0 : i32
      %dma_wait3A_226 = arith.constant 0 : i32
      %dma_wait3A_227 = arith.constant 0 : i32
      %dma_wait3A_228 = arith.constant 0 : i32
      %dma_wait3A_229 = tpu.memref_slice %arg9[%dma_wait3A_225, %dma_wait3A_227, %dma_wait3A_228] : memref<2x80x128xf32, #tpu.memory_space<vmem>> -> memref<1x80x128xf32, #tpu.memory_space<vmem>>
      %dma_wait3A_230 = tpu.memref_squeeze %dma_wait3A_229 : memref<1x80x128xf32, #tpu.memory_space<vmem>> -> memref<80x128xf32, #tpu.memory_space<vmem>>
      %dma_wait3A_231 = arith.constant 0 : i32
      %dma_wait3A_232 = tpu.memref_slice %arg6[%add3A_224, %dma_wait3A_231] : memref<320000x128xf32, #tpu.memory_space<hbm>> -> memref<80x128xf32, #tpu.memory_space<hbm>>
      %dma_wait3A_233 = tpu.memref_slice %arg13[%dma_wait3A_226] : memref<2x!tpu.dma_semaphore, #tpu.memory_space<semaphore_mem>> -> memref<1x!tpu.dma_semaphore, #tpu.memory_space<semaphore_mem>>
      %dma_wait3A_234 = tpu.memref_squeeze %dma_wait3A_233 : memref<1x!tpu.dma_semaphore, #tpu.memory_space<semaphore_mem>> -> memref<!tpu.dma_semaphore, #tpu.memory_space<semaphore_mem>>
      %dma_wait3A_235 = arith.constant 0 : i32
      %dma_wait3A_236 = tpu.memref_slice %arg6[%add3A_224, %dma_wait3A_235] : memref<320000x128xf32, #tpu.memory_space<hbm>> -> memref<80x128xf32, #tpu.memory_space<hbm>>
      %dma_wait3A_237 = arith.constant 0 : i32
      %dma_wait3A_238 = arith.constant 0 : i32
      %dma_wait3A_239 = tpu.memref_slice %arg9[%dma_wait3A_225, %dma_wait3A_237, %dma_wait3A_238] : memref<2x80x128xf32, #tpu.memory_space<vmem>> -> memref<1x80x128xf32, #tpu.memory_space<vmem>>
      %dma_wait3A_240 = tpu.memref_squeeze %dma_wait3A_239 : memref<1x80x128xf32, #tpu.memory_space<vmem>> -> memref<80x128xf32, #tpu.memory_space<vmem>>
      tpu.wait_dma2 semaphore(%dma_wait3A_234 : memref<!tpu.dma_semaphore, #tpu.memory_space<semaphore_mem>>) src(%dma_wait3A_240 : memref<80x128xf32, #tpu.memory_space<vmem>>) dst(%dma_wait3A_236 : memref<80x128xf32, #tpu.memory_space<hbm>>)
      %add3A_241 = arith.constant 2 : i32
      %add3A_242 = arith.addi %mul3A_132, %add3A_241 : i32
      %lt3A = arith.constant 125 : i32
      %lt3A_243 = arith.cmpi slt, %add3A_242, %lt3A : i32
      %convert_element_type3A_244 = arith.extui %lt3A_243 : i1 to i32
      %cond3A_245 = arith.constant 0 : i32
      %cond3A_246 = arith.cmpi ne, %convert_element_type3A_244, %cond3A_245 : i32
      scf.if %cond3A_246 {
        %add3A_306 = arith.constant 2 : i32
        %add3A_307 = arith.addi %mul3A_132, %add3A_306 : i32
        %dma_start3A_308 = arith.constant 0 : i32
        %dma_start3A_309 = arith.constant 0 : i32
        %dma_start3A_310 = arith.constant 0 : i32
        %dma_start3A_311 = arith.constant 0 : i32
        %dma_start3A_312 = tpu.memref_slice %arg9[%dma_start3A_308, %dma_start3A_310, %dma_start3A_311] : memref<2x80x128xf32, #tpu.memory_space<vmem>> -> memref<1x80x128xf32, #tpu.memory_space<vmem>>
        %dma_start3A_313 = tpu.memref_squeeze %dma_start3A_312 : memref<1x80x128xf32, #tpu.memory_space<vmem>> -> memref<80x128xf32, #tpu.memory_space<vmem>>
        %dma_start3A_314 = arith.constant 0 : i32
        %dma_start3A_315 = tpu.memref_slice %arg7[%add3A_307, %dma_start3A_314] : memref<125x80xi32, #tpu.memory_space<vmem>> -> memref<1x80xi32, #tpu.memory_space<vmem>>
        %dma_start3A_316 = tpu.memref_squeeze %dma_start3A_315 : memref<1x80xi32, #tpu.memory_space<vmem>> -> memref<80xi32, #tpu.memory_space<vmem>>
        %dma_start3A_317 = arith.constant 0 : i32
        %dma_start3A_318 = arith.constant 0 : i32
        %dma_start3A_319 = tpu.memref_slice %arg2[%dma_start3A_317, %dma_start3A_318] : memref<10000x128xf32, #tpu.memory_space<hbm>> -> memref<10000x128xf32, #tpu.memory_space<hbm>>
        %dma_start3A_320 = tpu.memref_slice %arg11[%dma_start3A_309] : memref<2x!tpu.dma_semaphore, #tpu.memory_space<semaphore_mem>> -> memref<1x!tpu.dma_semaphore, #tpu.memory_space<semaphore_mem>>
        %dma_start3A_321 = tpu.memref_squeeze %dma_start3A_320 : memref<1x!tpu.dma_semaphore, #tpu.memory_space<semaphore_mem>> -> memref<!tpu.dma_semaphore, #tpu.memory_space<semaphore_mem>>
        tpu.enqueue_indirect_dma source(%dma_start3A_319 : memref<10000x128xf32, #tpu.memory_space<hbm>>) target(%dma_start3A_313 : memref<80x128xf32, #tpu.memory_space<vmem>>) offsets(%dma_start3A_316 : memref<80xi32, #tpu.memory_space<vmem>>) semaphore(%dma_start3A_321 : memref<!tpu.dma_semaphore, #tpu.memory_space<semaphore_mem>>)
        %dma_start3A_322 = arith.constant 0 : i32
        %dma_start3A_323 = arith.constant 0 : i32
        %dma_start3A_324 = arith.constant 0 : i32
        %dma_start3A_325 = arith.constant 0 : i32
        %dma_start3A_326 = tpu.memref_slice %arg10[%dma_start3A_322, %dma_start3A_324, %dma_start3A_325] : memref<2x80x128xf32, #tpu.memory_space<vmem>> -> memref<1x80x128xf32, #tpu.memory_space<vmem>>
        %dma_start3A_327 = tpu.memref_squeeze %dma_start3A_326 : memref<1x80x128xf32, #tpu.memory_space<vmem>> -> memref<80x128xf32, #tpu.memory_space<vmem>>
        %dma_start3A_328 = arith.constant 0 : i32
        %dma_start3A_329 = tpu.memref_slice %arg8[%add3A_307, %dma_start3A_328] : memref<125x80xi32, #tpu.memory_space<vmem>> -> memref<1x80xi32, #tpu.memory_space<vmem>>
        %dma_start3A_330 = tpu.memref_squeeze %dma_start3A_329 : memref<1x80xi32, #tpu.memory_space<vmem>> -> memref<80xi32, #tpu.memory_space<vmem>>
        %dma_start3A_331 = arith.constant 0 : i32
        %dma_start3A_332 = arith.constant 0 : i32
        %dma_start3A_333 = tpu.memref_slice %arg3[%dma_start3A_331, %dma_start3A_332] : memref<10000x128xf32, #tpu.memory_space<hbm>> -> memref<10000x128xf32, #tpu.memory_space<hbm>>
        %dma_start3A_334 = tpu.memref_slice %arg12[%dma_start3A_323] : memref<2x!tpu.dma_semaphore, #tpu.memory_space<semaphore_mem>> -> memref<1x!tpu.dma_semaphore, #tpu.memory_space<semaphore_mem>>
        %dma_start3A_335 = tpu.memref_squeeze %dma_start3A_334 : memref<1x!tpu.dma_semaphore, #tpu.memory_space<semaphore_mem>> -> memref<!tpu.dma_semaphore, #tpu.memory_space<semaphore_mem>>
        tpu.enqueue_indirect_dma source(%dma_start3A_333 : memref<10000x128xf32, #tpu.memory_space<hbm>>) target(%dma_start3A_327 : memref<80x128xf32, #tpu.memory_space<vmem>>) offsets(%dma_start3A_330 : memref<80xi32, #tpu.memory_space<vmem>>) semaphore(%dma_start3A_335 : memref<!tpu.dma_semaphore, #tpu.memory_space<semaphore_mem>>)
      } else {
      }
      %add3A_247 = arith.constant 1 : i32
      %add3A_248 = arith.addi %mul3A_132, %add3A_247 : i32
      %dma_wait3A_249 = arith.constant 1 : i32
      %dma_wait3A_250 = arith.constant 1 : i32
      %dma_wait3A_251 = arith.constant 0 : i32
      %dma_wait3A_252 = arith.constant 0 : i32
      %dma_wait3A_253 = tpu.memref_slice %arg9[%dma_wait3A_249, %dma_wait3A_251, %dma_wait3A_252] : memref<2x80x128xf32, #tpu.memory_space<vmem>> -> memref<1x80x128xf32, #tpu.memory_space<vmem>>
      %dma_wait3A_254 = tpu.memref_squeeze %dma_wait3A_253 : memref<1x80x128xf32, #tpu.memory_space<vmem>> -> memref<80x128xf32, #tpu.memory_space<vmem>>
      %dma_wait3A_255 = arith.constant 0 : i32
      %dma_wait3A_256 = tpu.memref_slice %arg7[%add3A_248, %dma_wait3A_255] : memref<125x80xi32, #tpu.memory_space<vmem>> -> memref<1x80xi32, #tpu.memory_space<vmem>>
      %dma_wait3A_257 = tpu.memref_squeeze %dma_wait3A_256 : memref<1x80xi32, #tpu.memory_space<vmem>> -> memref<80xi32, #tpu.memory_space<vmem>>
      %dma_wait3A_258 = arith.constant 0 : i32
      %dma_wait3A_259 = arith.constant 0 : i32
      %dma_wait3A_260 = tpu.memref_slice %arg2[%dma_wait3A_258, %dma_wait3A_259] : memref<10000x128xf32, #tpu.memory_space<hbm>> -> memref<10000x128xf32, #tpu.memory_space<hbm>>
      %dma_wait3A_261 = tpu.memref_slice %arg11[%dma_wait3A_250] : memref<2x!tpu.dma_semaphore, #tpu.memory_space<semaphore_mem>> -> memref<1x!tpu.dma_semaphore, #tpu.memory_space<semaphore_mem>>
      %dma_wait3A_262 = tpu.memref_squeeze %dma_wait3A_261 : memref<1x!tpu.dma_semaphore, #tpu.memory_space<semaphore_mem>> -> memref<!tpu.dma_semaphore, #tpu.memory_space<semaphore_mem>>
      tpu.wait_indirect_dma semaphore(%dma_wait3A_262 : memref<!tpu.dma_semaphore, #tpu.memory_space<semaphore_mem>>) src(%dma_wait3A_260 : memref<10000x128xf32, #tpu.memory_space<hbm>>) dst(%dma_wait3A_254 : memref<80x128xf32, #tpu.memory_space<vmem>>)
      %dma_wait3A_263 = arith.constant 1 : i32
      %dma_wait3A_264 = arith.constant 1 : i32
      %dma_wait3A_265 = arith.constant 0 : i32
      %dma_wait3A_266 = arith.constant 0 : i32
      %dma_wait3A_267 = tpu.memref_slice %arg10[%dma_wait3A_263, %dma_wait3A_265, %dma_wait3A_266] : memref<2x80x128xf32, #tpu.memory_space<vmem>> -> memref<1x80x128xf32, #tpu.memory_space<vmem>>
      %dma_wait3A_268 = tpu.memref_squeeze %dma_wait3A_267 : memref<1x80x128xf32, #tpu.memory_space<vmem>> -> memref<80x128xf32, #tpu.memory_space<vmem>>
      %dma_wait3A_269 = arith.constant 0 : i32
      %dma_wait3A_270 = tpu.memref_slice %arg8[%add3A_248, %dma_wait3A_269] : memref<125x80xi32, #tpu.memory_space<vmem>> -> memref<1x80xi32, #tpu.memory_space<vmem>>
      %dma_wait3A_271 = tpu.memref_squeeze %dma_wait3A_270 : memref<1x80xi32, #tpu.memory_space<vmem>> -> memref<80xi32, #tpu.memory_space<vmem>>
      %dma_wait3A_272 = arith.constant 0 : i32
      %dma_wait3A_273 = arith.constant 0 : i32
      %dma_wait3A_274 = tpu.memref_slice %arg3[%dma_wait3A_272, %dma_wait3A_273] : memref<10000x128xf32, #tpu.memory_space<hbm>> -> memref<10000x128xf32, #tpu.memory_space<hbm>>
      %dma_wait3A_275 = tpu.memref_slice %arg12[%dma_wait3A_264] : memref<2x!tpu.dma_semaphore, #tpu.memory_space<semaphore_mem>> -> memref<1x!tpu.dma_semaphore, #tpu.memory_space<semaphore_mem>>
      %dma_wait3A_276 = tpu.memref_squeeze %dma_wait3A_275 : memref<1x!tpu.dma_semaphore, #tpu.memory_space<semaphore_mem>> -> memref<!tpu.dma_semaphore, #tpu.memory_space<semaphore_mem>>
      tpu.wait_indirect_dma semaphore(%dma_wait3A_276 : memref<!tpu.dma_semaphore, #tpu.memory_space<semaphore_mem>>) src(%dma_wait3A_274 : memref<10000x128xf32, #tpu.memory_space<hbm>>) dst(%dma_wait3A_268 : memref<80x128xf32, #tpu.memory_space<vmem>>)
      %add3A_277 = arith.constant 1 : i32
      %add3A_278 = arith.addi %mul3A_132, %add3A_277 : i32
      %scan3A_279 = arith.constant 0 : i32
      %scan3A_280 = arith.constant 0 : i32
      %scan3A_281 = arith.constant 80 : i32
      %scan3A_282 = arith.addi %scan3A_280, %scan3A_281 : i32
      %scan3A_283 = arith.constant 1 : i32
      scf.for %scan3A_306 = %scan3A_280 to %scan3A_282 step %scan3A_283  : i32 {
        %get3A = arith.constant 1 : i32
        %get3A_307 = arith.index_cast %get3A : i32 to index
        %get3A_308 = arith.index_cast %scan3A_306 : i32 to index
        %get3A_309 = arith.constant 0 : index
        %get3A_310 = tpu.vector_load %arg9[%get3A_307, %get3A_308, %get3A_309] {strides = array<i32>} : memref<2x80x128xf32, #tpu.memory_space<vmem>>, vector<1x1x16xf32>,
        %get3A_311 = vector.shape_cast %get3A_310 : vector<1x1x16xf32> to vector<16xf32>
        %get3A_312 = arith.constant 1 : i32
        %get3A_313 = arith.index_cast %get3A_312 : i32 to index
        %get3A_314 = arith.index_cast %scan3A_306 : i32 to index
        %get3A_315 = arith.constant 0 : index
        %get3A_316 = tpu.vector_load %arg10[%get3A_313, %get3A_314, %get3A_315] {strides = array<i32>} : memref<2x80x128xf32, #tpu.memory_space<vmem>>, vector<1x1x16xf32>,
        %get3A_317 = vector.shape_cast %get3A_316 : vector<1x1x16xf32> to vector<16xf32>
        %add3A_318 = arith.addf %get3A_311, %get3A_317 : vector<16xf32>
        %swap3A = arith.constant 1 : i32
        %swap3A_319 = arith.index_cast %swap3A : i32 to index
        %swap3A_320 = arith.index_cast %scan3A_306 : i32 to index
        %swap3A_321 = arith.constant 0 : index
        %swap3A_322 = tpu.vector_load %arg9[%swap3A_319, %swap3A_320, %swap3A_321] {strides = array<i32>} : memref<2x80x128xf32, #tpu.memory_space<vmem>>, vector<1x1x16xf32>,
        %swap3A_323 = vector.shape_cast %swap3A_322 : vector<1x1x16xf32> to vector<16xf32>
        %swap3A_324 = vector.shape_cast %add3A_318 : vector<16xf32> to vector<1x1x16xf32>
        tpu.vector_store %arg9[%swap3A_319, %swap3A_320, %swap3A_321], %swap3A_324 {strides = array<i32>} : memref<2x80x128xf32, #tpu.memory_space<vmem>>, vector<1x1x16xf32>,
        %get3A_325 = arith.constant 1 : i32
        %get3A_326 = arith.index_cast %get3A_325 : i32 to index
        %get3A_327 = arith.index_cast %scan3A_306 : i32 to index
        %get3A_328 = arith.constant 16 : index
        %get3A_329 = tpu.vector_load %arg9[%get3A_326, %get3A_327, %get3A_328] {strides = array<i32>} : memref<2x80x128xf32, #tpu.memory_space<vmem>>, vector<1x1x16xf32>,
        %get3A_330 = vector.shape_cast %get3A_329 : vector<1x1x16xf32> to vector<16xf32>
        %get3A_331 = arith.constant 1 : i32
        %get3A_332 = arith.index_cast %get3A_331 : i32 to index
        %get3A_333 = arith.index_cast %scan3A_306 : i32 to index
        %get3A_334 = arith.constant 16 : index
        %get3A_335 = tpu.vector_load %arg10[%get3A_332, %get3A_333, %get3A_334] {strides = array<i32>} : memref<2x80x128xf32, #tpu.memory_space<vmem>>, vector<1x1x16xf32>,
        %get3A_336 = vector.shape_cast %get3A_335 : vector<1x1x16xf32> to vector<16xf32>
        %add3A_337 = arith.addf %get3A_330, %get3A_336 : vector<16xf32>
        %swap3A_338 = arith.constant 1 : i32
        %swap3A_339 = arith.index_cast %swap3A_338 : i32 to index
        %swap3A_340 = arith.index_cast %scan3A_306 : i32 to index
        %swap3A_341 = arith.constant 16 : index
        %swap3A_342 = tpu.vector_load %arg9[%swap3A_339, %swap3A_340, %swap3A_341] {strides = array<i32>} : memref<2x80x128xf32, #tpu.memory_space<vmem>>, vector<1x1x16xf32>,
        %swap3A_343 = vector.shape_cast %swap3A_342 : vector<1x1x16xf32> to vector<16xf32>
        %swap3A_344 = vector.shape_cast %add3A_337 : vector<16xf32> to vector<1x1x16xf32>
        tpu.vector_store %arg9[%swap3A_339, %swap3A_340, %swap3A_341], %swap3A_344 {strides = array<i32>} : memref<2x80x128xf32, #tpu.memory_space<vmem>>, vector<1x1x16xf32>,
        %get3A_345 = arith.constant 1 : i32
        %get3A_346 = arith.index_cast %get3A_345 : i32 to index
        %get3A_347 = arith.index_cast %scan3A_306 : i32 to index
        %get3A_348 = arith.constant 32 : index
        %get3A_349 = tpu.vector_load %arg9[%get3A_346, %get3A_347, %get3A_348] {strides = array<i32>} : memref<2x80x128xf32, #tpu.memory_space<vmem>>, vector<1x1x16xf32>,
        %get3A_350 = vector.shape_cast %get3A_349 : vector<1x1x16xf32> to vector<16xf32>
        %get3A_351 = arith.constant 1 : i32
        %get3A_352 = arith.index_cast %get3A_351 : i32 to index
        %get3A_353 = arith.index_cast %scan3A_306 : i32 to index
        %get3A_354 = arith.constant 32 : index
        %get3A_355 = tpu.vector_load %arg10[%get3A_352, %get3A_353, %get3A_354] {strides = array<i32>} : memref<2x80x128xf32, #tpu.memory_space<vmem>>, vector<1x1x16xf32>,
        %get3A_356 = vector.shape_cast %get3A_355 : vector<1x1x16xf32> to vector<16xf32>
        %add3A_357 = arith.addf %get3A_350, %get3A_356 : vector<16xf32>
        %swap3A_358 = arith.constant 1 : i32
        %swap3A_359 = arith.index_cast %swap3A_358 : i32 to index
        %swap3A_360 = arith.index_cast %scan3A_306 : i32 to index
        %swap3A_361 = arith.constant 32 : index
        %swap3A_362 = tpu.vector_load %arg9[%swap3A_359, %swap3A_360, %swap3A_361] {strides = array<i32>} : memref<2x80x128xf32, #tpu.memory_space<vmem>>, vector<1x1x16xf32>,
        %swap3A_363 = vector.shape_cast %swap3A_362 : vector<1x1x16xf32> to vector<16xf32>
        %swap3A_364 = vector.shape_cast %add3A_357 : vector<16xf32> to vector<1x1x16xf32>
        tpu.vector_store %arg9[%swap3A_359, %swap3A_360, %swap3A_361], %swap3A_364 {strides = array<i32>} : memref<2x80x128xf32, #tpu.memory_space<vmem>>, vector<1x1x16xf32>,
        %get3A_365 = arith.constant 1 : i32
        %get3A_366 = arith.index_cast %get3A_365 : i32 to index
        %get3A_367 = arith.index_cast %scan3A_306 : i32 to index
        %get3A_368 = arith.constant 48 : index
        %get3A_369 = tpu.vector_load %arg9[%get3A_366, %get3A_367, %get3A_368] {strides = array<i32>} : memref<2x80x128xf32, #tpu.memory_space<vmem>>, vector<1x1x16xf32>,
        %get3A_370 = vector.shape_cast %get3A_369 : vector<1x1x16xf32> to vector<16xf32>
        %get3A_371 = arith.constant 1 : i32
        %get3A_372 = arith.index_cast %get3A_371 : i32 to index
        %get3A_373 = arith.index_cast %scan3A_306 : i32 to index
        %get3A_374 = arith.constant 48 : index
        %get3A_375 = tpu.vector_load %arg10[%get3A_372, %get3A_373, %get3A_374] {strides = array<i32>} : memref<2x80x128xf32, #tpu.memory_space<vmem>>, vector<1x1x16xf32>,
        %get3A_376 = vector.shape_cast %get3A_375 : vector<1x1x16xf32> to vector<16xf32>
        %add3A_377 = arith.addf %get3A_370, %get3A_376 : vector<16xf32>
        %swap3A_378 = arith.constant 1 : i32
        %swap3A_379 = arith.index_cast %swap3A_378 : i32 to index
        %swap3A_380 = arith.index_cast %scan3A_306 : i32 to index
        %swap3A_381 = arith.constant 48 : index
        %swap3A_382 = tpu.vector_load %arg9[%swap3A_379, %swap3A_380, %swap3A_381] {strides = array<i32>} : memref<2x80x128xf32, #tpu.memory_space<vmem>>, vector<1x1x16xf32>,
        %swap3A_383 = vector.shape_cast %swap3A_382 : vector<1x1x16xf32> to vector<16xf32>
        %swap3A_384 = vector.shape_cast %add3A_377 : vector<16xf32> to vector<1x1x16xf32>
        tpu.vector_store %arg9[%swap3A_379, %swap3A_380, %swap3A_381], %swap3A_384 {strides = array<i32>} : memref<2x80x128xf32, #tpu.memory_space<vmem>>, vector<1x1x16xf32>,
        %get3A_385 = arith.constant 1 : i32
        %get3A_386 = arith.index_cast %get3A_385 : i32 to index
        %get3A_387 = arith.index_cast %scan3A_306 : i32 to index
        %get3A_388 = arith.constant 64 : index
        %get3A_389 = tpu.vector_load %arg9[%get3A_386, %get3A_387, %get3A_388] {strides = array<i32>} : memref<2x80x128xf32, #tpu.memory_space<vmem>>, vector<1x1x16xf32>,
        %get3A_390 = vector.shape_cast %get3A_389 : vector<1x1x16xf32> to vector<16xf32>
        %get3A_391 = arith.constant 1 : i32
        %get3A_392 = arith.index_cast %get3A_391 : i32 to index
        %get3A_393 = arith.index_cast %scan3A_306 : i32 to index
        %get3A_394 = arith.constant 64 : index
        %get3A_395 = tpu.vector_load %arg10[%get3A_392, %get3A_393, %get3A_394] {strides = array<i32>} : memref<2x80x128xf32, #tpu.memory_space<vmem>>, vector<1x1x16xf32>,
        %get3A_396 = vector.shape_cast %get3A_395 : vector<1x1x16xf32> to vector<16xf32>
        %add3A_397 = arith.addf %get3A_390, %get3A_396 : vector<16xf32>
        %swap3A_398 = arith.constant 1 : i32
        %swap3A_399 = arith.index_cast %swap3A_398 : i32 to index
        %swap3A_400 = arith.index_cast %scan3A_306 : i32 to index
        %swap3A_401 = arith.constant 64 : index
        %swap3A_402 = tpu.vector_load %arg9[%swap3A_399, %swap3A_400, %swap3A_401] {strides = array<i32>} : memref<2x80x128xf32, #tpu.memory_space<vmem>>, vector<1x1x16xf32>,
        %swap3A_403 = vector.shape_cast %swap3A_402 : vector<1x1x16xf32> to vector<16xf32>
        %swap3A_404 = vector.shape_cast %add3A_397 : vector<16xf32> to vector<1x1x16xf32>
        tpu.vector_store %arg9[%swap3A_399, %swap3A_400, %swap3A_401], %swap3A_404 {strides = array<i32>} : memref<2x80x128xf32, #tpu.memory_space<vmem>>, vector<1x1x16xf32>,
        %get3A_405 = arith.constant 1 : i32
        %get3A_406 = arith.index_cast %get3A_405 : i32 to index
        %get3A_407 = arith.index_cast %scan3A_306 : i32 to index
        %get3A_408 = arith.constant 80 : index
        %get3A_409 = tpu.vector_load %arg9[%get3A_406, %get3A_407, %get3A_408] {strides = array<i32>} : memref<2x80x128xf32, #tpu.memory_space<vmem>>, vector<1x1x16xf32>,
        %get3A_410 = vector.shape_cast %get3A_409 : vector<1x1x16xf32> to vector<16xf32>
        %get3A_411 = arith.constant 1 : i32
        %get3A_412 = arith.index_cast %get3A_411 : i32 to index
        %get3A_413 = arith.index_cast %scan3A_306 : i32 to index
        %get3A_414 = arith.constant 80 : index
        %get3A_415 = tpu.vector_load %arg10[%get3A_412, %get3A_413, %get3A_414] {strides = array<i32>} : memref<2x80x128xf32, #tpu.memory_space<vmem>>, vector<1x1x16xf32>,
        %get3A_416 = vector.shape_cast %get3A_415 : vector<1x1x16xf32> to vector<16xf32>
        %add3A_417 = arith.addf %get3A_410, %get3A_416 : vector<16xf32>
        %swap3A_418 = arith.constant 1 : i32
        %swap3A_419 = arith.index_cast %swap3A_418 : i32 to index
        %swap3A_420 = arith.index_cast %scan3A_306 : i32 to index
        %swap3A_421 = arith.constant 80 : index
        %swap3A_422 = tpu.vector_load %arg9[%swap3A_419, %swap3A_420, %swap3A_421] {strides = array<i32>} : memref<2x80x128xf32, #tpu.memory_space<vmem>>, vector<1x1x16xf32>,
        %swap3A_423 = vector.shape_cast %swap3A_422 : vector<1x1x16xf32> to vector<16xf32>
        %swap3A_424 = vector.shape_cast %add3A_417 : vector<16xf32> to vector<1x1x16xf32>
        tpu.vector_store %arg9[%swap3A_419, %swap3A_420, %swap3A_421], %swap3A_424 {strides = array<i32>} : memref<2x80x128xf32, #tpu.memory_space<vmem>>, vector<1x1x16xf32>,
        %get3A_425 = arith.constant 1 : i32
        %get3A_426 = arith.index_cast %get3A_425 : i32 to index
        %get3A_427 = arith.index_cast %scan3A_306 : i32 to index
        %get3A_428 = arith.constant 96 : index
        %get3A_429 = tpu.vector_load %arg9[%get3A_426, %get3A_427, %get3A_428] {strides = array<i32>} : memref<2x80x128xf32, #tpu.memory_space<vmem>>, vector<1x1x16xf32>,
        %get3A_430 = vector.shape_cast %get3A_429 : vector<1x1x16xf32> to vector<16xf32>
        %get3A_431 = arith.constant 1 : i32
        %get3A_432 = arith.index_cast %get3A_431 : i32 to index
        %get3A_433 = arith.index_cast %scan3A_306 : i32 to index
        %get3A_434 = arith.constant 96 : index
        %get3A_435 = tpu.vector_load %arg10[%get3A_432, %get3A_433, %get3A_434] {strides = array<i32>} : memref<2x80x128xf32, #tpu.memory_space<vmem>>, vector<1x1x16xf32>,
        %get3A_436 = vector.shape_cast %get3A_435 : vector<1x1x16xf32> to vector<16xf32>
        %add3A_437 = arith.addf %get3A_430, %get3A_436 : vector<16xf32>
        %swap3A_438 = arith.constant 1 : i32
        %swap3A_439 = arith.index_cast %swap3A_438 : i32 to index
        %swap3A_440 = arith.index_cast %scan3A_306 : i32 to index
        %swap3A_441 = arith.constant 96 : index
        %swap3A_442 = tpu.vector_load %arg9[%swap3A_439, %swap3A_440, %swap3A_441] {strides = array<i32>} : memref<2x80x128xf32, #tpu.memory_space<vmem>>, vector<1x1x16xf32>,
        %swap3A_443 = vector.shape_cast %swap3A_442 : vector<1x1x16xf32> to vector<16xf32>
        %swap3A_444 = vector.shape_cast %add3A_437 : vector<16xf32> to vector<1x1x16xf32>
        tpu.vector_store %arg9[%swap3A_439, %swap3A_440, %swap3A_441], %swap3A_444 {strides = array<i32>} : memref<2x80x128xf32, #tpu.memory_space<vmem>>, vector<1x1x16xf32>,
        %get3A_445 = arith.constant 1 : i32
        %get3A_446 = arith.index_cast %get3A_445 : i32 to index
        %get3A_447 = arith.index_cast %scan3A_306 : i32 to index
        %get3A_448 = arith.constant 112 : index
        %get3A_449 = tpu.vector_load %arg9[%get3A_446, %get3A_447, %get3A_448] {strides = array<i32>} : memref<2x80x128xf32, #tpu.memory_space<vmem>>, vector<1x1x16xf32>,
        %get3A_450 = vector.shape_cast %get3A_449 : vector<1x1x16xf32> to vector<16xf32>
        %get3A_451 = arith.constant 1 : i32
        %get3A_452 = arith.index_cast %get3A_451 : i32 to index
        %get3A_453 = arith.index_cast %scan3A_306 : i32 to index
        %get3A_454 = arith.constant 112 : index
        %get3A_455 = tpu.vector_load %arg10[%get3A_452, %get3A_453, %get3A_454] {strides = array<i32>} : memref<2x80x128xf32, #tpu.memory_space<vmem>>, vector<1x1x16xf32>,
        %get3A_456 = vector.shape_cast %get3A_455 : vector<1x1x16xf32> to vector<16xf32>
        %add3A_457 = arith.addf %get3A_450, %get3A_456 : vector<16xf32>
        %swap3A_458 = arith.constant 1 : i32
        %swap3A_459 = arith.index_cast %swap3A_458 : i32 to index
        %swap3A_460 = arith.index_cast %scan3A_306 : i32 to index
        %swap3A_461 = arith.constant 112 : index
        %swap3A_462 = tpu.vector_load %arg9[%swap3A_459, %swap3A_460, %swap3A_461] {strides = array<i32>} : memref<2x80x128xf32, #tpu.memory_space<vmem>>, vector<1x1x16xf32>,
        %swap3A_463 = vector.shape_cast %swap3A_462 : vector<1x1x16xf32> to vector<16xf32>
        %swap3A_464 = vector.shape_cast %add3A_457 : vector<16xf32> to vector<1x1x16xf32>
        tpu.vector_store %arg9[%swap3A_459, %swap3A_460, %swap3A_461], %swap3A_464 {strides = array<i32>} : memref<2x80x128xf32, #tpu.memory_space<vmem>>, vector<1x1x16xf32>,
      }
      %scan3A_284 = arith.constant 80 : i32
      %mul3A_285 = arith.constant 10000 : i32
      %mul3A_286 = arith.muli %add3A, %mul3A_285 : i32
      %mul3A_287 = arith.constant 80 : i32
      %mul3A_288 = arith.muli %add3A_278, %mul3A_287 : i32
      %add3A_289 = arith.addi %mul3A_286, %mul3A_288 : i32
      %dma_start3A_290 = arith.constant 1 : i32
      %dma_start3A_291 = arith.constant 1 : i32
      %dma_start3A_292 = arith.constant 0 : i32
      %dma_start3A_293 = arith.constant 0 : i32
      %dma_start3A_294 = tpu.memref_slice %arg9[%dma_start3A_290, %dma_start3A_292, %dma_start3A_293] : memref<2x80x128xf32, #tpu.memory_space<vmem>> -> memref<1x80x128xf32, #tpu.memory_space<vmem>>
      %dma_start3A_295 = tpu.memref_squeeze %dma_start3A_294 : memref<1x80x128xf32, #tpu.memory_space<vmem>> -> memref<80x128xf32, #tpu.memory_space<vmem>>
      %dma_start3A_296 = arith.constant 0 : i32
      %dma_start3A_297 = tpu.memref_slice %arg6[%add3A_289, %dma_start3A_296] : memref<320000x128xf32, #tpu.memory_space<hbm>> -> memref<80x128xf32, #tpu.memory_space<hbm>>
      %dma_start3A_298 = tpu.memref_slice %arg13[%dma_start3A_291] : memref<2x!tpu.dma_semaphore, #tpu.memory_space<semaphore_mem>> -> memref<1x!tpu.dma_semaphore, #tpu.memory_space<semaphore_mem>>
      %dma_start3A_299 = tpu.memref_squeeze %dma_start3A_298 : memref<1x!tpu.dma_semaphore, #tpu.memory_space<semaphore_mem>> -> memref<!tpu.dma_semaphore, #tpu.memory_space<semaphore_mem>>
      %dma_start3A_300 = arith.constant 0 : i32
      %dma_start3A_301 = tpu.memref_slice %arg6[%add3A_289, %dma_start3A_300] : memref<320000x128xf32, #tpu.memory_space<hbm>> -> memref<80x128xf32, #tpu.memory_space<hbm>>
      %dma_start3A_302 = arith.constant 0 : i32
      %dma_start3A_303 = arith.constant 0 : i32
      %dma_start3A_304 = tpu.memref_slice %arg9[%dma_start3A_290, %dma_start3A_302, %dma_start3A_303] : memref<2x80x128xf32, #tpu.memory_space<vmem>> -> memref<1x80x128xf32, #tpu.memory_space<vmem>>
      %dma_start3A_305 = tpu.memref_squeeze %dma_start3A_304 : memref<1x80x128xf32, #tpu.memory_space<vmem>> -> memref<80x128xf32, #tpu.memory_space<vmem>>
      tpu.enqueue_dma source(%dma_start3A_305 : memref<80x128xf32, #tpu.memory_space<vmem>>) target(%dma_start3A_301 : memref<80x128xf32, #tpu.memory_space<hbm>>) target_semaphore(%dma_start3A_299 : memref<!tpu.dma_semaphore, #tpu.memory_space<semaphore_mem>>)
    }
    %scan3A_34 = arith.constant 62 : i32
    %dma_wait3A = arith.constant 124 : i32
    %dma_wait3A_35 = arith.constant 0 : i32
    %dma_wait3A_36 = arith.constant 0 : i32
    %dma_wait3A_37 = arith.constant 0 : i32
    %dma_wait3A_38 = arith.constant 0 : i32
    %dma_wait3A_39 = tpu.memref_slice %arg9[%dma_wait3A_35, %dma_wait3A_37, %dma_wait3A_38] : memref<2x80x128xf32, #tpu.memory_space<vmem>> -> memref<1x80x128xf32, #tpu.memory_space<vmem>>
    %dma_wait3A_40 = tpu.memref_squeeze %dma_wait3A_39 : memref<1x80x128xf32, #tpu.memory_space<vmem>> -> memref<80x128xf32, #tpu.memory_space<vmem>>
    %dma_wait3A_41 = arith.constant 0 : i32
    %dma_wait3A_42 = tpu.memref_slice %arg7[%dma_wait3A, %dma_wait3A_41] : memref<125x80xi32, #tpu.memory_space<vmem>> -> memref<1x80xi32, #tpu.memory_space<vmem>>
    %dma_wait3A_43 = tpu.memref_squeeze %dma_wait3A_42 : memref<1x80xi32, #tpu.memory_space<vmem>> -> memref<80xi32, #tpu.memory_space<vmem>>
    %dma_wait3A_44 = arith.constant 0 : i32
    %dma_wait3A_45 = arith.constant 0 : i32
    %dma_wait3A_46 = tpu.memref_slice %arg2[%dma_wait3A_44, %dma_wait3A_45] : memref<10000x128xf32, #tpu.memory_space<hbm>> -> memref<10000x128xf32, #tpu.memory_space<hbm>>
    %dma_wait3A_47 = tpu.memref_slice %arg11[%dma_wait3A_36] : memref<2x!tpu.dma_semaphore, #tpu.memory_space<semaphore_mem>> -> memref<1x!tpu.dma_semaphore, #tpu.memory_space<semaphore_mem>>
    %dma_wait3A_48 = tpu.memref_squeeze %dma_wait3A_47 : memref<1x!tpu.dma_semaphore, #tpu.memory_space<semaphore_mem>> -> memref<!tpu.dma_semaphore, #tpu.memory_space<semaphore_mem>>
    tpu.wait_indirect_dma semaphore(%dma_wait3A_48 : memref<!tpu.dma_semaphore, #tpu.memory_space<semaphore_mem>>) src(%dma_wait3A_46 : memref<10000x128xf32, #tpu.memory_space<hbm>>) dst(%dma_wait3A_40 : memref<80x128xf32, #tpu.memory_space<vmem>>)
    %dma_wait3A_49 = arith.constant 124 : i32
    %dma_wait3A_50 = arith.constant 0 : i32
    %dma_wait3A_51 = arith.constant 0 : i32
    %dma_wait3A_52 = arith.constant 0 : i32
    %dma_wait3A_53 = arith.constant 0 : i32
    %dma_wait3A_54 = tpu.memref_slice %arg10[%dma_wait3A_50, %dma_wait3A_52, %dma_wait3A_53] : memref<2x80x128xf32, #tpu.memory_space<vmem>> -> memref<1x80x128xf32, #tpu.memory_space<vmem>>
    %dma_wait3A_55 = tpu.memref_squeeze %dma_wait3A_54 : memref<1x80x128xf32, #tpu.memory_space<vmem>> -> memref<80x128xf32, #tpu.memory_space<vmem>>
    %dma_wait3A_56 = arith.constant 0 : i32
    %dma_wait3A_57 = tpu.memref_slice %arg8[%dma_wait3A_49, %dma_wait3A_56] : memref<125x80xi32, #tpu.memory_space<vmem>> -> memref<1x80xi32, #tpu.memory_space<vmem>>
    %dma_wait3A_58 = tpu.memref_squeeze %dma_wait3A_57 : memref<1x80xi32, #tpu.memory_space<vmem>> -> memref<80xi32, #tpu.memory_space<vmem>>
    %dma_wait3A_59 = arith.constant 0 : i32
    %dma_wait3A_60 = arith.constant 0 : i32
    %dma_wait3A_61 = tpu.memref_slice %arg3[%dma_wait3A_59, %dma_wait3A_60] : memref<10000x128xf32, #tpu.memory_space<hbm>> -> memref<10000x128xf32, #tpu.memory_space<hbm>>
    %dma_wait3A_62 = tpu.memref_slice %arg12[%dma_wait3A_51] : memref<2x!tpu.dma_semaphore, #tpu.memory_space<semaphore_mem>> -> memref<1x!tpu.dma_semaphore, #tpu.memory_space<semaphore_mem>>
    %dma_wait3A_63 = tpu.memref_squeeze %dma_wait3A_62 : memref<1x!tpu.dma_semaphore, #tpu.memory_space<semaphore_mem>> -> memref<!tpu.dma_semaphore, #tpu.memory_space<semaphore_mem>>
    tpu.wait_indirect_dma semaphore(%dma_wait3A_63 : memref<!tpu.dma_semaphore, #tpu.memory_space<semaphore_mem>>) src(%dma_wait3A_61 : memref<10000x128xf32, #tpu.memory_space<hbm>>) dst(%dma_wait3A_55 : memref<80x128xf32, #tpu.memory_space<vmem>>)
    %scan3A_64 = arith.constant 0 : i32
    %scan3A_65 = arith.constant 0 : i32
    %scan3A_66 = arith.constant 80 : i32
    %scan3A_67 = arith.addi %scan3A_65, %scan3A_66 : i32
    %scan3A_68 = arith.constant 1 : i32
    scf.for %scan3A_130 = %scan3A_65 to %scan3A_67 step %scan3A_68  : i32 {
      %get3A = arith.constant 0 : i32
      %get3A_131 = arith.index_cast %get3A : i32 to index
      %get3A_132 = arith.index_cast %scan3A_130 : i32 to index
      %get3A_133 = arith.constant 0 : index
      %get3A_134 = tpu.vector_load %arg9[%get3A_131, %get3A_132, %get3A_133] {strides = array<i32>} : memref<2x80x128xf32, #tpu.memory_space<vmem>>, vector<1x1x16xf32>,
      %get3A_135 = vector.shape_cast %get3A_134 : vector<1x1x16xf32> to vector<16xf32>
      %get3A_136 = arith.constant 0 : i32
      %get3A_137 = arith.index_cast %get3A_136 : i32 to index
      %get3A_138 = arith.index_cast %scan3A_130 : i32 to index
      %get3A_139 = arith.constant 0 : index
      %get3A_140 = tpu.vector_load %arg10[%get3A_137, %get3A_138, %get3A_139] {strides = array<i32>} : memref<2x80x128xf32, #tpu.memory_space<vmem>>, vector<1x1x16xf32>,
      %get3A_141 = vector.shape_cast %get3A_140 : vector<1x1x16xf32> to vector<16xf32>
      %add3A_142 = arith.addf %get3A_135, %get3A_141 : vector<16xf32>
      %swap3A = arith.constant 0 : i32
      %swap3A_143 = arith.index_cast %swap3A : i32 to index
      %swap3A_144 = arith.index_cast %scan3A_130 : i32 to index
      %swap3A_145 = arith.constant 0 : index
      %swap3A_146 = tpu.vector_load %arg9[%swap3A_143, %swap3A_144, %swap3A_145] {strides = array<i32>} : memref<2x80x128xf32, #tpu.memory_space<vmem>>, vector<1x1x16xf32>,
      %swap3A_147 = vector.shape_cast %swap3A_146 : vector<1x1x16xf32> to vector<16xf32>
      %swap3A_148 = vector.shape_cast %add3A_142 : vector<16xf32> to vector<1x1x16xf32>
      tpu.vector_store %arg9[%swap3A_143, %swap3A_144, %swap3A_145], %swap3A_148 {strides = array<i32>} : memref<2x80x128xf32, #tpu.memory_space<vmem>>, vector<1x1x16xf32>,
      %get3A_149 = arith.constant 0 : i32
      %get3A_150 = arith.index_cast %get3A_149 : i32 to index
      %get3A_151 = arith.index_cast %scan3A_130 : i32 to index
      %get3A_152 = arith.constant 16 : index
      %get3A_153 = tpu.vector_load %arg9[%get3A_150, %get3A_151, %get3A_152] {strides = array<i32>} : memref<2x80x128xf32, #tpu.memory_space<vmem>>, vector<1x1x16xf32>,
      %get3A_154 = vector.shape_cast %get3A_153 : vector<1x1x16xf32> to vector<16xf32>
      %get3A_155 = arith.constant 0 : i32
      %get3A_156 = arith.index_cast %get3A_155 : i32 to index
      %get3A_157 = arith.index_cast %scan3A_130 : i32 to index
      %get3A_158 = arith.constant 16 : index
      %get3A_159 = tpu.vector_load %arg10[%get3A_156, %get3A_157, %get3A_158] {strides = array<i32>} : memref<2x80x128xf32, #tpu.memory_space<vmem>>, vector<1x1x16xf32>,
      %get3A_160 = vector.shape_cast %get3A_159 : vector<1x1x16xf32> to vector<16xf32>
      %add3A_161 = arith.addf %get3A_154, %get3A_160 : vector<16xf32>
      %swap3A_162 = arith.constant 0 : i32
      %swap3A_163 = arith.index_cast %swap3A_162 : i32 to index
      %swap3A_164 = arith.index_cast %scan3A_130 : i32 to index
      %swap3A_165 = arith.constant 16 : index
      %swap3A_166 = tpu.vector_load %arg9[%swap3A_163, %swap3A_164, %swap3A_165] {strides = array<i32>} : memref<2x80x128xf32, #tpu.memory_space<vmem>>, vector<1x1x16xf32>,
      %swap3A_167 = vector.shape_cast %swap3A_166 : vector<1x1x16xf32> to vector<16xf32>
      %swap3A_168 = vector.shape_cast %add3A_161 : vector<16xf32> to vector<1x1x16xf32>
      tpu.vector_store %arg9[%swap3A_163, %swap3A_164, %swap3A_165], %swap3A_168 {strides = array<i32>} : memref<2x80x128xf32, #tpu.memory_space<vmem>>, vector<1x1x16xf32>,
      %get3A_169 = arith.constant 0 : i32
      %get3A_170 = arith.index_cast %get3A_169 : i32 to index
      %get3A_171 = arith.index_cast %scan3A_130 : i32 to index
      %get3A_172 = arith.constant 32 : index
      %get3A_173 = tpu.vector_load %arg9[%get3A_170, %get3A_171, %get3A_172] {strides = array<i32>} : memref<2x80x128xf32, #tpu.memory_space<vmem>>, vector<1x1x16xf32>,
      %get3A_174 = vector.shape_cast %get3A_173 : vector<1x1x16xf32> to vector<16xf32>
      %get3A_175 = arith.constant 0 : i32
      %get3A_176 = arith.index_cast %get3A_175 : i32 to index
      %get3A_177 = arith.index_cast %scan3A_130 : i32 to index
      %get3A_178 = arith.constant 32 : index
      %get3A_179 = tpu.vector_load %arg10[%get3A_176, %get3A_177, %get3A_178] {strides = array<i32>} : memref<2x80x128xf32, #tpu.memory_space<vmem>>, vector<1x1x16xf32>,
      %get3A_180 = vector.shape_cast %get3A_179 : vector<1x1x16xf32> to vector<16xf32>
      %add3A_181 = arith.addf %get3A_174, %get3A_180 : vector<16xf32>
      %swap3A_182 = arith.constant 0 : i32
      %swap3A_183 = arith.index_cast %swap3A_182 : i32 to index
      %swap3A_184 = arith.index_cast %scan3A_130 : i32 to index
      %swap3A_185 = arith.constant 32 : index
      %swap3A_186 = tpu.vector_load %arg9[%swap3A_183, %swap3A_184, %swap3A_185] {strides = array<i32>} : memref<2x80x128xf32, #tpu.memory_space<vmem>>, vector<1x1x16xf32>,
      %swap3A_187 = vector.shape_cast %swap3A_186 : vector<1x1x16xf32> to vector<16xf32>
      %swap3A_188 = vector.shape_cast %add3A_181 : vector<16xf32> to vector<1x1x16xf32>
      tpu.vector_store %arg9[%swap3A_183, %swap3A_184, %swap3A_185], %swap3A_188 {strides = array<i32>} : memref<2x80x128xf32, #tpu.memory_space<vmem>>, vector<1x1x16xf32>,
      %get3A_189 = arith.constant 0 : i32
      %get3A_190 = arith.index_cast %get3A_189 : i32 to index
      %get3A_191 = arith.index_cast %scan3A_130 : i32 to index
      %get3A_192 = arith.constant 48 : index
      %get3A_193 = tpu.vector_load %arg9[%get3A_190, %get3A_191, %get3A_192] {strides = array<i32>} : memref<2x80x128xf32, #tpu.memory_space<vmem>>, vector<1x1x16xf32>,
      %get3A_194 = vector.shape_cast %get3A_193 : vector<1x1x16xf32> to vector<16xf32>
      %get3A_195 = arith.constant 0 : i32
      %get3A_196 = arith.index_cast %get3A_195 : i32 to index
      %get3A_197 = arith.index_cast %scan3A_130 : i32 to index
      %get3A_198 = arith.constant 48 : index
      %get3A_199 = tpu.vector_load %arg10[%get3A_196, %get3A_197, %get3A_198] {strides = array<i32>} : memref<2x80x128xf32, #tpu.memory_space<vmem>>, vector<1x1x16xf32>,
      %get3A_200 = vector.shape_cast %get3A_199 : vector<1x1x16xf32> to vector<16xf32>
      %add3A_201 = arith.addf %get3A_194, %get3A_200 : vector<16xf32>
      %swap3A_202 = arith.constant 0 : i32
      %swap3A_203 = arith.index_cast %swap3A_202 : i32 to index
      %swap3A_204 = arith.index_cast %scan3A_130 : i32 to index
      %swap3A_205 = arith.constant 48 : index
      %swap3A_206 = tpu.vector_load %arg9[%swap3A_203, %swap3A_204, %swap3A_205] {strides = array<i32>} : memref<2x80x128xf32, #tpu.memory_space<vmem>>, vector<1x1x16xf32>,
      %swap3A_207 = vector.shape_cast %swap3A_206 : vector<1x1x16xf32> to vector<16xf32>
      %swap3A_208 = vector.shape_cast %add3A_201 : vector<16xf32> to vector<1x1x16xf32>
      tpu.vector_store %arg9[%swap3A_203, %swap3A_204, %swap3A_205], %swap3A_208 {strides = array<i32>} : memref<2x80x128xf32, #tpu.memory_space<vmem>>, vector<1x1x16xf32>,
      %get3A_209 = arith.constant 0 : i32
      %get3A_210 = arith.index_cast %get3A_209 : i32 to index
      %get3A_211 = arith.index_cast %scan3A_130 : i32 to index
      %get3A_212 = arith.constant 64 : index
      %get3A_213 = tpu.vector_load %arg9[%get3A_210, %get3A_211, %get3A_212] {strides = array<i32>} : memref<2x80x128xf32, #tpu.memory_space<vmem>>, vector<1x1x16xf32>,
      %get3A_214 = vector.shape_cast %get3A_213 : vector<1x1x16xf32> to vector<16xf32>
      %get3A_215 = arith.constant 0 : i32
      %get3A_216 = arith.index_cast %get3A_215 : i32 to index
      %get3A_217 = arith.index_cast %scan3A_130 : i32 to index
      %get3A_218 = arith.constant 64 : index
      %get3A_219 = tpu.vector_load %arg10[%get3A_216, %get3A_217, %get3A_218] {strides = array<i32>} : memref<2x80x128xf32, #tpu.memory_space<vmem>>, vector<1x1x16xf32>,
      %get3A_220 = vector.shape_cast %get3A_219 : vector<1x1x16xf32> to vector<16xf32>
      %add3A_221 = arith.addf %get3A_214, %get3A_220 : vector<16xf32>
      %swap3A_222 = arith.constant 0 : i32
      %swap3A_223 = arith.index_cast %swap3A_222 : i32 to index
      %swap3A_224 = arith.index_cast %scan3A_130 : i32 to index
      %swap3A_225 = arith.constant 64 : index
      %swap3A_226 = tpu.vector_load %arg9[%swap3A_223, %swap3A_224, %swap3A_225] {strides = array<i32>} : memref<2x80x128xf32, #tpu.memory_space<vmem>>, vector<1x1x16xf32>,
      %swap3A_227 = vector.shape_cast %swap3A_226 : vector<1x1x16xf32> to vector<16xf32>
      %swap3A_228 = vector.shape_cast %add3A_221 : vector<16xf32> to vector<1x1x16xf32>
      tpu.vector_store %arg9[%swap3A_223, %swap3A_224, %swap3A_225], %swap3A_228 {strides = array<i32>} : memref<2x80x128xf32, #tpu.memory_space<vmem>>, vector<1x1x16xf32>,
      %get3A_229 = arith.constant 0 : i32
      %get3A_230 = arith.index_cast %get3A_229 : i32 to index
      %get3A_231 = arith.index_cast %scan3A_130 : i32 to index
      %get3A_232 = arith.constant 80 : index
      %get3A_233 = tpu.vector_load %arg9[%get3A_230, %get3A_231, %get3A_232] {strides = array<i32>} : memref<2x80x128xf32, #tpu.memory_space<vmem>>, vector<1x1x16xf32>,
      %get3A_234 = vector.shape_cast %get3A_233 : vector<1x1x16xf32> to vector<16xf32>
      %get3A_235 = arith.constant 0 : i32
      %get3A_236 = arith.index_cast %get3A_235 : i32 to index
      %get3A_237 = arith.index_cast %scan3A_130 : i32 to index
      %get3A_238 = arith.constant 80 : index
      %get3A_239 = tpu.vector_load %arg10[%get3A_236, %get3A_237, %get3A_238] {strides = array<i32>} : memref<2x80x128xf32, #tpu.memory_space<vmem>>, vector<1x1x16xf32>,
      %get3A_240 = vector.shape_cast %get3A_239 : vector<1x1x16xf32> to vector<16xf32>
      %add3A_241 = arith.addf %get3A_234, %get3A_240 : vector<16xf32>
      %swap3A_242 = arith.constant 0 : i32
      %swap3A_243 = arith.index_cast %swap3A_242 : i32 to index
      %swap3A_244 = arith.index_cast %scan3A_130 : i32 to index
      %swap3A_245 = arith.constant 80 : index
      %swap3A_246 = tpu.vector_load %arg9[%swap3A_243, %swap3A_244, %swap3A_245] {strides = array<i32>} : memref<2x80x128xf32, #tpu.memory_space<vmem>>, vector<1x1x16xf32>,
      %swap3A_247 = vector.shape_cast %swap3A_246 : vector<1x1x16xf32> to vector<16xf32>
      %swap3A_248 = vector.shape_cast %add3A_241 : vector<16xf32> to vector<1x1x16xf32>
      tpu.vector_store %arg9[%swap3A_243, %swap3A_244, %swap3A_245], %swap3A_248 {strides = array<i32>} : memref<2x80x128xf32, #tpu.memory_space<vmem>>, vector<1x1x16xf32>,
      %get3A_249 = arith.constant 0 : i32
      %get3A_250 = arith.index_cast %get3A_249 : i32 to index
      %get3A_251 = arith.index_cast %scan3A_130 : i32 to index
      %get3A_252 = arith.constant 96 : index
      %get3A_253 = tpu.vector_load %arg9[%get3A_250, %get3A_251, %get3A_252] {strides = array<i32>} : memref<2x80x128xf32, #tpu.memory_space<vmem>>, vector<1x1x16xf32>,
      %get3A_254 = vector.shape_cast %get3A_253 : vector<1x1x16xf32> to vector<16xf32>
      %get3A_255 = arith.constant 0 : i32
      %get3A_256 = arith.index_cast %get3A_255 : i32 to index
      %get3A_257 = arith.index_cast %scan3A_130 : i32 to index
      %get3A_258 = arith.constant 96 : index
      %get3A_259 = tpu.vector_load %arg10[%get3A_256, %get3A_257, %get3A_258] {strides = array<i32>} : memref<2x80x128xf32, #tpu.memory_space<vmem>>, vector<1x1x16xf32>,
      %get3A_260 = vector.shape_cast %get3A_259 : vector<1x1x16xf32> to vector<16xf32>
      %add3A_261 = arith.addf %get3A_254, %get3A_260 : vector<16xf32>
      %swap3A_262 = arith.constant 0 : i32
      %swap3A_263 = arith.index_cast %swap3A_262 : i32 to index
      %swap3A_264 = arith.index_cast %scan3A_130 : i32 to index
      %swap3A_265 = arith.constant 96 : index
      %swap3A_266 = tpu.vector_load %arg9[%swap3A_263, %swap3A_264, %swap3A_265] {strides = array<i32>} : memref<2x80x128xf32, #tpu.memory_space<vmem>>, vector<1x1x16xf32>,
      %swap3A_267 = vector.shape_cast %swap3A_266 : vector<1x1x16xf32> to vector<16xf32>
      %swap3A_268 = vector.shape_cast %add3A_261 : vector<16xf32> to vector<1x1x16xf32>
      tpu.vector_store %arg9[%swap3A_263, %swap3A_264, %swap3A_265], %swap3A_268 {strides = array<i32>} : memref<2x80x128xf32, #tpu.memory_space<vmem>>, vector<1x1x16xf32>,
      %get3A_269 = arith.constant 0 : i32
      %get3A_270 = arith.index_cast %get3A_269 : i32 to index
      %get3A_271 = arith.index_cast %scan3A_130 : i32 to index
      %get3A_272 = arith.constant 112 : index
      %get3A_273 = tpu.vector_load %arg9[%get3A_270, %get3A_271, %get3A_272] {strides = array<i32>} : memref<2x80x128xf32, #tpu.memory_space<vmem>>, vector<1x1x16xf32>,
      %get3A_274 = vector.shape_cast %get3A_273 : vector<1x1x16xf32> to vector<16xf32>
      %get3A_275 = arith.constant 0 : i32
      %get3A_276 = arith.index_cast %get3A_275 : i32 to index
      %get3A_277 = arith.index_cast %scan3A_130 : i32 to index
      %get3A_278 = arith.constant 112 : index
      %get3A_279 = tpu.vector_load %arg10[%get3A_276, %get3A_277, %get3A_278] {strides = array<i32>} : memref<2x80x128xf32, #tpu.memory_space<vmem>>, vector<1x1x16xf32>,
      %get3A_280 = vector.shape_cast %get3A_279 : vector<1x1x16xf32> to vector<16xf32>
      %add3A_281 = arith.addf %get3A_274, %get3A_280 : vector<16xf32>
      %swap3A_282 = arith.constant 0 : i32
      %swap3A_283 = arith.index_cast %swap3A_282 : i32 to index
      %swap3A_284 = arith.index_cast %scan3A_130 : i32 to index
      %swap3A_285 = arith.constant 112 : index
      %swap3A_286 = tpu.vector_load %arg9[%swap3A_283, %swap3A_284, %swap3A_285] {strides = array<i32>} : memref<2x80x128xf32, #tpu.memory_space<vmem>>, vector<1x1x16xf32>,
      %swap3A_287 = vector.shape_cast %swap3A_286 : vector<1x1x16xf32> to vector<16xf32>
      %swap3A_288 = vector.shape_cast %add3A_281 : vector<16xf32> to vector<1x1x16xf32>
      tpu.vector_store %arg9[%swap3A_283, %swap3A_284, %swap3A_285], %swap3A_288 {strides = array<i32>} : memref<2x80x128xf32, #tpu.memory_space<vmem>>, vector<1x1x16xf32>,
    }
    %scan3A_69 = arith.constant 80 : i32
    %mul3A_70 = arith.constant 10000 : i32
    %mul3A_71 = arith.muli %add3A, %mul3A_70 : i32
    %add3A_72 = arith.constant 9920 : i32
    %add3A_73 = arith.addi %mul3A_71, %add3A_72 : i32
    %dma_start3A_74 = arith.constant 0 : i32
    %dma_start3A_75 = arith.constant 0 : i32
    %dma_start3A_76 = arith.constant 0 : i32
    %dma_start3A_77 = arith.constant 0 : i32
    %dma_start3A_78 = tpu.memref_slice %arg9[%dma_start3A_74, %dma_start3A_76, %dma_start3A_77] : memref<2x80x128xf32, #tpu.memory_space<vmem>> -> memref<1x80x128xf32, #tpu.memory_space<vmem>>
    %dma_start3A_79 = tpu.memref_squeeze %dma_start3A_78 : memref<1x80x128xf32, #tpu.memory_space<vmem>> -> memref<80x128xf32, #tpu.memory_space<vmem>>
    %dma_start3A_80 = arith.constant 0 : i32
    %dma_start3A_81 = tpu.memref_slice %arg6[%add3A_73, %dma_start3A_80] : memref<320000x128xf32, #tpu.memory_space<hbm>> -> memref<80x128xf32, #tpu.memory_space<hbm>>
    %dma_start3A_82 = tpu.memref_slice %arg13[%dma_start3A_75] : memref<2x!tpu.dma_semaphore, #tpu.memory_space<semaphore_mem>> -> memref<1x!tpu.dma_semaphore, #tpu.memory_space<semaphore_mem>>
    %dma_start3A_83 = tpu.memref_squeeze %dma_start3A_82 : memref<1x!tpu.dma_semaphore, #tpu.memory_space<semaphore_mem>> -> memref<!tpu.dma_semaphore, #tpu.memory_space<semaphore_mem>>
    %dma_start3A_84 = arith.constant 0 : i32
    %dma_start3A_85 = tpu.memref_slice %arg6[%add3A_73, %dma_start3A_84] : memref<320000x128xf32, #tpu.memory_space<hbm>> -> memref<80x128xf32, #tpu.memory_space<hbm>>
    %dma_start3A_86 = arith.constant 0 : i32
    %dma_start3A_87 = arith.constant 0 : i32
    %dma_start3A_88 = tpu.memref_slice %arg9[%dma_start3A_74, %dma_start3A_86, %dma_start3A_87] : memref<2x80x128xf32, #tpu.memory_space<vmem>> -> memref<1x80x128xf32, #tpu.memory_space<vmem>>
    %dma_start3A_89 = tpu.memref_squeeze %dma_start3A_88 : memref<1x80x128xf32, #tpu.memory_space<vmem>> -> memref<80x128xf32, #tpu.memory_space<vmem>>
    tpu.enqueue_dma source(%dma_start3A_89 : memref<80x128xf32, #tpu.memory_space<vmem>>) target(%dma_start3A_85 : memref<80x128xf32, #tpu.memory_space<hbm>>) target_semaphore(%dma_start3A_83 : memref<!tpu.dma_semaphore, #tpu.memory_space<semaphore_mem>>)
    %mul3A_90 = arith.constant 10000 : i32
    %mul3A_91 = arith.muli %add3A, %mul3A_90 : i32
    %add3A_92 = arith.constant 9840 : i32
    %add3A_93 = arith.addi %mul3A_91, %add3A_92 : i32
    %dma_wait3A_94 = arith.constant 1 : i32
    %dma_wait3A_95 = arith.constant 1 : i32
    %dma_wait3A_96 = arith.constant 0 : i32
    %dma_wait3A_97 = arith.constant 0 : i32
    %dma_wait3A_98 = tpu.memref_slice %arg9[%dma_wait3A_94, %dma_wait3A_96, %dma_wait3A_97] : memref<2x80x128xf32, #tpu.memory_space<vmem>> -> memref<1x80x128xf32, #tpu.memory_space<vmem>>
    %dma_wait3A_99 = tpu.memref_squeeze %dma_wait3A_98 : memref<1x80x128xf32, #tpu.memory_space<vmem>> -> memref<80x128xf32, #tpu.memory_space<vmem>>
    %dma_wait3A_100 = arith.constant 0 : i32
    %dma_wait3A_101 = tpu.memref_slice %arg6[%add3A_93, %dma_wait3A_100] : memref<320000x128xf32, #tpu.memory_space<hbm>> -> memref<80x128xf32, #tpu.memory_space<hbm>>
    %dma_wait3A_102 = tpu.memref_slice %arg13[%dma_wait3A_95] : memref<2x!tpu.dma_semaphore, #tpu.memory_space<semaphore_mem>> -> memref<1x!tpu.dma_semaphore, #tpu.memory_space<semaphore_mem>>
    %dma_wait3A_103 = tpu.memref_squeeze %dma_wait3A_102 : memref<1x!tpu.dma_semaphore, #tpu.memory_space<semaphore_mem>> -> memref<!tpu.dma_semaphore, #tpu.memory_space<semaphore_mem>>
    %dma_wait3A_104 = arith.constant 0 : i32
    %dma_wait3A_105 = tpu.memref_slice %arg6[%add3A_93, %dma_wait3A_104] : memref<320000x128xf32, #tpu.memory_space<hbm>> -> memref<80x128xf32, #tpu.memory_space<hbm>>
    %dma_wait3A_106 = arith.constant 0 : i32
    %dma_wait3A_107 = arith.constant 0 : i32
    %dma_wait3A_108 = tpu.memref_slice %arg9[%dma_wait3A_94, %dma_wait3A_106, %dma_wait3A_107] : memref<2x80x128xf32, #tpu.memory_space<vmem>> -> memref<1x80x128xf32, #tpu.memory_space<vmem>>
    %dma_wait3A_109 = tpu.memref_squeeze %dma_wait3A_108 : memref<1x80x128xf32, #tpu.memory_space<vmem>> -> memref<80x128xf32, #tpu.memory_space<vmem>>
    tpu.wait_dma2 semaphore(%dma_wait3A_103 : memref<!tpu.dma_semaphore, #tpu.memory_space<semaphore_mem>>) src(%dma_wait3A_109 : memref<80x128xf32, #tpu.memory_space<vmem>>) dst(%dma_wait3A_105 : memref<80x128xf32, #tpu.memory_space<hbm>>)
    %mul3A_110 = arith.constant 10000 : i32
    %mul3A_111 = arith.muli %add3A, %mul3A_110 : i32
    %add3A_112 = arith.constant 9920 : i32
    %add3A_113 = arith.addi %mul3A_111, %add3A_112 : i32
    %dma_wait3A_114 = arith.constant 0 : i32
    %dma_wait3A_115 = arith.constant 0 : i32
    %dma_wait3A_116 = arith.constant 0 : i32
    %dma_wait3A_117 = arith.constant 0 : i32
    %dma_wait3A_118 = tpu.memref_slice %arg9[%dma_wait3A_114, %dma_wait3A_116, %dma_wait3A_117] : memref<2x80x128xf32, #tpu.memory_space<vmem>> -> memref<1x80x128xf32, #tpu.memory_space<vmem>>
    %dma_wait3A_119 = tpu.memref_squeeze %dma_wait3A_118 : memref<1x80x128xf32, #tpu.memory_space<vmem>> -> memref<80x128xf32, #tpu.memory_space<vmem>>
    %dma_wait3A_120 = arith.constant 0 : i32
    %dma_wait3A_121 = tpu.memref_slice %arg6[%add3A_113, %dma_wait3A_120] : memref<320000x128xf32, #tpu.memory_space<hbm>> -> memref<80x128xf32, #tpu.memory_space<hbm>>
    %dma_wait3A_122 = tpu.memref_slice %arg13[%dma_wait3A_115] : memref<2x!tpu.dma_semaphore, #tpu.memory_space<semaphore_mem>> -> memref<1x!tpu.dma_semaphore, #tpu.memory_space<semaphore_mem>>
    %dma_wait3A_123 = tpu.memref_squeeze %dma_wait3A_122 : memref<1x!tpu.dma_semaphore, #tpu.memory_space<semaphore_mem>> -> memref<!tpu.dma_semaphore, #tpu.memory_space<semaphore_mem>>
    %dma_wait3A_124 = arith.constant 0 : i32
    %dma_wait3A_125 = tpu.memref_slice %arg6[%add3A_113, %dma_wait3A_124] : memref<320000x128xf32, #tpu.memory_space<hbm>> -> memref<80x128xf32, #tpu.memory_space<hbm>>
    %dma_wait3A_126 = arith.constant 0 : i32
    %dma_wait3A_127 = arith.constant 0 : i32
    %dma_wait3A_128 = tpu.memref_slice %arg9[%dma_wait3A_114, %dma_wait3A_126, %dma_wait3A_127] : memref<2x80x128xf32, #tpu.memory_space<vmem>> -> memref<1x80x128xf32, #tpu.memory_space<vmem>>
    %dma_wait3A_129 = tpu.memref_squeeze %dma_wait3A_128 : memref<1x80x128xf32, #tpu.memory_space<vmem>> -> memref<80x128xf32, #tpu.memory_space<vmem>>
    tpu.wait_dma2 semaphore(%dma_wait3A_123 : memref<!tpu.dma_semaphore, #tpu.memory_space<semaphore_mem>>) src(%dma_wait3A_129 : memref<80x128xf32, #tpu.memory_space<vmem>>) dst(%dma_wait3A_125 : memref<80x128xf32, #tpu.memory_space<hbm>>)
    return
  }
}

module attributes {stable_mosaic.version = 14 : i64} {
  func.func @_pre_body(%arg0: memref<10000x128xf32, #tpu.memory_space<vmem>>, %arg1: memref<128x128xf32, #tpu.memory_space<vmem>>, %arg2: memref<128x128xf32, #tpu.memory_space<vmem>>, %arg3: memref<1x128xf32, #tpu.memory_space<vmem>>, %arg4: memref<128x128xf32, #tpu.memory_space<vmem>>, %arg5: memref<1x128xf32, #tpu.memory_space<vmem>>, %arg6: memref<10000x128xf32, #tpu.memory_space<vmem>>, %arg7: memref<10000x128xf32, #tpu.memory_space<vmem>>, %arg8: memref<1x128xf32, #tpu.memory_space<vmem>>) attributes {dimension_semantics = [], scalar_prefetch = 0 : i64, scratch_operands = 0 : i64, tpu.core_type = #tpu.core_type<tc>} {
    %get3A = arith.constant 0 : index
    %get3A_0 = arith.constant 0 : index
    %get3A_1 = vector.load %arg0[%get3A, %get3A_0] : memref<10000x128xf32, #tpu.memory_space<vmem>>, vector<10000x128xf32>
    %get3A_2 = arith.constant 0 : index
    %get3A_3 = arith.constant 0 : index
    %get3A_4 = vector.load %arg1[%get3A_2, %get3A_3] : memref<128x128xf32, #tpu.memory_space<vmem>>, vector<128x128xf32>
    %dot_general3A = arith.constant dense<0.000000e+00> : vector<10000x128xf32>
    %dot_general3A_5 = tpu.matmul %get3A_1, %get3A_4, %dot_general3A {dimension_numbers = #tpu.dot_dimension_numbers<[1], [0], [0], [1], [0, 0, 1, 1], [], []>, transpose_lhs_hint = false} : vector<10000x128xf32>, vector<128x128xf32>, vector<10000x128xf32> -> vector<10000x128xf32>
    %swap3A = arith.constant 0 : index
    %swap3A_6 = arith.constant 0 : index
    %swap3A_7 = vector.load %arg6[%swap3A, %swap3A_6] : memref<10000x128xf32, #tpu.memory_space<vmem>>, vector<10000x128xf32>
    tpu.vector_store %arg6[%swap3A, %swap3A_6], %dot_general3A_5 {strides = array<i32>} : memref<10000x128xf32, #tpu.memory_space<vmem>>, vector<10000x128xf32>,
    %get3A_8 = arith.constant 0 : index
    %get3A_9 = arith.constant 0 : index
    %get3A_10 = vector.load %arg2[%get3A_8, %get3A_9] : memref<128x128xf32, #tpu.memory_space<vmem>>, vector<128x128xf32>
    %dot_general3A_11 = arith.constant dense<0.000000e+00> : vector<10000x128xf32>
    %dot_general3A_12 = tpu.matmul %get3A_1, %get3A_10, %dot_general3A_11 {dimension_numbers = #tpu.dot_dimension_numbers<[1], [0], [0], [1], [0, 0, 1, 1], [], []>, transpose_lhs_hint = false} : vector<10000x128xf32>, vector<128x128xf32>, vector<10000x128xf32> -> vector<10000x128xf32>
    %swap3A_13 = arith.constant 0 : index
    %swap3A_14 = arith.constant 0 : index
    %swap3A_15 = vector.load %arg7[%swap3A_13, %swap3A_14] : memref<10000x128xf32, #tpu.memory_space<vmem>>, vector<10000x128xf32>
    tpu.vector_store %arg7[%swap3A_13, %swap3A_14], %dot_general3A_12 {strides = array<i32>} : memref<10000x128xf32, #tpu.memory_space<vmem>>, vector<10000x128xf32>,
    %get3A_16 = arith.constant 0 : index
    %get3A_17 = arith.constant 0 : index
    %get3A_18 = vector.load %arg3[%get3A_16, %get3A_17] : memref<1x128xf32, #tpu.memory_space<vmem>>, vector<1x128xf32>
    %get3A_19 = arith.constant 0 : index
    %get3A_20 = arith.constant 0 : index
    %get3A_21 = vector.load %arg4[%get3A_19, %get3A_20] : memref<128x128xf32, #tpu.memory_space<vmem>>, vector<128x128xf32>
    %dot_general3A_22 = arith.constant dense<0.000000e+00> : vector<1x128xf32>
    %dot_general3A_23 = tpu.matmul %get3A_18, %get3A_21, %dot_general3A_22 {dimension_numbers = #tpu.dot_dimension_numbers<[1], [0], [0], [1], [0, 0, 1, 1], [], []>, transpose_lhs_hint = false} : vector<1x128xf32>, vector<128x128xf32>, vector<1x128xf32> -> vector<1x128xf32>
    %get3A_24 = arith.constant 0 : index
    %get3A_25 = arith.constant 0 : index
    %get3A_26 = vector.load %arg5[%get3A_24, %get3A_25] : memref<1x128xf32, #tpu.memory_space<vmem>>, vector<1x128xf32>
    %add3A = arith.addf %dot_general3A_23, %get3A_26 : vector<1x128xf32>
    %swap3A_27 = arith.constant 0 : index
    %swap3A_28 = arith.constant 0 : index
    %swap3A_29 = vector.load %arg8[%swap3A_27, %swap3A_28] : memref<1x128xf32, #tpu.memory_space<vmem>>, vector<1x128xf32>
    tpu.vector_store %arg8[%swap3A_27, %swap3A_28], %add3A {strides = array<i32>} : memref<1x128xf32, #tpu.memory_space<vmem>>, vector<1x128xf32>,
    return
  }
}

module attributes {stable_mosaic.version = 14 : i64} {
  func.func @_edge_body(%arg0: i32, %arg1: memref<4000x128xf32, #tpu.memory_space<vmem>>, %arg2: memref<4000x16xf32, #tpu.memory_space<vmem>>, %arg3: memref<16x128xf32, #tpu.memory_space<vmem>>, %arg4: memref<1x128xf32, #tpu.memory_space<vmem>>, %arg5: memref<128x128xf32, #tpu.memory_space<vmem>>, %arg6: memref<1x128xf32, #tpu.memory_space<vmem>>, %arg7: memref<128x128xf32, #tpu.memory_space<vmem>>, %arg8: memref<1x128xf32, #tpu.memory_space<vmem>>, %arg9: memref<128x128xf32, #tpu.memory_space<vmem>>, %arg10: memref<1x128xf32, #tpu.memory_space<vmem>>, %arg11: memref<4000x128xf32, #tpu.memory_space<vmem>>) attributes {dimension_semantics = [#tpu.dimension_semantics<arbitrary>], iteration_bounds = array<i64: 80>, scalar_prefetch = 0 : i64, scratch_operands = 0 : i64, tpu.core_type = #tpu.core_type<tc>, window_params = [{transform_indices = @transform_0, window_bounds = array<i64: 4000, 128>}, {transform_indices = @transform_1, window_bounds = array<i64: 4000, 16>}, {pipeline_mode = #tpu.pipeline_mode<synchronous>, transform_indices = @transform_2, window_bounds = array<i64: 16, 128>}, {pipeline_mode = #tpu.pipeline_mode<synchronous>, transform_indices = @transform_3, window_bounds = array<i64: 1, 128>}, {pipeline_mode = #tpu.pipeline_mode<synchronous>, transform_indices = @transform_4, window_bounds = array<i64: 128, 128>}, {pipeline_mode = #tpu.pipeline_mode<synchronous>, transform_indices = @transform_5, window_bounds = array<i64: 1, 128>}, {pipeline_mode = #tpu.pipeline_mode<synchronous>, transform_indices = @transform_6, window_bounds = array<i64: 128, 128>}, {pipeline_mode = #tpu.pipeline_mode<synchronous>, transform_indices = @transform_7, window_bounds = array<i64: 1, 128>}, {pipeline_mode = #tpu.pipeline_mode<synchronous>, transform_indices = @transform_8, window_bounds = array<i64: 128, 128>}, {pipeline_mode = #tpu.pipeline_mode<synchronous>, transform_indices = @transform_9, window_bounds = array<i64: 1, 128>}, {transform_indices = @transform_10, window_bounds = array<i64: 4000, 128>}]} {
    %get3A = arith.constant 0 : index
    %get3A_0 = arith.constant 0 : index
    %get3A_1 = vector.load %arg1[%get3A, %get3A_0] : memref<4000x128xf32, #tpu.memory_space<vmem>>, vector<4000x128xf32>
    %get3A_2 = arith.constant 0 : index
    %get3A_3 = arith.constant 0 : index
    %get3A_4 = vector.load %arg2[%get3A_2, %get3A_3] : memref<4000x16xf32, #tpu.memory_space<vmem>>, vector<4000x16xf32>
    %get3A_5 = arith.constant 0 : index
    %get3A_6 = arith.constant 0 : index
    %get3A_7 = vector.load %arg3[%get3A_5, %get3A_6] : memref<16x128xf32, #tpu.memory_space<vmem>>, vector<16x128xf32>
    %dot_general3A = arith.constant dense<0.000000e+00> : vector<4000x128xf32>
    %dot_general3A_8 = tpu.matmul %get3A_4, %get3A_7, %dot_general3A {dimension_numbers = #tpu.dot_dimension_numbers<[1], [0], [0], [1], [0, 0, 1, 1], [], []>, transpose_lhs_hint = false} : vector<4000x16xf32>, vector<16x128xf32>, vector<4000x128xf32> -> vector<4000x128xf32>
    %add3A = arith.addf %get3A_1, %dot_general3A_8 : vector<4000x128xf32>
    %get3A_9 = arith.constant 0 : index
    %get3A_10 = arith.constant 0 : index
    %get3A_11 = vector.load %arg4[%get3A_9, %get3A_10] : memref<1x128xf32, #tpu.memory_space<vmem>>, vector<1x128xf32>
    %add3A_12 = vector.broadcast %get3A_11 : vector<1x128xf32> to vector<4000x128xf32>
    %add3A_13 = arith.addf %add3A, %add3A_12 : vector<4000x128xf32>
    %max3A = arith.constant 0.000000e+00 : f32
    %max3A_14 = vector.broadcast %max3A : f32 to vector<4000x128xf32>
    %max3A_15 = arith.maximumf %add3A_13, %max3A_14 : vector<4000x128xf32>
    %get3A_16 = arith.constant 0 : index
    %get3A_17 = arith.constant 0 : index
    %get3A_18 = vector.load %arg5[%get3A_16, %get3A_17] : memref<128x128xf32, #tpu.memory_space<vmem>>, vector<128x128xf32>
    %dot_general3A_19 = arith.constant dense<0.000000e+00> : vector<4000x128xf32>
    %dot_general3A_20 = tpu.matmul %max3A_15, %get3A_18, %dot_general3A_19 {dimension_numbers = #tpu.dot_dimension_numbers<[1], [0], [0], [1], [0, 0, 1, 1], [], []>, transpose_lhs_hint = false} : vector<4000x128xf32>, vector<128x128xf32>, vector<4000x128xf32> -> vector<4000x128xf32>
    %get3A_21 = arith.constant 0 : index
    %get3A_22 = arith.constant 0 : index
    %get3A_23 = vector.load %arg6[%get3A_21, %get3A_22] : memref<1x128xf32, #tpu.memory_space<vmem>>, vector<1x128xf32>
    %add3A_24 = vector.broadcast %get3A_23 : vector<1x128xf32> to vector<4000x128xf32>
    %add3A_25 = arith.addf %dot_general3A_20, %add3A_24 : vector<4000x128xf32>
    %max3A_26 = arith.constant 0.000000e+00 : f32
    %max3A_27 = vector.broadcast %max3A_26 : f32 to vector<4000x128xf32>
    %max3A_28 = arith.maximumf %add3A_25, %max3A_27 : vector<4000x128xf32>
    %get3A_29 = arith.constant 0 : index
    %get3A_30 = arith.constant 0 : index
    %get3A_31 = vector.load %arg7[%get3A_29, %get3A_30] : memref<128x128xf32, #tpu.memory_space<vmem>>, vector<128x128xf32>
    %dot_general3A_32 = arith.constant dense<0.000000e+00> : vector<4000x128xf32>
    %dot_general3A_33 = tpu.matmul %max3A_28, %get3A_31, %dot_general3A_32 {dimension_numbers = #tpu.dot_dimension_numbers<[1], [0], [0], [1], [0, 0, 1, 1], [], []>, transpose_lhs_hint = false} : vector<4000x128xf32>, vector<128x128xf32>, vector<4000x128xf32> -> vector<4000x128xf32>
    %get3A_34 = arith.constant 0 : index
    %get3A_35 = arith.constant 0 : index
    %get3A_36 = vector.load %arg8[%get3A_34, %get3A_35] : memref<1x128xf32, #tpu.memory_space<vmem>>, vector<1x128xf32>
    %add3A_37 = vector.broadcast %get3A_36 : vector<1x128xf32> to vector<4000x128xf32>
    %add3A_38 = arith.addf %dot_general3A_33, %add3A_37 : vector<4000x128xf32>
    %max3A_39 = arith.constant 0.000000e+00 : f32
    %max3A_40 = vector.broadcast %max3A_39 : f32 to vector<4000x128xf32>
    %max3A_41 = arith.maximumf %add3A_38, %max3A_40 : vector<4000x128xf32>
    %get3A_42 = arith.constant 0 : index
    %get3A_43 = arith.constant 0 : index
    %get3A_44 = vector.load %arg9[%get3A_42, %get3A_43] : memref<128x128xf32, #tpu.memory_space<vmem>>, vector<128x128xf32>
    %dot_general3A_45 = arith.constant dense<0.000000e+00> : vector<4000x128xf32>
    %dot_general3A_46 = tpu.matmul %max3A_41, %get3A_44, %dot_general3A_45 {dimension_numbers = #tpu.dot_dimension_numbers<[1], [0], [0], [1], [0, 0, 1, 1], [], []>, transpose_lhs_hint = false} : vector<4000x128xf32>, vector<128x128xf32>, vector<4000x128xf32> -> vector<4000x128xf32>
    %get3A_47 = arith.constant 0 : index
    %get3A_48 = arith.constant 0 : index
    %get3A_49 = vector.load %arg10[%get3A_47, %get3A_48] : memref<1x128xf32, #tpu.memory_space<vmem>>, vector<1x128xf32>
    %add3A_50 = vector.broadcast %get3A_49 : vector<1x128xf32> to vector<4000x128xf32>
    %add3A_51 = arith.addf %dot_general3A_46, %add3A_50 : vector<4000x128xf32>
    %swap3A = arith.constant 0 : index
    %swap3A_52 = arith.constant 0 : index
    %swap3A_53 = vector.load %arg11[%swap3A, %swap3A_52] : memref<4000x128xf32, #tpu.memory_space<vmem>>, vector<4000x128xf32>
    tpu.vector_store %arg11[%swap3A, %swap3A_52], %add3A_51 {strides = array<i32>} : memref<4000x128xf32, #tpu.memory_space<vmem>>, vector<4000x128xf32>,
    return
  }
  func.func @transform_0(%arg0: i32) -> (i32, i32) {
    %c0_i32 = arith.constant 0 : i32
    %c0_i32_0 = arith.constant 0 : i32
    return %arg0, %c0_i32 : i32, i32
  }
  func.func @transform_1(%arg0: i32) -> (i32, i32) {
    %c0_i32 = arith.constant 0 : i32
    %c0_i32_0 = arith.constant 0 : i32
    return %arg0, %c0_i32 : i32, i32
  }
  func.func @transform_2(%arg0: i32) -> (i32, i32) {
    %c0_i32 = arith.constant 0 : i32
    %c0_i32_0 = arith.constant 0 : i32
    %c0_i32_1 = arith.constant 0 : i32
    return %c0_i32, %c0_i32_0 : i32, i32
  }
  func.func @transform_3(%arg0: i32) -> (i32, i32) {
    %c0_i32 = arith.constant 0 : i32
    %c0_i32_0 = arith.constant 0 : i32
    %c0_i32_1 = arith.constant 0 : i32
    return %c0_i32, %c0_i32_0 : i32, i32
  }
  func.func @transform_4(%arg0: i32) -> (i32, i32) {
    %c0_i32 = arith.constant 0 : i32
    %c0_i32_0 = arith.constant 0 : i32
    %c0_i32_1 = arith.constant 0 : i32
    return %c0_i32, %c0_i32_0 : i32, i32
  }
  func.func @transform_5(%arg0: i32) -> (i32, i32) {
    %c0_i32 = arith.constant 0 : i32
    %c0_i32_0 = arith.constant 0 : i32
    %c0_i32_1 = arith.constant 0 : i32
    return %c0_i32, %c0_i32_0 : i32, i32
  }
  func.func @transform_6(%arg0: i32) -> (i32, i32) {
    %c0_i32 = arith.constant 0 : i32
    %c0_i32_0 = arith.constant 0 : i32
    %c0_i32_1 = arith.constant 0 : i32
    return %c0_i32, %c0_i32_0 : i32, i32
  }
  func.func @transform_7(%arg0: i32) -> (i32, i32) {
    %c0_i32 = arith.constant 0 : i32
    %c0_i32_0 = arith.constant 0 : i32
    %c0_i32_1 = arith.constant 0 : i32
    return %c0_i32, %c0_i32_0 : i32, i32
  }
  func.func @transform_8(%arg0: i32) -> (i32, i32) {
    %c0_i32 = arith.constant 0 : i32
    %c0_i32_0 = arith.constant 0 : i32
    %c0_i32_1 = arith.constant 0 : i32
    return %c0_i32, %c0_i32_0 : i32, i32
  }
  func.func @transform_9(%arg0: i32) -> (i32, i32) {
    %c0_i32 = arith.constant 0 : i32
    %c0_i32_0 = arith.constant 0 : i32
    %c0_i32_1 = arith.constant 0 : i32
    return %c0_i32, %c0_i32_0 : i32, i32
  }
  func.func @transform_10(%arg0: i32) -> (i32, i32) {
    %add3A = arith.constant 0 : i32
    %add3A_0 = arith.addi %arg0, %add3A : i32
    %c0_i32 = arith.constant 0 : i32
    %c0_i32_1 = arith.constant 0 : i32
    return %add3A_0, %c0_i32 : i32, i32
  }
}

module attributes {stable_mosaic.version = 14 : i64} {
  func.func @_node_body(%arg0: memref<10000x128xf32, #tpu.memory_space<vmem>>, %arg1: memref<10000x128xf32, #tpu.memory_space<vmem>>, %arg2: memref<10000x128xf32, #tpu.memory_space<vmem>>, %arg3: memref<1x128xf32, #tpu.memory_space<vmem>>, %arg4: memref<128x128xf32, #tpu.memory_space<vmem>>, %arg5: memref<128x128xf32, #tpu.memory_space<vmem>>, %arg6: memref<128x128xf32, #tpu.memory_space<vmem>>, %arg7: memref<1x128xf32, #tpu.memory_space<vmem>>, %arg8: memref<128x128xf32, #tpu.memory_space<vmem>>, %arg9: memref<1x128xf32, #tpu.memory_space<vmem>>, %arg10: memref<128x128xf32, #tpu.memory_space<vmem>>, %arg11: memref<1x128xf32, #tpu.memory_space<vmem>>, %arg12: memref<128x128xf32, #tpu.memory_space<vmem>>, %arg13: memref<1x128xf32, #tpu.memory_space<vmem>>, %arg14: memref<128x128xf32, #tpu.memory_space<vmem>>, %arg15: memref<128x128xf32, #tpu.memory_space<vmem>>, %arg16: memref<128x128xf32, #tpu.memory_space<vmem>>, %arg17: memref<1x128xf32, #tpu.memory_space<vmem>>, %arg18: memref<128x128xf32, #tpu.memory_space<vmem>>, %arg19: memref<1x128xf32, #tpu.memory_space<vmem>>, %arg20: memref<128x128xf32, #tpu.memory_space<vmem>>, %arg21: memref<1x128xf32, #tpu.memory_space<vmem>>, %arg22: memref<128x128xf32, #tpu.memory_space<vmem>>, %arg23: memref<1x128xf32, #tpu.memory_space<vmem>>, %arg24: memref<1x1xf32, #tpu.memory_space<vmem>>, %arg25: memref<1x1xf32, #tpu.memory_space<vmem>>, %arg26: memref<10000x128xf32, #tpu.memory_space<vmem>>, %arg27: memref<1x128xf32, #tpu.memory_space<vmem>>) attributes {dimension_semantics = [], scalar_prefetch = 0 : i64, scratch_operands = 0 : i64, tpu.core_type = #tpu.core_type<tc>} {
    %get3A = arith.constant 0 : index
    %get3A_0 = arith.constant 0 : index
    %get3A_1 = vector.load %arg1[%get3A, %get3A_0] : memref<10000x128xf32, #tpu.memory_space<vmem>>, vector<10000x128xf32>
    %get3A_2 = arith.constant 0 : index
    %get3A_3 = arith.constant 0 : index
    %get3A_4 = vector.load %arg2[%get3A_2, %get3A_3] : memref<10000x128xf32, #tpu.memory_space<vmem>>, vector<10000x128xf32>
    %add3A = arith.addf %get3A_1, %get3A_4 : vector<10000x128xf32>
    %get3A_5 = arith.constant 0 : index
    %get3A_6 = arith.constant 0 : index
    %get3A_7 = vector.load %arg3[%get3A_5, %get3A_6] : memref<1x128xf32, #tpu.memory_space<vmem>>, vector<1x128xf32>
    %get3A_8 = arith.constant 0 : index
    %get3A_9 = arith.constant 0 : index
    %get3A_10 = vector.load %arg0[%get3A_8, %get3A_9] : memref<10000x128xf32, #tpu.memory_space<vmem>>, vector<10000x128xf32>
    %get3A_11 = arith.constant 0 : index
    %get3A_12 = arith.constant 0 : index
    %get3A_13 = vector.load %arg4[%get3A_11, %get3A_12] : memref<128x128xf32, #tpu.memory_space<vmem>>, vector<128x128xf32>
    %dot_general3A = arith.constant dense<0.000000e+00> : vector<10000x128xf32>
    %dot_general3A_14 = tpu.matmul %get3A_10, %get3A_13, %dot_general3A {dimension_numbers = #tpu.dot_dimension_numbers<[1], [0], [0], [1], [0, 0, 1, 1], [], []>, transpose_lhs_hint = false} : vector<10000x128xf32>, vector<128x128xf32>, vector<10000x128xf32> -> vector<10000x128xf32>
    %get3A_15 = arith.constant 0 : index
    %get3A_16 = arith.constant 0 : index
    %get3A_17 = vector.load %arg5[%get3A_15, %get3A_16] : memref<128x128xf32, #tpu.memory_space<vmem>>, vector<128x128xf32>
    %dot_general3A_18 = arith.constant dense<0.000000e+00> : vector<10000x128xf32>
    %dot_general3A_19 = tpu.matmul %add3A, %get3A_17, %dot_general3A_18 {dimension_numbers = #tpu.dot_dimension_numbers<[1], [0], [0], [1], [0, 0, 1, 1], [], []>, transpose_lhs_hint = false} : vector<10000x128xf32>, vector<128x128xf32>, vector<10000x128xf32> -> vector<10000x128xf32>
    %add3A_20 = arith.addf %dot_general3A_14, %dot_general3A_19 : vector<10000x128xf32>
    %get3A_21 = arith.constant 0 : index
    %get3A_22 = arith.constant 0 : index
    %get3A_23 = vector.load %arg6[%get3A_21, %get3A_22] : memref<128x128xf32, #tpu.memory_space<vmem>>, vector<128x128xf32>
    %dot_general3A_24 = arith.constant dense<0.000000e+00> : vector<1x128xf32>
    %dot_general3A_25 = tpu.matmul %get3A_7, %get3A_23, %dot_general3A_24 {dimension_numbers = #tpu.dot_dimension_numbers<[1], [0], [0], [1], [0, 0, 1, 1], [], []>, transpose_lhs_hint = false} : vector<1x128xf32>, vector<128x128xf32>, vector<1x128xf32> -> vector<1x128xf32>
    %add3A_26 = vector.broadcast %dot_general3A_25 : vector<1x128xf32> to vector<10000x128xf32>
    %add3A_27 = arith.addf %add3A_20, %add3A_26 : vector<10000x128xf32>
    %get3A_28 = arith.constant 0 : index
    %get3A_29 = arith.constant 0 : index
    %get3A_30 = vector.load %arg7[%get3A_28, %get3A_29] : memref<1x128xf32, #tpu.memory_space<vmem>>, vector<1x128xf32>
    %add3A_31 = vector.broadcast %get3A_30 : vector<1x128xf32> to vector<10000x128xf32>
    %add3A_32 = arith.addf %add3A_27, %add3A_31 : vector<10000x128xf32>
    %max3A = arith.constant 0.000000e+00 : f32
    %max3A_33 = vector.broadcast %max3A : f32 to vector<10000x128xf32>
    %max3A_34 = arith.maximumf %add3A_32, %max3A_33 : vector<10000x128xf32>
    %get3A_35 = arith.constant 0 : index
    %get3A_36 = arith.constant 0 : index
    %get3A_37 = vector.load %arg8[%get3A_35, %get3A_36] : memref<128x128xf32, #tpu.memory_space<vmem>>, vector<128x128xf32>
    %dot_general3A_38 = arith.constant dense<0.000000e+00> : vector<10000x128xf32>
    %dot_general3A_39 = tpu.matmul %max3A_34, %get3A_37, %dot_general3A_38 {dimension_numbers = #tpu.dot_dimension_numbers<[1], [0], [0], [1], [0, 0, 1, 1], [], []>, transpose_lhs_hint = false} : vector<10000x128xf32>, vector<128x128xf32>, vector<10000x128xf32> -> vector<10000x128xf32>
    %get3A_40 = arith.constant 0 : index
    %get3A_41 = arith.constant 0 : index
    %get3A_42 = vector.load %arg9[%get3A_40, %get3A_41] : memref<1x128xf32, #tpu.memory_space<vmem>>, vector<1x128xf32>
    %add3A_43 = vector.broadcast %get3A_42 : vector<1x128xf32> to vector<10000x128xf32>
    %add3A_44 = arith.addf %dot_general3A_39, %add3A_43 : vector<10000x128xf32>
    %max3A_45 = arith.constant 0.000000e+00 : f32
    %max3A_46 = vector.broadcast %max3A_45 : f32 to vector<10000x128xf32>
    %max3A_47 = arith.maximumf %add3A_44, %max3A_46 : vector<10000x128xf32>
    %get3A_48 = arith.constant 0 : index
    %get3A_49 = arith.constant 0 : index
    %get3A_50 = vector.load %arg10[%get3A_48, %get3A_49] : memref<128x128xf32, #tpu.memory_space<vmem>>, vector<128x128xf32>
    %dot_general3A_51 = arith.constant dense<0.000000e+00> : vector<10000x128xf32>
    %dot_general3A_52 = tpu.matmul %max3A_47, %get3A_50, %dot_general3A_51 {dimension_numbers = #tpu.dot_dimension_numbers<[1], [0], [0], [1], [0, 0, 1, 1], [], []>, transpose_lhs_hint = false} : vector<10000x128xf32>, vector<128x128xf32>, vector<10000x128xf32> -> vector<10000x128xf32>
    %get3A_53 = arith.constant 0 : index
    %get3A_54 = arith.constant 0 : index
    %get3A_55 = vector.load %arg11[%get3A_53, %get3A_54] : memref<1x128xf32, #tpu.memory_space<vmem>>, vector<1x128xf32>
    %add3A_56 = vector.broadcast %get3A_55 : vector<1x128xf32> to vector<10000x128xf32>
    %add3A_57 = arith.addf %dot_general3A_52, %add3A_56 : vector<10000x128xf32>
    %max3A_58 = arith.constant 0.000000e+00 : f32
    %max3A_59 = vector.broadcast %max3A_58 : f32 to vector<10000x128xf32>
    %max3A_60 = arith.maximumf %add3A_57, %max3A_59 : vector<10000x128xf32>
    %get3A_61 = arith.constant 0 : index
    %get3A_62 = arith.constant 0 : index
    %get3A_63 = vector.load %arg12[%get3A_61, %get3A_62] : memref<128x128xf32, #tpu.memory_space<vmem>>, vector<128x128xf32>
    %dot_general3A_64 = arith.constant dense<0.000000e+00> : vector<10000x128xf32>
    %dot_general3A_65 = tpu.matmul %max3A_60, %get3A_63, %dot_general3A_64 {dimension_numbers = #tpu.dot_dimension_numbers<[1], [0], [0], [1], [0, 0, 1, 1], [], []>, transpose_lhs_hint = false} : vector<10000x128xf32>, vector<128x128xf32>, vector<10000x128xf32> -> vector<10000x128xf32>
    %get3A_66 = arith.constant 0 : index
    %get3A_67 = arith.constant 0 : index
    %get3A_68 = vector.load %arg13[%get3A_66, %get3A_67] : memref<1x128xf32, #tpu.memory_space<vmem>>, vector<1x128xf32>
    %add3A_69 = vector.broadcast %get3A_68 : vector<1x128xf32> to vector<10000x128xf32>
    %add3A_70 = arith.addf %dot_general3A_65, %add3A_69 : vector<10000x128xf32>
    %swap3A = arith.constant 0 : index
    %swap3A_71 = arith.constant 0 : index
    %swap3A_72 = vector.load %arg26[%swap3A, %swap3A_71] : memref<10000x128xf32, #tpu.memory_space<vmem>>, vector<10000x128xf32>
    tpu.vector_store %arg26[%swap3A, %swap3A_71], %add3A_70 {strides = array<i32>} : memref<10000x128xf32, #tpu.memory_space<vmem>>, vector<10000x128xf32>,
    %reduce_sum3A = arith.constant dense<0.000000e+00> : vector<128xf32>
    %reduce_sum3A_73 = vector.multi_reduction <add>, %add3A_70, %reduce_sum3A [0] : vector<10000x128xf32> to vector<128xf32>
    %broadcast_in_dim3A = vector.shape_cast %reduce_sum3A_73 : vector<128xf32> to vector<1x128xf32>
    %get3A_74 = arith.constant 0 : index
    %get3A_75 = arith.constant 0 : index
    %get3A_76 = vector.load %arg24[%get3A_74, %get3A_75] : memref<1x1xf32, #tpu.memory_space<vmem>>, vector<1x1xf32>
    %get3A_77 = vector.extract %get3A_76[0, 0] : f32 from vector<1x1xf32>
    %mul3A = vector.broadcast %get3A_77 : f32 to vector<1x128xf32>
    %mul3A_78 = arith.mulf %broadcast_in_dim3A, %mul3A : vector<1x128xf32>
    %reduce_sum3A_79 = arith.constant dense<0.000000e+00> : vector<128xf32>
    %reduce_sum3A_80 = vector.multi_reduction <add>, %add3A, %reduce_sum3A_79 [0] : vector<10000x128xf32> to vector<128xf32>
    %broadcast_in_dim3A_81 = vector.shape_cast %reduce_sum3A_80 : vector<128xf32> to vector<1x128xf32>
    %get3A_82 = arith.constant 0 : index
    %get3A_83 = arith.constant 0 : index
    %get3A_84 = vector.load %arg25[%get3A_82, %get3A_83] : memref<1x1xf32, #tpu.memory_space<vmem>>, vector<1x1xf32>
    %get3A_85 = vector.extract %get3A_84[0, 0] : f32 from vector<1x1xf32>
    %mul3A_86 = vector.broadcast %get3A_85 : f32 to vector<1x128xf32>
    %mul3A_87 = arith.mulf %broadcast_in_dim3A_81, %mul3A_86 : vector<1x128xf32>
    %get3A_88 = arith.constant 0 : index
    %get3A_89 = arith.constant 0 : index
    %get3A_90 = vector.load %arg14[%get3A_88, %get3A_89] : memref<128x128xf32, #tpu.memory_space<vmem>>, vector<128x128xf32>
    %dot_general3A_91 = arith.constant dense<0.000000e+00> : vector<1x128xf32>
    %dot_general3A_92 = tpu.matmul %get3A_7, %get3A_90, %dot_general3A_91 {dimension_numbers = #tpu.dot_dimension_numbers<[1], [0], [0], [1], [0, 0, 1, 1], [], []>, transpose_lhs_hint = false} : vector<1x128xf32>, vector<128x128xf32>, vector<1x128xf32> -> vector<1x128xf32>
    %get3A_93 = arith.constant 0 : index
    %get3A_94 = arith.constant 0 : index
    %get3A_95 = vector.load %arg15[%get3A_93, %get3A_94] : memref<128x128xf32, #tpu.memory_space<vmem>>, vector<128x128xf32>
    %dot_general3A_96 = arith.constant dense<0.000000e+00> : vector<1x128xf32>
    %dot_general3A_97 = tpu.matmul %mul3A_78, %get3A_95, %dot_general3A_96 {dimension_numbers = #tpu.dot_dimension_numbers<[1], [0], [0], [1], [0, 0, 1, 1], [], []>, transpose_lhs_hint = false} : vector<1x128xf32>, vector<128x128xf32>, vector<1x128xf32> -> vector<1x128xf32>
    %add3A_98 = arith.addf %dot_general3A_92, %dot_general3A_97 : vector<1x128xf32>
    %get3A_99 = arith.constant 0 : index
    %get3A_100 = arith.constant 0 : index
    %get3A_101 = vector.load %arg16[%get3A_99, %get3A_100] : memref<128x128xf32, #tpu.memory_space<vmem>>, vector<128x128xf32>
    %dot_general3A_102 = arith.constant dense<0.000000e+00> : vector<1x128xf32>
    %dot_general3A_103 = tpu.matmul %mul3A_87, %get3A_101, %dot_general3A_102 {dimension_numbers = #tpu.dot_dimension_numbers<[1], [0], [0], [1], [0, 0, 1, 1], [], []>, transpose_lhs_hint = false} : vector<1x128xf32>, vector<128x128xf32>, vector<1x128xf32> -> vector<1x128xf32>
    %add3A_104 = arith.addf %add3A_98, %dot_general3A_103 : vector<1x128xf32>
    %get3A_105 = arith.constant 0 : index
    %get3A_106 = arith.constant 0 : index
    %get3A_107 = vector.load %arg17[%get3A_105, %get3A_106] : memref<1x128xf32, #tpu.memory_space<vmem>>, vector<1x128xf32>
    %add3A_108 = arith.addf %add3A_104, %get3A_107 : vector<1x128xf32>
    %max3A_109 = arith.constant 0.000000e+00 : f32
    %max3A_110 = vector.broadcast %max3A_109 : f32 to vector<1x128xf32>
    %max3A_111 = arith.maximumf %add3A_108, %max3A_110 : vector<1x128xf32>
    %get3A_112 = arith.constant 0 : index
    %get3A_113 = arith.constant 0 : index
    %get3A_114 = vector.load %arg18[%get3A_112, %get3A_113] : memref<128x128xf32, #tpu.memory_space<vmem>>, vector<128x128xf32>
    %dot_general3A_115 = arith.constant dense<0.000000e+00> : vector<1x128xf32>
    %dot_general3A_116 = tpu.matmul %max3A_111, %get3A_114, %dot_general3A_115 {dimension_numbers = #tpu.dot_dimension_numbers<[1], [0], [0], [1], [0, 0, 1, 1], [], []>, transpose_lhs_hint = false} : vector<1x128xf32>, vector<128x128xf32>, vector<1x128xf32> -> vector<1x128xf32>
    %get3A_117 = arith.constant 0 : index
    %get3A_118 = arith.constant 0 : index
    %get3A_119 = vector.load %arg19[%get3A_117, %get3A_118] : memref<1x128xf32, #tpu.memory_space<vmem>>, vector<1x128xf32>
    %add3A_120 = arith.addf %dot_general3A_116, %get3A_119 : vector<1x128xf32>
    %max3A_121 = arith.constant 0.000000e+00 : f32
    %max3A_122 = vector.broadcast %max3A_121 : f32 to vector<1x128xf32>
    %max3A_123 = arith.maximumf %add3A_120, %max3A_122 : vector<1x128xf32>
    %get3A_124 = arith.constant 0 : index
    %get3A_125 = arith.constant 0 : index
    %get3A_126 = vector.load %arg20[%get3A_124, %get3A_125] : memref<128x128xf32, #tpu.memory_space<vmem>>, vector<128x128xf32>
    %dot_general3A_127 = arith.constant dense<0.000000e+00> : vector<1x128xf32>
    %dot_general3A_128 = tpu.matmul %max3A_123, %get3A_126, %dot_general3A_127 {dimension_numbers = #tpu.dot_dimension_numbers<[1], [0], [0], [1], [0, 0, 1, 1], [], []>, transpose_lhs_hint = false} : vector<1x128xf32>, vector<128x128xf32>, vector<1x128xf32> -> vector<1x128xf32>
    %get3A_129 = arith.constant 0 : index
    %get3A_130 = arith.constant 0 : index
    %get3A_131 = vector.load %arg21[%get3A_129, %get3A_130] : memref<1x128xf32, #tpu.memory_space<vmem>>, vector<1x128xf32>
    %add3A_132 = arith.addf %dot_general3A_128, %get3A_131 : vector<1x128xf32>
    %max3A_133 = arith.constant 0.000000e+00 : f32
    %max3A_134 = vector.broadcast %max3A_133 : f32 to vector<1x128xf32>
    %max3A_135 = arith.maximumf %add3A_132, %max3A_134 : vector<1x128xf32>
    %get3A_136 = arith.constant 0 : index
    %get3A_137 = arith.constant 0 : index
    %get3A_138 = vector.load %arg22[%get3A_136, %get3A_137] : memref<128x128xf32, #tpu.memory_space<vmem>>, vector<128x128xf32>
    %dot_general3A_139 = arith.constant dense<0.000000e+00> : vector<1x128xf32>
    %dot_general3A_140 = tpu.matmul %max3A_135, %get3A_138, %dot_general3A_139 {dimension_numbers = #tpu.dot_dimension_numbers<[1], [0], [0], [1], [0, 0, 1, 1], [], []>, transpose_lhs_hint = false} : vector<1x128xf32>, vector<128x128xf32>, vector<1x128xf32> -> vector<1x128xf32>
    %get3A_141 = arith.constant 0 : index
    %get3A_142 = arith.constant 0 : index
    %get3A_143 = vector.load %arg23[%get3A_141, %get3A_142] : memref<1x128xf32, #tpu.memory_space<vmem>>, vector<1x128xf32>
    %add3A_144 = arith.addf %dot_general3A_140, %get3A_143 : vector<1x128xf32>
    %swap3A_145 = arith.constant 0 : index
    %swap3A_146 = arith.constant 0 : index
    %swap3A_147 = vector.load %arg27[%swap3A_145, %swap3A_146] : memref<1x128xf32, #tpu.memory_space<vmem>>, vector<1x128xf32>
    tpu.vector_store %arg27[%swap3A_145, %swap3A_146], %add3A_144 {strides = array<i32>} : memref<1x128xf32, #tpu.memory_space<vmem>>, vector<1x128xf32>,
    return
  }
}

</mosaic_0001>

<sc_bundles>
// kernel: kernel.10.cloned.1.call-start
scs
__scs_entry_jumppad:
0x0: {  	(pc) =	sbr.rel $0x88, $3  }
0x1: {  	(tag) =	ssettag $0x0;
	lr =	simm.s32 $0x1  }
0x2: {  	[smem:$0x3F85] =	sst lr;
	_ =	strace $0xD0000000  }
0x3: {  	_ = 	snop  }
0x4: {  	_ = 	snop  }
0x5: {  	_ = 	snop  }
0x6: {  	_ = 	snop  }
0x7: {  	_ = 	snop  }
__scs_overlays_trampoline_lowered:
0x8: {  	[smem:$0x3F94] =	sst s0  }
0x9: {  	[smem:$0x3F95] =	sst s1  }
0xa: {  	[smem:$0x3F96] =	sst s2  }
0xb: {  	[smem:$0x3F97] =	sst s3  }
0xc: {  	[smem:$0x3F98] =	sst s4  }
0xd: {  	[smem:$0x3F99] =	sst s5  }
0xe: {  	[smem:$0x3F9A] =	sst s6  }
0xf: {  	[smem:$0x3F9B] =	sst s7  }
0x10: {  	[smem:$0x3F9C] =	sst s8  }
0x11: {  	[smem:$0x3F9D] =	sst s9;
	s0 =	simm.s32 @!p0 $0x0  }
0x12: {  	s1 =	sld [smem:$0x3F83];
	s0 =	simm.s32 @p0 $0x1  }
0x13: {  	[smem:$0x3F9E] =	sst s0;
	s0 =	simm.s32 @!p1 $0x0  }
0x14: {  	s2 =	sld [smem:$0x3F82];
	s0 =	simm.s32 @p1 $0x1  }
0x15: {  	[smem:$0x3F9F] =	sst s0;
	s0 =	simm.s32 @!p2 $0x0  }
0x16: {  	s3 =	sld [smem:$0x3FDB];
	s0 =	simm.s32 @p2 $0x1  }
0x17: {  	s4 =	simm.s32 $0x1BF5;
	[smem:$0x3FA1] =	sst s0  }
0x18: {  	s0 =	sld [smem:$0x3F84];
	_ =	swait.ge [sflag:s4], $0x0  }
0x19: {  	s7 =	sld [smem:$0x3F85]  }
0x1a: {  	s8 =	sadd.s32 $0xFFFFE003, lr  }
0x1b: {  	s9 =	sadd.s32 $0xFFFFFEF7, lr;
	s5 =	simm.s32 $0xFFFFFFFF;
	p2 =	slt.u32 s8, $0xFFFFF086  }
0x1c: {  	p1 =	slt.u32 s9, $0xF7A;
	s5 =	simm.s32 @!p2 $0x0  }
0x1d: {  	s5 =	simm.s32 @p1 $0x1;
	p0 =	seq.s32 s7, s2  }
0x1e: {  	s7 =	smul.u32 @!p0 $0xF7A, s2;
	p2 =	seq.s32 @!p0 s5, $0x0  }
0x1f: {  	s9 =	smul.u32 $0xF7A, s1;
	s8 =	simm.s32 @!p0 $0x1BF5;
	p2 =	por !p2, p0  }
0x20: {  	[sflag:s8] =	ssyncset.s32 @!p0 $0xFFFFF086;
	s6 =	sadd.s32 @!p0 s3, s7;
	s7 =	simm.s32 @!p0 $0x108  }
0x21: {  	s3 =	sadd.s32 s3, s9;
	s6 =	sadd.s32 @!p0 $0x88, s6;
	s7 =	simm.s32 @p2 $0x1082  }
0x22: {  	[simem:s7], [sflag:s8] =	dma.local @!p0 [hbm:s6], $0xF7A  }
0x23: {  	s9 =	sor.u32 $0xD0000000, s2;
	s6 =	simm.s32 $0x108;
	_ =	swait.ge @!p0 [sflag:s8], $0x0  }
0x24: {  	s3 =	sadd.s32 $0x88, s3;
	s6 =	simm.s32 @!p1 $0x1082;
	[sflag:s4] =	ssyncset.s32 $0xFFFFF086  }
0x25: {  	[simem:s6], [sflag:s4] =	dma.local [hbm:s3], $0xF7A  }
0x26: {  	[smem:$0x3F85] =	sst s1;
	(tag) =	ssettag s2;
	_ =	strace s9  }
0x27: {  	s1 =	sld [smem:$0x3F95]  }
0x28: {  	s2 =	sld [smem:$0x3F96]  }
0x29: {  	s4 =	sld [smem:$0x3F98]  }
0x2a: {  	p0 =	seq.s32 s5, $0x0;
	s5 =	sld [smem:$0x3F99]  }
0x2b: {  	s6 =	sld [smem:$0x3F9A]  }
0x2c: {  	s7 =	sld [smem:$0x3F9B]  }
0x2d: {  	s3 =	simm.s32 $0x108;
	s8 =	sld [smem:$0x3F9C]  }
0x2e: {  	s3 =	simm.s32 @!p0 $0x1082;
	s9 =	sld [smem:$0x3F9D]  }
0x2f: {  	lr =	sadd.s32 s0, s3;
	s0 =	sld [smem:$0x3F94]  }
0x30: {  	s3 =	sld [smem:$0x3F97]  }
0x31: {  	[smem:$0x3FA0] =	sst s10  }
0x32: {  	s10 =	sld [smem:$0x3F9E];
	_ =	sdelay $0x3  }
0x33: {  	p0 =	seq.s32 s10, $0x1;
	s10 =	sld [smem:$0x3FA0];
	_ =	sdelay $0x3  }
0x34: {  	[smem:$0x3FA0] =	sst s10  }
0x35: {  	s10 =	sld [smem:$0x3F9F];
	_ =	sdelay $0x3  }
0x36: {  	p1 =	seq.s32 s10, $0x1;
	s10 =	sld [smem:$0x3FA0];
	_ =	sdelay $0x3  }
0x37: {  	[smem:$0x3FA0] =	sst s10  }
0x38: {  	s10 =	sld [smem:$0x3FA1]  }
0x39: {  	_ = 	snop;
	(pc) =	sbr.ind lr, $3  }
0x3a: {  	_ = 	snop  }
0x3b: {  	_ = 	snop  }
0x3c: {  	p2 =	seq.s32 s10, $0x1;
	s10 =	sld [smem:$0x3FA0]  }
0x3d: {  	_ =	shalt  }
0x3e: {  	_ =	shalt  }
0x3f: {  	_ =	shalt  }
0x40: {  	_ =	shalt  }
0x41: {  	_ =	shalt  }
0x42: {  	_ =	shalt  }
0x43: {  	_ =	shalt  }
0x44: {  	_ =	shalt  }
0x45: {  	_ =	shalt  }
0x46: {  	_ =	shalt  }
0x47: {  	_ =	shalt  }
0x48: {  	_ =	shalt  }
0x49: {  	_ =	shalt  }
0x4a: {  	_ =	shalt  }
0x4b: {  	_ =	shalt  }
0x4c: {  	_ =	shalt  }
0x4d: {  	_ =	shalt  }
0x4e: {  	_ =	shalt  }
0x4f: {  	_ =	shalt  }
0x50: {  	_ =	shalt  }
0x51: {  	_ =	shalt  }
0x52: {  	_ =	shalt  }
0x53: {  	_ =	shalt  }
0x54: {  	_ =	shalt  }
0x55: {  	_ =	shalt  }
0x56: {  	_ =	shalt  }
0x57: {  	_ =	shalt  }
0x58: {  	_ =	shalt  }
0x59: {  	_ =	shalt  }
0x5a: {  	_ =	shalt  }
0x5b: {  	_ =	shalt  }
0x5c: {  	_ =	shalt  }
0x5d: {  	_ =	shalt  }
0x5e: {  	_ =	shalt  }
0x5f: {  	_ =	shalt  }
0x60: {  	_ =	shalt  }
0x61: {  	_ =	shalt  }
0x62: {  	_ =	shalt  }
0x63: {  	_ =	shalt  }
0x64: {  	_ =	shalt  }
0x65: {  	_ =	shalt  }
0x66: {  	_ =	shalt  }
0x67: {  	_ =	shalt  }
0x68: {  	_ =	shalt  }
0x69: {  	_ =	shalt  }
0x6a: {  	_ =	shalt  }
0x6b: {  	_ =	shalt  }
0x6c: {  	_ =	shalt  }
0x6d: {  	_ =	shalt  }
0x6e: {  	_ =	shalt  }
0x6f: {  	_ =	shalt  }
0x70: {  	_ =	shalt  }
0x71: {  	_ =	shalt  }
0x72: {  	_ =	shalt  }
0x73: {  	_ =	shalt  }
0x74: {  	_ =	shalt  }
0x75: {  	_ =	shalt  }
0x76: {  	_ =	shalt  }
0x77: {  	_ =	shalt  }
0x78: {  	_ =	shalt  }
0x79: {  	_ =	shalt  }
0x7a: {  	_ =	shalt  }
0x7b: {  	_ =	shalt  }
0x7c: {  	_ =	shalt  }
0x7d: {  	_ =	shalt  }
0x7e: {  	_ =	shalt  }
0x7f: {  	_ =	shalt  }
0x80: {  	_ =	shalt  }
0x81: {  	_ =	shalt  }
0x82: {  	_ =	shalt  }
0x83: {  	_ =	shalt  }
0x84: {  	_ =	shalt  }
0x85: {  	_ =	shalt  }
0x86: {  	_ =	shalt  }
0x87: {  	_ =	shalt  }
.Lfunc_end0:
.L_simem_size_0:
called_computation.1_lowered:
.L_overlay_start_0:
0x88: {  	s2 =	sld [smem:$0x3FD9]  }
0x89: {  	s3 =	sld [smem:$0x3FFE];
	_ =	sdelay $0x1  }
0x8a: {  	s1 =	srdreg.scid  }
0x8b: {  	s0 =	sand.u32 $0x1, s1  }
0x8c: {  	s14 =	sshll.u32 s0, $0xA;
	s2 =	sadd.s32 s3, s2  }
0x8d: {  	s2 =	sadd.s32 s2, s14  }
0x8e: {  	[smem:$0x3FAC] =	sst s2  }
0x8f: {  	_ = 	snop  }
0x90: {  	s2 =	sld [smem:$0x3FD0];
	_ =	sdelay $0x2  }
0x91: {  	s15 =	simm.s32 $0xA;
	s4 =	simm.s32 $0x10  }
0x92: {  	[smem:s4], [sflag:s15] =	dma.local [hbm:s2], $0x1  }
0x93: {  	_ =	swait.eq [sflag:s15], $0x1  }
0x94: {  	[sflag:s15] =	ssyncset.done $0x0  }
0x95: {  	s16 =	sld [smem:$0x10];
	[sflag:s15] =	ssyncadd.s32 $0xFFFFFFFF  }
0x96: {  	s17 =	sld [smem:$0x11];
	(tm) =	ssettm $0x1  }
0x97: {  	s18 =	sld [smem:$0x3FFB];
	_ =	sdelay $0x3  }
0x98: {  	_ =	strace s18  }
0x99: {  	s4 =	sld [smem:$0x3FFC];
	_ =	sdelay $0x3  }
0x9a: {  	_ =	strace s4  }
0x9b: {  	s4 =	sld [smem:$0x3FFD];
	_ =	sdelay $0x3  }
0x9c: {  	_ =	strace s4  }
0x9d: {  	_ =	strace $0x8FFFFFFF  }
0x9e: {  	s19 =	sld [smem:$0x3FDB];
	_ =	sdelay $0x1  }
0x9f: {  	s5 =	simm.s32 $_scs_section_size  }
0xa0: {  	s6 =	simm.s32 $_size__tile_overlayer_lowered;
	s7 =	simm.s32 $_tile_overlayer_lowered  }
0xa1: {  	s22 =	simm.s32 $0x1BFF;
	s21 =	sshll.u32 s7, $0x1;
	s4 =	sadd.s32 s5, s19  }
0xa2: {  	s8 =	simm.s32 $0x0;
	s20 =	sshll.u32 s6, $0x1;
	s6 =	sadd.s32 s21, s4  }
0xa3: {  	[timem:s8], [sflag:s22] =	dma.local [hbm:s6], s20  }
0xa4: {  	_ =	swait.ge [sflag:s22], s20  }
0xa5: {  	s5 =	ssub.s32 $0x0, s20;
	[sflag:s22] =	ssyncset.done $0x0  }
0xa6: {  	[sflag:s22] =	ssyncadd.s32 s5;
	_ =	sdelay $0x1  }
0xa7: {  	s23 =	simm.s32 $0x1B8B  }
0xa8: {  	_ =	swait.ge [sflag:s23], $0x1  }
0xa9: {  	[sflag:s23] =	ssyncset.done $0x0  }
0xaa: {  	s25 =	simm.s32 $0x1B8E;
	s24 =	sld [smem:$0x3FFE];
	[sflag:s23] =	ssyncadd.s32 $0xFFFFFFFF  }
0xab: {  	s26 =	simm.s32 $execute0_lowered;
	[smem:$0x3FD2] =	sst s25  }
0xac: {  	s6 =	sshll.u32 s26, $0x1;
	_ =	strace $0x80000049;
	[dreg:$0x1] =	wrdreg $0xFFFFFFFF  }
0xad: {  	s28 =	simm.s32 $_size_execute0_lowered;
	s4 =	sadd.s32 s4, s6;
	[dreg:$0x0] =	wrdreg $0x0  }
0xae: {  	s6 =	sshll.u32 s28, $0x1;
	[dreg:$0x2] =	wrdreg s4  }
0xaf: {  	[dreg:$0x3] =	wrdreg s6  }
0xb0: {  	[dreg:$0x4] =	wrdreg $0xC0  }
0xb1: {  	_ =	task [dreg:s8], $0x5FFFF  }
0xb2: {  	[dreg:$0x1] =	wrdreg $0xFFFFFFFF  }
0xb3: {  	[dreg:$0x0] =	wrdreg $0x60  }
0xb4: {  	[dreg:$0x2] =	wrdreg s16  }
0xb5: {  	[dreg:$0x3] =	wrdreg s24  }
0xb6: {  	[dreg:$0x4] =	wrdreg s17  }
0xb7: {  	[dreg:$0x5] =	wrdreg $0x90000  }
0xb8: {  	[dreg:$0x6] =	wrdreg $0x9  }
0xb9: {  	_ =	task.clear_ibuf [dreg:s8], $0x7FFFF;
	_ =	strace $0x90000049  }
0xba: {  	s29 =	simm.s32 $0x9;
	_ =	strace $0x8000004B  }
0xbb: {  	_ =	swait.ge [sflag:s29], $0x1  }
0xbc: {  	[sflag:s29] =	ssyncadd.s32 $0xFFFFFFFF  }
0xbd: {  	_ =	strace $0x9000004B  }
0xbe: {  	_ =	sfence  }
0xbf: {  	s30 =	sld [smem:$0x0];
	_ =	sdelay $0x2  }
0xc0: {  	s31 =	sshll.u32 s1, $0xD;
	s1 =	sshrl.u32 s1, $0x2  }
0xc1: {  	s3 =	sand.u32 $0x4000, s31;
	s1 =	sadd.s32 s1, s30  }
0xc2: {  	s0 =	sor.u32 s3, s0;
	s1 =	sshll.u32 s1, $0x11  }
0xc3: {  	s0 =	sor.u32 s1, s0  }
0xc4: {  	s0 =	sadd.s32 $0x8F2B, s0  }
0xc5: {  	[sflag:s0] =	ssyncadd.remote.s32 $0x1  }
0xc6: {  	_ =	sfence.sel $0xFFFF  }
0xc7: {  	[dreg:$0x0] =	wrdreg $0xFFFFFFFF;
	(pc) =	sbr.abs _section_cstart, $3  }
0xc8: {  	[dreg:$0x1] =	wrdreg $0xFFFFFFFF  }
0xc9: {  	_ =	task.clear_ibuf [dreg:s8], $0x2FFFF;
	_ =	strace $0x9FFFFFFF  }
0xca: {  	(tm) =	ssettm $0x7FFFFFFF  }
0xcb: {  	_ =	shalt  }
tec
execute0_lowered:
.L_overlay_start_1:
0x0: {  	(tag) =	ssettag $0x1  }
0x1: {  	s12 =	rddreg [dreg:$0x0]  }
0x2: {  	s4 =	rddreg [dreg:$0x1]  }
0x3: {  	s6 =	rddreg [dreg:$0x2]  }
0x4: {  	s1 =	rddreg [dreg:$0x3];
	s2 =	srdreg.scid;
	s3 =	simm.s32 $0x0  }
0x5: {  	s18 =	simm.s32 $0x4000;
	s19 =	simm.s32 $0x6800;
	s20 =	simm.s32 $0x1  }
0x6: {  	s21 =	simm.s32 $0x50;
	s9 =	sand.u32 $0x1, s2;
	s2 =	stileid.u32  }
0x7: {  	s22 =	simm.s32 $0x3;
	s23 =	simm.s32 $0x2;
	s10 =	smul.u32 $0x4E000, s2  }
0x8: {  	s28 =	simm.s32 $0x0;
	[smem:$0x7FF] =	sst s3;
	s13 =	smul.u32 $0x13800, s2  }
0x9: {  	s14 =	sadd.s32 $0x14E00, s4;
	s17 =	sadd.s32 $0x138000, s1;
	s30 =	smul.u32 $0x138800, s9  }
0xa: {  	s5 =	sshll.u32 s9, $0x4;
	_ =	strace $0x8000004A;
	s16 =	smul.u32 $0x271000, s9  }
0xb: {  	s8 =	ssub.s32 $0x2, s9;
	s29 =	sshll.u32 s2, $0x6;
	s31 =	smul.u32 $0x27100, s2  }
0xc: {  	p0 =	sne.s32 s2, $0xF;
	s5 =	sor.u32 s2, s5;
	s11 =	sshrl.u32 s8, $0x1  }
0xd: {  	s17 =	sshrl.u32 @!p0 s17, $0x3;
	s7 =	sshll.u32 s5, $0xB;
	s11 =	ssub.s32 s8, s11  }
0xe: {  	s24 =	sshrl.u32 s10, $0x2;
	s25 =	sshrl.u32 s13, $0x3;
	s26 =	smul.u32 $0x27100, s5  }
0xf: {  	s5 =	sor.u32 $0x1C05, s29;
	s13 =	sadd.s32 s13, s30;
	s10 =	sshrl.u32 s30, $0x3  }
0x10: {  	s16 =	sadd.s32 s16, s12;
	s7 =	sadd.s32 s7, s4;
	s15 =	sadd.s32 s24, s1  }
0x11: {  	s4 =	sadd.s32 s6, s25;
	s6 =	sadd.s32 $0x27000, s6;
	s13 =	sshrl.u32 s13, $0x3  }
0x12: {  	s10 =	sadd.s32 s14, s10;
	s11 =	smax.u32 s11, $0x1;
	s24 =	simm.s32 $0x80  }
0x13: {  	s25 =	simm.s32 $0x4;
	s7 =	sadd.s32 $0x4E00, s7;
	s8 =	sadd.s32 s12, s26  }
0x14: {  	s9 =	sadd.s32 s14, s13;
	s10 =	sadd.s32 $0x27000, s10;
	s14 =	sadd.s32 s31, s16  }
0x15: {  	s15 =	sshrl.u32 s15, $0x3;
	s16 =	simm.s32 $0x5;
	s26 =	simm.s32 $0x3E00  }
0x16: {  	s12 =	sadd.s32 $0x500, s8;
	s13 =	sadd.s32 $0xA00, s8;
	s14 =	sadd.s32 $0xF00, s14  }
.LBB2_1:
0x17: {  	[spmem:s15], [sflag:s5] =	dma.local [hbm:s4], $0x2700  }
0x18: {  	_ =	swait.ge [sflag:s16], $0x2700  }
0x19: {  	[sflag:s16] =	ssyncset.done $0x0  }
0x1a: {  	s29 =	simm.s32 @!p0 $0x5;
	[sflag:s16] =	ssyncadd.s32 $0xFFFFD900  }
0x1b: {  	[spmem:s17], [sflag:s5] =	dma.local @!p0 [hbm:s6], $0x100  }
0x1c: {  	_ =	swait.ge @!p0 [sflag:s29], $0x100  }
0x1d: {  	[sflag:s29] =	ssyncset.done @!p0 $0x0  }
0x1e: {  	[sflag:s29] =	ssyncadd.s32 @!p0 $0xFFFFFF00  }
0x1f: {  	[bflag:$0x0] =	sbarrier.arrive $0xFFFF  }
0x20: {  	[tilespmem:s3], [sflag:$0x5] =	stream.linear.gather [hbm4b:s7+s3], $0x3E80, $0x38;
	[tilespmem:$0x1C880] =	vst v63  }
0x21: {  	_ =	swait.ge [sflag:s16], $0x3E80  }
0x22: {  	[sflag:s16] =	ssyncset.done $0x0  }
0x23: {  	[sflag:s16] =	ssyncadd.s32 $0xFFFFC180  }
0x24: {  	[tilespmem:s18], [sflag:$0x1] =	stream.linear.gather [hbm4b:s8+s3], $0x2800, $0x38;
	[tilespmem:$0x1C880] =	vst v63  }
0x25: {  	_ = 	snop  }
0x26: {  	[tilespmem:s19], [sflag:$0x2] =	stream.linear.gather [hbm4b:s12+s3], $0x2800, $0x38;
	[tilespmem:$0x1C880] =	vst v63  }
0x27: {  	_ =	swait.ge [sflag:s20], $0x2800  }
0x28: {  	[sflag:s20] =	ssyncset.done $0x0  }
0x29: {  	[sflag:s20] =	ssyncadd.s32 $0xFFFFD800  }
0x2a: {  	[spmem:s1] =	stream.indirect.scatter.add.f32 [tilespmem:s18], [sflag:$0x3], $0x80, s3, s21, $0xb8;
	[tilespmem:$0x1C880] =	vst v63  }
0x2b: {  	_ =	swait.ge [sflag:s22], $0x2800  }
0x2c: {  	[sflag:s22] =	ssyncset.done $0x0  }
0x2d: {  	[sflag:s22] =	ssyncadd.s32 $0xFFFFD800  }
0x2e: {  	[tilespmem:s18], [sflag:$0x1] =	stream.linear.gather [hbm4b:s13+s3], $0x2800, $0x38;
	[tilespmem:$0x1C880] =	vst v63  }
0x2f: {  	_ =	swait.ge [sflag:s23], $0x2800  }
0x30: {  	[sflag:s23] =	ssyncset.done $0x0  }
0x31: {  	[sflag:s23] =	ssyncadd.s32 $0xFFFFD800  }
0x32: {  	[spmem:s1] =	stream.indirect.scatter.add.f32 [tilespmem:s19], [sflag:$0x4], $0x80, s24, s21, $0xb8;
	[tilespmem:$0x1C880] =	vst v63  }
0x33: {  	_ =	swait.ge [sflag:s25], $0x2800  }
0x34: {  	[sflag:s25] =	ssyncset.done $0x0  }
0x35: {  	[sflag:s25] =	ssyncadd.s32 $0xFFFFD800  }
0x36: {  	[tilespmem:s19], [sflag:$0x2] =	stream.linear.gather [hbm4b:s14+s3], $0x2800, $0x38;
	[tilespmem:$0x1C880] =	vst v63  }
0x37: {  	_ =	swait.ge [sflag:s20], $0x2800  }
0x38: {  	[sflag:s20] =	ssyncset.done $0x0  }
0x39: {  	s29 =	simm.s32 $0x100;
	[sflag:s20] =	ssyncadd.s32 $0xFFFFD800  }
0x3a: {  	[spmem:s1] =	stream.indirect.scatter.add.f32 [tilespmem:s18], [sflag:$0x3], $0x80, s29, s21, $0xb8;
	[tilespmem:$0x1C880] =	vst v63  }
0x3b: {  	_ =	swait.ge [sflag:s22], $0x2800  }
0x3c: {  	[sflag:s22] =	ssyncset.done $0x0  }
0x3d: {  	s29 =	sadd.s32 $0x500, s14;
	[sflag:s22] =	ssyncadd.s32 $0xFFFFD800  }
0x3e: {  	[tilespmem:s18], [sflag:$0x1] =	stream.linear.gather [hbm4b:s29+s3], $0x2800, $0x38;
	[tilespmem:$0x1C880] =	vst v63  }
0x3f: {  	_ =	swait.ge [sflag:s23], $0x2800  }
0x40: {  	s31 =	simm.s32 $0x180;
	[sflag:s23] =	ssyncset.done $0x0  }
0x41: {  	s30 =	sadd.s32 $0xA00, s14;
	s29 =	simm.s32 $0x400;
	[sflag:s23] =	ssyncadd.s32 $0xFFFFD800  }
.LBB2_2:
0x42: {  	[spmem:s1] =	stream.indirect.scatter.add.f32 [tilespmem:s19], [sflag:$0x4], $0x80, s31, s21, $0xb8;
	[tilespmem:$0x1C880] =	vst v63  }
0x43: {  	s31 =	smov.u32 s29  }
0x44: {  	p1 =	sne.s32 s29, $0xF000;
	s29 =	sadd.s32 $0x400, s29;
	_ =	swait.ge [sflag:s25], $0x2800  }
0x45: {  	[sflag:s25] =	ssyncset.done $0x0  }
0x46: {  	[sflag:s25] =	ssyncadd.s32 $0xFFFFD800  }
0x47: {  	[tilespmem:s19], [sflag:$0x2] =	stream.linear.gather [hbm4b:s30+s3], $0x2800, $0x38;
	[tilespmem:$0x1C880] =	vst v63  }
0x48: {  	_ =	swait.ge [sflag:s20], $0x2800  }
0x49: {  	s31 =	sshra.s32 s31, $0x2;
	[sflag:s20] =	ssyncset.done $0x0  }
0x4a: {  	s0 =	sadd.s32 $0x100, s31;
	[sflag:s20] =	ssyncadd.s32 $0xFFFFD800  }
0x4b: {  	[spmem:s1] =	stream.indirect.scatter.add.f32 [tilespmem:s18], [sflag:$0x3], $0x80, s0, s21, $0xb8;
	[tilespmem:$0x1C880] =	vst v63  }
0x4c: {  	_ =	swait.ge [sflag:s22], $0x2800  }
0x4d: {  	[sflag:s22] =	ssyncset.done $0x0  }
.Ltmp0:
0x4e: {  	s0 =	sadd.s32 $0x500, s30;
	[sflag:s22] =	ssyncadd.s32 $0xFFFFD800;
	(pc) =	sbr.rel @p1 .LBB2_2-.Ltmp0, $4  }
0x4f: {  	[tilespmem:s18], [sflag:$0x1] =	stream.linear.gather [hbm4b:s0+s3], $0x2800, $0x38;
	[tilespmem:$0x1C880] =	vst v63  }
0x50: {  	_ =	swait.ge [sflag:s23], $0x2800  }
0x51: {  	[sflag:s23] =	ssyncset.done $0x0  }
0x52: {  	s31 =	sadd.s32 $0x180, s31;
	s30 =	sadd.s32 $0xA00, s30;
	[sflag:s23] =	ssyncadd.s32 $0xFFFFD800  }
0x53: {  	[spmem:s1] =	stream.indirect.scatter.add.f32 [tilespmem:s19], [sflag:$0x4], $0x80, s31, s21, $0xb8;
	[tilespmem:$0x1C880] =	vst v63  }
0x54: {  	_ =	swait.ge [sflag:s20], $0x2800  }
0x55: {  	[sflag:s20] =	ssyncset.done $0x0  }
0x56: {  	[sflag:s20] =	ssyncadd.s32 $0xFFFFD800  }
0x57: {  	[spmem:s1] =	stream.indirect.scatter.add.f32 [tilespmem:s18], [sflag:$0x3], $0x80, s26, s21, $0xb8;
	[tilespmem:$0x1C880] =	vst v63  }
0x58: {  	_ =	swait.ge [sflag:s25], $0x2800  }
0x59: {  	[sflag:s25] =	ssyncset.done $0x0  }
0x5a: {  	[sflag:s25] =	ssyncadd.s32 $0xFFFFD800  }
0x5b: {  	_ =	swait.ge [sflag:s22], $0x2800  }
0x5c: {  	[sflag:s22] =	ssyncset.done $0x0  }
0x5d: {  	[sflag:s22] =	ssyncadd.s32 $0xFFFFD800  }
0x5e: {  	[bflag:$0x0] =	sbarrier.arrive $0xFFFF  }
0x5f: {  	[hbm:s9], [sflag:s5] =	dma.local [spmem:s15], $0x2700  }
0x60: {  	s28 =	sadd.s32 $0x1, s28;
	_ =	swait.ge [sflag:s16], $0x2700  }
0x61: {  	p1 =	sne.s32 s28, s11;
	[sflag:s16] =	ssyncset.done $0x0  }
.Ltmp1:
0x62: {  	s0 =	simm.s32 @!p0 $0x5;
	[sflag:s16] =	ssyncadd.s32 $0xFFFFD900;
	(pc) =	sbr.rel @p1 .LBB2_1-.Ltmp1, $4  }
0x63: {  	[hbm:s10], [sflag:s5] =	dma.local @!p0 [spmem:s17], $0x100  }
0x64: {  	_ =	swait.ge @!p0 [sflag:s0], $0x100  }
0x65: {  	[sflag:s0] =	ssyncset.done @!p0 $0x0  }
0x66: {  	[sflag:s0] =	ssyncadd.s32 @!p0 $0xFFFFFF00  }
0x67: {  	_ =	sfence.sel $0x180000  }
0x68: {  	[bflag:$0x0] =	sbarrier.arrive $0xFFFF  }
0x69: {  	_ =	strace $0x9000004A  }
0x6a: {  	[bflag:$0x2] =	sbarrier.arrive $0xFFFF  }
0x6b: {  	p0 =	sne.s32 s2, $0x0;
	s0 =	rddreg [dreg:$0x4]  }
0x6c: {  	s0 =	sadd.s32 @!p0 $0x100000, s0  }
0x6d: {  	[sflag:s0] =	ssyncadd.tile.s32 @!p0 $0x1;
	_ =	shalt  }
.Lfunc_end2:
_tile_overlayer_lowered:
.L_overlay_start_2:
0x6e: {  	(tag) =	ssettag $0x2  }
0x6f: {  	s0 =	rddreg [dreg:$0x0];
	s2 =	stileid.u32  }
0x70: {  	s1 =	rddreg [dreg:$0x1];
	p0 =	sne.s32 s2, $0x0  }
0x71: {  	s3 =	rddreg [dreg:$0x2];
	[bflag:$0x3] =	sbarrier.arrive $0xFFFF;
	s2 =	simm.s32 @!p0 $0x1C05  }
0x72: {  	[timem:s3], [sflag:s2] =	dma.local @!p0 [hbm:s0], s1  }
0x73: {  	s0 =	simm.s32 @!p0 $0x5  }
0x74: {  	_ =	swait.ge @!p0 [sflag:s0], s1  }
0x75: {  	s1 =	ssub.s32 @!p0 $0x0, s1;
	[sflag:s0] =	ssyncset.done @!p0 $0x0  }
0x76: {  	[sflag:s0] =	ssyncadd.s32 @!p0 s1  }
0x77: {  	[bflag:$0x3] =	sbarrier.arrive $0xFFFF  }
0x78: {  	_ =	shalt  }

// kernel: kernel.7.cloned.1.call-start
scs
__scs_entry_jumppad:
0x0: {  	(pc) =	sbr.rel $0x88, $3  }
0x1: {  	(tag) =	ssettag $0x0;
	lr =	simm.s32 $0x1  }
0x2: {  	[smem:$0x3F85] =	sst lr;
	_ =	strace $0xD0000000  }
0x3: {  	_ = 	snop  }
0x4: {  	_ = 	snop  }
0x5: {  	_ = 	snop  }
0x6: {  	_ = 	snop  }
0x7: {  	_ = 	snop  }
__scs_overlays_trampoline_lowered:
0x8: {  	[smem:$0x3F94] =	sst s0  }
0x9: {  	[smem:$0x3F95] =	sst s1  }
0xa: {  	[smem:$0x3F96] =	sst s2  }
0xb: {  	[smem:$0x3F97] =	sst s3  }
0xc: {  	[smem:$0x3F98] =	sst s4  }
0xd: {  	[smem:$0x3F99] =	sst s5  }
0xe: {  	[smem:$0x3F9A] =	sst s6  }
0xf: {  	[smem:$0x3F9B] =	sst s7  }
0x10: {  	[smem:$0x3F9C] =	sst s8  }
0x11: {  	[smem:$0x3F9D] =	sst s9;
	s0 =	simm.s32 @!p0 $0x0  }
0x12: {  	s1 =	sld [smem:$0x3F83];
	s0 =	simm.s32 @p0 $0x1  }
0x13: {  	[smem:$0x3F9E] =	sst s0;
	s0 =	simm.s32 @!p1 $0x0  }
0x14: {  	s2 =	sld [smem:$0x3F82];
	s0 =	simm.s32 @p1 $0x1  }
0x15: {  	[smem:$0x3F9F] =	sst s0;
	s0 =	simm.s32 @!p2 $0x0  }
0x16: {  	s3 =	sld [smem:$0x3FDB];
	s0 =	simm.s32 @p2 $0x1  }
0x17: {  	s4 =	simm.s32 $0x1BF5;
	[smem:$0x3FA1] =	sst s0  }
0x18: {  	s0 =	sld [smem:$0x3F84];
	_ =	swait.ge [sflag:s4], $0x0  }
0x19: {  	s7 =	sld [smem:$0x3F85]  }
0x1a: {  	s8 =	sadd.s32 $0xFFFFE003, lr  }
0x1b: {  	s9 =	sadd.s32 $0xFFFFFEF7, lr;
	s5 =	simm.s32 $0xFFFFFFFF;
	p2 =	slt.u32 s8, $0xFFFFF086  }
0x1c: {  	p1 =	slt.u32 s9, $0xF7A;
	s5 =	simm.s32 @!p2 $0x0  }
0x1d: {  	s5 =	simm.s32 @p1 $0x1;
	p0 =	seq.s32 s7, s2  }
0x1e: {  	s7 =	smul.u32 @!p0 $0xF7A, s2;
	p2 =	seq.s32 @!p0 s5, $0x0  }
0x1f: {  	s9 =	smul.u32 $0xF7A, s1;
	s8 =	simm.s32 @!p0 $0x1BF5;
	p2 =	por !p2, p0  }
0x20: {  	[sflag:s8] =	ssyncset.s32 @!p0 $0xFFFFF086;
	s6 =	sadd.s32 @!p0 s3, s7;
	s7 =	simm.s32 @!p0 $0x108  }
0x21: {  	s3 =	sadd.s32 s3, s9;
	s6 =	sadd.s32 @!p0 $0x88, s6;
	s7 =	simm.s32 @p2 $0x1082  }
0x22: {  	[simem:s7], [sflag:s8] =	dma.local @!p0 [hbm:s6], $0xF7A  }
0x23: {  	s9 =	sor.u32 $0xD0000000, s2;
	s6 =	simm.s32 $0x108;
	_ =	swait.ge @!p0 [sflag:s8], $0x0  }
0x24: {  	s3 =	sadd.s32 $0x88, s3;
	s6 =	simm.s32 @!p1 $0x1082;
	[sflag:s4] =	ssyncset.s32 $0xFFFFF086  }
0x25: {  	[simem:s6], [sflag:s4] =	dma.local [hbm:s3], $0xF7A  }
0x26: {  	[smem:$0x3F85] =	sst s1;
	(tag) =	ssettag s2;
	_ =	strace s9  }
0x27: {  	s1 =	sld [smem:$0x3F95]  }
0x28: {  	s2 =	sld [smem:$0x3F96]  }
0x29: {  	s4 =	sld [smem:$0x3F98]  }
0x2a: {  	p0 =	seq.s32 s5, $0x0;
	s5 =	sld [smem:$0x3F99]  }
0x2b: {  	s6 =	sld [smem:$0x3F9A]  }
0x2c: {  	s7 =	sld [smem:$0x3F9B]  }
0x2d: {  	s3 =	simm.s32 $0x108;
	s8 =	sld [smem:$0x3F9C]  }
0x2e: {  	s3 =	simm.s32 @!p0 $0x1082;
	s9 =	sld [smem:$0x3F9D]  }
0x2f: {  	lr =	sadd.s32 s0, s3;
	s0 =	sld [smem:$0x3F94]  }
0x30: {  	s3 =	sld [smem:$0x3F97]  }
0x31: {  	[smem:$0x3FA0] =	sst s10  }
0x32: {  	s10 =	sld [smem:$0x3F9E];
	_ =	sdelay $0x3  }
0x33: {  	p0 =	seq.s32 s10, $0x1;
	s10 =	sld [smem:$0x3FA0];
	_ =	sdelay $0x3  }
0x34: {  	[smem:$0x3FA0] =	sst s10  }
0x35: {  	s10 =	sld [smem:$0x3F9F];
	_ =	sdelay $0x3  }
0x36: {  	p1 =	seq.s32 s10, $0x1;
	s10 =	sld [smem:$0x3FA0];
	_ =	sdelay $0x3  }
0x37: {  	[smem:$0x3FA0] =	sst s10  }
0x38: {  	s10 =	sld [smem:$0x3FA1]  }
0x39: {  	_ = 	snop;
	(pc) =	sbr.ind lr, $3  }
0x3a: {  	_ = 	snop  }
0x3b: {  	_ = 	snop  }
0x3c: {  	p2 =	seq.s32 s10, $0x1;
	s10 =	sld [smem:$0x3FA0]  }
0x3d: {  	_ =	shalt  }
0x3e: {  	_ =	shalt  }
0x3f: {  	_ =	shalt  }
0x40: {  	_ =	shalt  }
0x41: {  	_ =	shalt  }
0x42: {  	_ =	shalt  }
0x43: {  	_ =	shalt  }
0x44: {  	_ =	shalt  }
0x45: {  	_ =	shalt  }
0x46: {  	_ =	shalt  }
0x47: {  	_ =	shalt  }
0x48: {  	_ =	shalt  }
0x49: {  	_ =	shalt  }
0x4a: {  	_ =	shalt  }
0x4b: {  	_ =	shalt  }
0x4c: {  	_ =	shalt  }
0x4d: {  	_ =	shalt  }
0x4e: {  	_ =	shalt  }
0x4f: {  	_ =	shalt  }
0x50: {  	_ =	shalt  }
0x51: {  	_ =	shalt  }
0x52: {  	_ =	shalt  }
0x53: {  	_ =	shalt  }
0x54: {  	_ =	shalt  }
0x55: {  	_ =	shalt  }
0x56: {  	_ =	shalt  }
0x57: {  	_ =	shalt  }
0x58: {  	_ =	shalt  }
0x59: {  	_ =	shalt  }
0x5a: {  	_ =	shalt  }
0x5b: {  	_ =	shalt  }
0x5c: {  	_ =	shalt  }
0x5d: {  	_ =	shalt  }
0x5e: {  	_ =	shalt  }
0x5f: {  	_ =	shalt  }
0x60: {  	_ =	shalt  }
0x61: {  	_ =	shalt  }
0x62: {  	_ =	shalt  }
0x63: {  	_ =	shalt  }
0x64: {  	_ =	shalt  }
0x65: {  	_ =	shalt  }
0x66: {  	_ =	shalt  }
0x67: {  	_ =	shalt  }
0x68: {  	_ =	shalt  }
0x69: {  	_ =	shalt  }
0x6a: {  	_ =	shalt  }
0x6b: {  	_ =	shalt  }
0x6c: {  	_ =	shalt  }
0x6d: {  	_ =	shalt  }
0x6e: {  	_ =	shalt  }
0x6f: {  	_ =	shalt  }
0x70: {  	_ =	shalt  }
0x71: {  	_ =	shalt  }
0x72: {  	_ =	shalt  }
0x73: {  	_ =	shalt  }
0x74: {  	_ =	shalt  }
0x75: {  	_ =	shalt  }
0x76: {  	_ =	shalt  }
0x77: {  	_ =	shalt  }
0x78: {  	_ =	shalt  }
0x79: {  	_ =	shalt  }
0x7a: {  	_ =	shalt  }
0x7b: {  	_ =	shalt  }
0x7c: {  	_ =	shalt  }
0x7d: {  	_ =	shalt  }
0x7e: {  	_ =	shalt  }
0x7f: {  	_ =	shalt  }
0x80: {  	_ =	shalt  }
0x81: {  	_ =	shalt  }
0x82: {  	_ =	shalt  }
0x83: {  	_ =	shalt  }
0x84: {  	_ =	shalt  }
0x85: {  	_ =	shalt  }
0x86: {  	_ =	shalt  }
0x87: {  	_ =	shalt  }
.Lfunc_end0:
.L_simem_size_0:
called_computation_lowered:
.L_overlay_start_0:
0x88: {  	s2 =	sld [smem:$0x3FD9]  }
0x89: {  	s3 =	sld [smem:$0x3FFE];
	_ =	sdelay $0x1  }
0x8a: {  	s1 =	srdreg.scid  }
0x8b: {  	s0 =	sand.u32 $0x1, s1  }
0x8c: {  	s14 =	sshll.u32 s0, $0xA;
	s2 =	sadd.s32 s3, s2  }
0x8d: {  	s2 =	sadd.s32 s2, s14  }
0x8e: {  	[smem:$0x3FAC] =	sst s2  }
0x8f: {  	_ = 	snop  }
0x90: {  	s2 =	sld [smem:$0x3FD0];
	_ =	sdelay $0x2  }
0x91: {  	s15 =	simm.s32 $0xA;
	s4 =	simm.s32 $0x10  }
0x92: {  	[smem:s4], [sflag:s15] =	dma.local [hbm:s2], $0x1  }
0x93: {  	_ =	swait.eq [sflag:s15], $0x1  }
0x94: {  	[sflag:s15] =	ssyncset.done $0x0  }
0x95: {  	s16 =	sld [smem:$0x10];
	[sflag:s15] =	ssyncadd.s32 $0xFFFFFFFF  }
0x96: {  	s17 =	sld [smem:$0x11];
	(tm) =	ssettm $0x1  }
0x97: {  	s18 =	sld [smem:$0x3FFB];
	_ =	sdelay $0x3  }
0x98: {  	_ =	strace s18  }
0x99: {  	s4 =	sld [smem:$0x3FFC];
	_ =	sdelay $0x3  }
0x9a: {  	_ =	strace s4  }
0x9b: {  	s4 =	sld [smem:$0x3FFD];
	_ =	sdelay $0x3  }
0x9c: {  	_ =	strace s4  }
0x9d: {  	_ =	strace $0x8FFFFFFF  }
0x9e: {  	s19 =	sld [smem:$0x3FDB];
	_ =	sdelay $0x1  }
0x9f: {  	s5 =	simm.s32 $_scs_section_size  }
0xa0: {  	s6 =	simm.s32 $_size__tile_overlayer_lowered;
	s7 =	simm.s32 $_tile_overlayer_lowered  }
0xa1: {  	s22 =	simm.s32 $0x1BFF;
	s21 =	sshll.u32 s7, $0x1;
	s4 =	sadd.s32 s5, s19  }
0xa2: {  	s8 =	simm.s32 $0x0;
	s20 =	sshll.u32 s6, $0x1;
	s6 =	sadd.s32 s21, s4  }
0xa3: {  	[timem:s8], [sflag:s22] =	dma.local [hbm:s6], s20  }
0xa4: {  	_ =	swait.ge [sflag:s22], s20  }
0xa5: {  	s5 =	ssub.s32 $0x0, s20;
	[sflag:s22] =	ssyncset.done $0x0  }
0xa6: {  	[sflag:s22] =	ssyncadd.s32 s5;
	_ =	sdelay $0x1  }
0xa7: {  	s23 =	simm.s32 $0x1B8B  }
0xa8: {  	_ =	swait.ge [sflag:s23], $0x1  }
0xa9: {  	[sflag:s23] =	ssyncset.done $0x0  }
0xaa: {  	s25 =	simm.s32 $0x1B8E;
	s24 =	sld [smem:$0x3FFE];
	[sflag:s23] =	ssyncadd.s32 $0xFFFFFFFF  }
0xab: {  	s26 =	simm.s32 $execute0_lowered;
	[smem:$0x3FD2] =	sst s25  }
0xac: {  	s6 =	sshll.u32 s26, $0x1;
	_ =	strace $0x80000046;
	[dreg:$0x1] =	wrdreg $0xFFFFFFFF  }
0xad: {  	s28 =	simm.s32 $_size_execute0_lowered;
	s4 =	sadd.s32 s4, s6;
	[dreg:$0x0] =	wrdreg $0x0  }
0xae: {  	s6 =	sshll.u32 s28, $0x1;
	[dreg:$0x2] =	wrdreg s4  }
0xaf: {  	[dreg:$0x3] =	wrdreg s6  }
0xb0: {  	[dreg:$0x4] =	wrdreg $0xC0  }
0xb1: {  	_ =	task [dreg:s8], $0x5FFFF  }
0xb2: {  	[dreg:$0x1] =	wrdreg $0xFFFFFFFF  }
0xb3: {  	[dreg:$0x0] =	wrdreg $0x60  }
0xb4: {  	[dreg:$0x2] =	wrdreg s17  }
0xb5: {  	[dreg:$0x3] =	wrdreg s16  }
0xb6: {  	[dreg:$0x4] =	wrdreg s24  }
0xb7: {  	[dreg:$0x5] =	wrdreg $0x9  }
0xb8: {  	_ =	task.clear_ibuf [dreg:s8], $0x6FFFF;
	_ =	strace $0x90000046  }
0xb9: {  	s29 =	simm.s32 $0x9;
	_ =	strace $0x80000048  }
0xba: {  	_ =	swait.ge [sflag:s29], $0x1  }
0xbb: {  	[sflag:s29] =	ssyncadd.s32 $0xFFFFFFFF  }
0xbc: {  	_ =	strace $0x90000048  }
0xbd: {  	_ =	sfence  }
0xbe: {  	s30 =	sld [smem:$0x0];
	_ =	sdelay $0x2  }
0xbf: {  	s31 =	sshll.u32 s1, $0xD;
	s1 =	sshrl.u32 s1, $0x2  }
0xc0: {  	s3 =	sand.u32 $0x4000, s31;
	s1 =	sadd.s32 s1, s30  }
0xc1: {  	s0 =	sor.u32 s3, s0;
	s1 =	sshll.u32 s1, $0x11  }
0xc2: {  	s0 =	sor.u32 s1, s0  }
0xc3: {  	s0 =	sadd.s32 $0x8F2B, s0  }
0xc4: {  	[sflag:s0] =	ssyncadd.remote.s32 $0x1  }
0xc5: {  	_ =	sfence.sel $0xFFFF  }
0xc6: {  	[dreg:$0x0] =	wrdreg $0xFFFFFFFF;
	(pc) =	sbr.abs _section_cstart, $3  }
0xc7: {  	[dreg:$0x1] =	wrdreg $0xFFFFFFFF  }
0xc8: {  	_ =	task.clear_ibuf [dreg:s8], $0x2FFFF;
	_ =	strace $0x9FFFFFFF  }
0xc9: {  	(tm) =	ssettm $0x7FFFFFFF  }
tec
execute0_lowered:
.L_overlay_start_1:
0x0: {  	(tag) =	ssettag $0x1  }
0x1: {  	s1 =	rddreg [dreg:$0x0]  }
0x2: {  	s3 =	rddreg [dreg:$0x1]  }
0x3: {  	s2 =	srdreg.scid;
	s0 =	stileid.u32  }
0x4: {  	s5 =	rddreg [dreg:$0x2];
	s4 =	simm.s32 $0x0;
	s11 =	simm.s32 $0x7  }
0x5: {  	s12 =	simm.s32 $0x4000;
	s13 =	simm.s32 $0x50;
	s14 =	simm.s32 $0x8000  }
0x6: {  	s15 =	simm.s32 $0xD000;
	s16 =	simm.s32 $0xA800;
	s17 =	simm.s32 $0xF800  }
0x7: {  	s18 =	simm.s32 $0x1;
	s19 =	simm.s32 $0x3;
	s20 =	simm.s32 $0x5  }
0x8: {  	s21 =	simm.s32 $0x2;
	s22 =	simm.s32 $0x4;
	s23 =	simm.s32 $0x6  }
0x9: {  	s6 =	sand.u32 $0x1, s2;
	s7 =	sshll.u32 s0, $0x1;
	s2 =	rddreg [dreg:$0x3]  }
0xa: {  	s24 =	simm.s32 $0x0;
	[smem:$0x7FF] =	sst s4;
	s8 =	sor.u32 s6, s7  }
0xb: {  	_ =	strace $0x80000047;
	s6 =	ssub.s32 $0x2, s6;
	s9 =	smul.u32 $0x138800, s8  }
0xc: {  	s7 =	sshll.u32 s8, $0xB;
	s10 =	sshrl.u32 s6, $0x1;
	s8 =	smul.u32 $0x2710, s8  }
0xd: {  	s7 =	sadd.s32 s7, s5;
	s5 =	sadd.s32 $0x24E00, s5;
	s9 =	sshrl.u32 s9, $0x3  }
0xe: {  	s10 =	ssub.s32 s6, s10;
	s6 =	sadd.s32 $0x14E00, s7;
	s9 =	sadd.s32 s5, s9  }
0xf: {  	s7 =	sadd.s32 $0x4E00, s7;
	s10 =	smax.u32 s10, $0x1;
	s9 =	sadd.s32 $0x26C00, s9  }
.LBB2_1:
0x10: {  	[tilespmem:s4], [sflag:$0x7] =	stream.linear.gather [hbm4b:s6+s4], $0x3E80, $0x38;
	[tilespmem:$0x12000] =	vst v63  }
0x11: {  	_ =	swait.ge [sflag:s11], $0x3E80  }
0x12: {  	[sflag:s11] =	ssyncset.done $0x0  }
0x13: {  	[sflag:s11] =	ssyncadd.s32 $0xFFFFC180  }
0x14: {  	[tilespmem:s12], [sflag:$0x7] =	stream.linear.gather [hbm4b:s7+s4], $0x3E80, $0x38;
	[tilespmem:$0x12000] =	vst v63  }
0x15: {  	_ =	swait.ge [sflag:s11], $0x3E80  }
0x16: {  	[sflag:s11] =	ssyncset.done $0x0  }
0x17: {  	[sflag:s11] =	ssyncadd.s32 $0xFFFFC180  }
0x18: {  	[tilespmem:s14], [sflag:$0x1] =	stream.indirect.gather [hbm4b:s1+s13], $0x80, s4, s13, $0xb8;
	[tilespmem:$0x12000] =	vst v63  }
0x19: {  	s25 =	simm.s32 $0x0  }
0x1a: {  	[tilespmem:s15], [sflag:$0x3] =	stream.indirect.gather [hbm4b:s3+s13], $0x80, s12, s13, $0xb8;
	[tilespmem:$0x12000] =	vst v63  }
.LBB2_2:
0x1b: {  	p0 =	seq.s32 s25, $0x0  }
0x1c: {  	s28 =	simm.s32 @!p0 $0x6  }
0x1d: {  	s26 =	sshll.u32 s25, $0x1;
	_ =	swait.ge @!p0 [sflag:s28], $0x2800  }
0x1e: {  	s26 =	sor.u32 $0x1, s26;
	[sflag:s28] =	ssyncset.done @!p0 $0x0  }
0x1f: {  	[sflag:s28] =	ssyncadd.s32 @!p0 $0xFFFFD800;
	s28 =	sshll.u32 s26, $0x7  }
0x20: {  	[tilespmem:s16], [sflag:$0x2] =	stream.indirect.gather [hbm4b:s1+s13], $0x80, s28, s13, $0xb8;
	[tilespmem:$0x12000] =	vst v63  }
0x21: {  	s28 =	sadd.s32 $0x4000, s28  }
0x22: {  	[tilespmem:s17], [sflag:$0x4] =	stream.indirect.gather [hbm4b:s3+s13], $0x80, s28, s13, $0xb8;
	[tilespmem:$0x12000] =	vst v63  }
0x23: {  	_ =	swait.ge [sflag:s18], $0x2800  }
0x24: {  	[sflag:s18] =	ssyncset.done $0x0  }
0x25: {  	[sflag:s18] =	ssyncadd.s32 $0xFFFFD800  }
0x26: {  	_ =	swait.ge [sflag:s19], $0x2800  }
0x27: {  	[sflag:s19] =	ssyncset.done $0x0  }
0x28: {  	s28 =	simm.s32 $0x0;
	[sflag:s19] =	ssyncadd.s32 $0xFFFFD800  }
0x29: {  	v6 =	vld [tilespmem:s28+$0xD000]  }
0x2a: {  	v11 =	vld [tilespmem:s28+$0xD010]  }
0x2b: {  	v5 =	vld [tilespmem:s28+$0xD020]  }
0x2c: {  	v4 =	vld [tilespmem:s28+$0xD030]  }
0x2d: {  	v3 =	vld [tilespmem:s28+$0xD040]  }
0x2e: {  	v2 =	vld [tilespmem:s28+$0xD050]  }
0x2f: {  	v1 =	vld [tilespmem:s28+$0xD060]  }
0x30: {  	v0 =	vld [tilespmem:s28+$0xD070]  }
0x31: {  	v12 =	vld [tilespmem:s28+$0x8000]  }
0x32: {  	v13 =	vld [tilespmem:s28+$0x8010]  }
0x33: {  	v10 =	vld [tilespmem:s28+$0x8020]  }
0x34: {  	v9 =	vld [tilespmem:s28+$0x8030]  }
0x35: {  	v8 =	vld [tilespmem:s28+$0x8040]  }
0x36: {  	v7 =	vld [tilespmem:s28+$0x8050];
	v12 =	vadd.f32 v6, v12  }
0x37: {  	s29 =	simm.s32 $0x200;
	v11 =	vadd.f32 v11, v13;
	v6 =	vld [tilespmem:s28+$0x8060]  }
.LBB2_3:
0x38: {  	s30 =	sshra.s32 s29, $0x2;
	p0 =	sne.s32 s29, $0x9E00;
	[tilespmem:s28+$0x8000] =	vst v12;
	v5 =	vadd.f32 v5, v10;
	v10 =	vld [tilespmem:s28+$0x8070]  }
0x39: {  	v12 =	vld [tilespmem:s30+$0xD000];
	[tilespmem:s28+$0x8010] =	vst v11;
	v4 =	vadd.f32 v4, v9  }
0x3a: {  	v11 =	vld [tilespmem:s30+$0xD010];
	[tilespmem:s28+$0x8020] =	vst v5;
	v3 =	vadd.f32 v3, v8  }
0x3b: {  	v5 =	vld [tilespmem:s30+$0xD020];
	[tilespmem:s28+$0x8030] =	vst v4;
	v2 =	vadd.f32 v2, v7  }
0x3c: {  	v4 =	vld [tilespmem:s30+$0xD030];
	[tilespmem:s28+$0x8040] =	vst v3;
	v1 =	vadd.f32 v1, v6  }
0x3d: {  	v3 =	vld [tilespmem:s30+$0xD040];
	[tilespmem:s28+$0x8050] =	vst v2;
	v0 =	vadd.f32 v0, v10  }
0x3e: {  	v2 =	vld [tilespmem:s30+$0xD050];
	[tilespmem:s28+$0x8060] =	vst v1  }
0x3f: {  	v1 =	vld [tilespmem:s30+$0xD060];
	[tilespmem:s28+$0x8070] =	vst v0;
	s28 =	smov.u32 s30  }
0x40: {  	v0 =	vld [tilespmem:s28+$0xD070]  }
0x41: {  	v6 =	vld [tilespmem:s28+$0x8000]  }
0x42: {  	v13 =	vld [tilespmem:s28+$0x8010]  }
.Ltmp0:
0x43: {  	v10 =	vld [tilespmem:s28+$0x8020];
	(pc) =	sbr.rel @p0 .LBB2_3-.Ltmp0, $4  }
0x44: {  	v9 =	vld [tilespmem:s28+$0x8030]  }
0x45: {  	v8 =	vld [tilespmem:s28+$0x8040]  }
0x46: {  	v12 =	vadd.f32 v12, v6;
	v7 =	vld [tilespmem:s28+$0x8050]  }
0x47: {  	s29 =	sadd.s32 $0x200, s29;
	v11 =	vadd.f32 v11, v13;
	v6 =	vld [tilespmem:s28+$0x8060]  }
0x48: {  	[tilespmem:s28+$0x8000] =	vst v12;
	v5 =	vadd.f32 v5, v10;
	v10 =	vld [tilespmem:s28+$0x8070]  }
0x49: {  	[tilespmem:s28+$0x8010] =	vst v11;
	v4 =	vadd.f32 v4, v9  }
0x4a: {  	[tilespmem:s28+$0x8020] =	vst v5;
	v3 =	vadd.f32 v3, v8  }
0x4b: {  	s29 =	smul.u32 $0xA0, s25;
	[tilespmem:s28+$0x8030] =	vst v4;
	v2 =	vadd.f32 v2, v7  }
0x4c: {  	[tilespmem:s28+$0x8040] =	vst v3;
	v1 =	vadd.f32 v1, v6  }
0x4d: {  	s29 =	sadd.s32 s8, s29;
	[tilespmem:s28+$0x8050] =	vst v2;
	v0 =	vadd.f32 v0, v10  }
0x4e: {  	s29 =	sshll.u32 s29, $0x4;
	[tilespmem:s28+$0x8060] =	vst v1  }
0x4f: {  	[tilespmem:s28+$0x8070] =	vst v0;
	s28 =	sadd.s32 s5, s29;
	s29 =	simm.s32 $0x0  }
0x50: {  	[hbm4b:s28+s29] =	stream.linear.scatter [tilespmem:s14], [sflag:$0x5], $0x2800, $0x38;
	[tilespmem:$0x12000] =	vst v63  }
0x51: {  	_ =	swait.ge [sflag:s20], $0x2800  }
0x52: {  	s28 =	sshll.u32 s25, $0x8;
	[sflag:s20] =	ssyncset.done $0x0  }
0x53: {  	s29 =	sadd.s32 $0x100, s28;
	[sflag:s20] =	ssyncadd.s32 $0xFFFFD800  }
0x54: {  	[tilespmem:s14], [sflag:$0x1] =	stream.indirect.gather [hbm4b:s1+s13], $0x80, s29, s13, $0xb8;
	[tilespmem:$0x12000] =	vst v63  }
0x55: {  	s28 =	sadd.s32 $0x4100, s28  }
0x56: {  	[tilespmem:s15], [sflag:$0x3] =	stream.indirect.gather [hbm4b:s3+s13], $0x80, s28, s13, $0xb8;
	[tilespmem:$0x12000] =	vst v63  }
0x57: {  	_ =	swait.ge [sflag:s21], $0x2800  }
0x58: {  	[sflag:s21] =	ssyncset.done $0x0  }
0x59: {  	[sflag:s21] =	ssyncadd.s32 $0xFFFFD800  }
0x5a: {  	_ =	swait.ge [sflag:s22], $0x2800  }
0x5b: {  	[sflag:s22] =	ssyncset.done $0x0  }
0x5c: {  	s28 =	simm.s32 $0x0;
	[sflag:s22] =	ssyncadd.s32 $0xFFFFD800  }
0x5d: {  	v6 =	vld [tilespmem:s28+$0xF800]  }
0x5e: {  	v11 =	vld [tilespmem:s28+$0xF810]  }
0x5f: {  	v5 =	vld [tilespmem:s28+$0xF820]  }
0x60: {  	v4 =	vld [tilespmem:s28+$0xF830]  }
0x61: {  	v3 =	vld [tilespmem:s28+$0xF840]  }
0x62: {  	v2 =	vld [tilespmem:s28+$0xF850]  }
0x63: {  	v1 =	vld [tilespmem:s28+$0xF860]  }
0x64: {  	v0 =	vld [tilespmem:s28+$0xF870]  }
0x65: {  	v12 =	vld [tilespmem:s28+$0xA800]  }
0x66: {  	v13 =	vld [tilespmem:s28+$0xA810]  }
0x67: {  	v10 =	vld [tilespmem:s28+$0xA820]  }
0x68: {  	v9 =	vld [tilespmem:s28+$0xA830]  }
0x69: {  	v8 =	vld [tilespmem:s28+$0xA840]  }
0x6a: {  	v7 =	vld [tilespmem:s28+$0xA850];
	v12 =	vadd.f32 v6, v12  }
0x6b: {  	s29 =	simm.s32 $0x200;
	v11 =	vadd.f32 v11, v13;
	v6 =	vld [tilespmem:s28+$0xA860]  }
.LBB2_5:
0x6c: {  	s30 =	sshra.s32 s29, $0x2;
	p0 =	sne.s32 s29, $0x9E00;
	[tilespmem:s28+$0xA800] =	vst v12;
	v5 =	vadd.f32 v5, v10;
	v10 =	vld [tilespmem:s28+$0xA870]  }
0x6d: {  	v12 =	vld [tilespmem:s30+$0xF800];
	[tilespmem:s28+$0xA810] =	vst v11;
	v4 =	vadd.f32 v4, v9  }
0x6e: {  	v11 =	vld [tilespmem:s30+$0xF810];
	[tilespmem:s28+$0xA820] =	vst v5;
	v3 =	vadd.f32 v3, v8  }
0x6f: {  	v5 =	vld [tilespmem:s30+$0xF820];
	[tilespmem:s28+$0xA830] =	vst v4;
	v2 =	vadd.f32 v2, v7  }
0x70: {  	v4 =	vld [tilespmem:s30+$0xF830];
	[tilespmem:s28+$0xA840] =	vst v3;
	v1 =	vadd.f32 v1, v6  }
0x71: {  	v3 =	vld [tilespmem:s30+$0xF840];
	[tilespmem:s28+$0xA850] =	vst v2;
	v0 =	vadd.f32 v0, v10  }
0x72: {  	v2 =	vld [tilespmem:s30+$0xF850];
	[tilespmem:s28+$0xA860] =	vst v1  }
0x73: {  	v1 =	vld [tilespmem:s30+$0xF860];
	[tilespmem:s28+$0xA870] =	vst v0;
	s28 =	smov.u32 s30  }
0x74: {  	v0 =	vld [tilespmem:s28+$0xF870]  }
0x75: {  	v6 =	vld [tilespmem:s28+$0xA800]  }
0x76: {  	v13 =	vld [tilespmem:s28+$0xA810]  }
.Ltmp1:
0x77: {  	v10 =	vld [tilespmem:s28+$0xA820];
	(pc) =	sbr.rel @p0 .LBB2_5-.Ltmp1, $4  }
0x78: {  	v9 =	vld [tilespmem:s28+$0xA830]  }
0x79: {  	v8 =	vld [tilespmem:s28+$0xA840]  }
0x7a: {  	v12 =	vadd.f32 v12, v6;
	v7 =	vld [tilespmem:s28+$0xA850]  }
0x7b: {  	s29 =	sadd.s32 $0x200, s29;
	v11 =	vadd.f32 v11, v13;
	v6 =	vld [tilespmem:s28+$0xA860]  }
0x7c: {  	[tilespmem:s28+$0xA800] =	vst v12;
	v5 =	vadd.f32 v5, v10;
	v63 =	vld [tilespmem:s28+$0xA870]  }
0x7d: {  	[tilespmem:s28+$0xA810] =	vst v11;
	v4 =	vadd.f32 v4, v9  }
0x7e: {  	s25 =	sadd.s32 $0x1, s25;
	[tilespmem:s28+$0xA820] =	vst v5;
	v3 =	vadd.f32 v3, v8  }
0x7f: {  	s26 =	smul.u32 $0x50, s26;
	p0 =	sne.s32 s25, $0x3E;
	[tilespmem:s28+$0xA830] =	vst v4;
	v2 =	vadd.f32 v2, v7  }
.Ltmp2:
0x80: {  	[tilespmem:s28+$0xA840] =	vst v3;
	v1 =	vadd.f32 v1, v6;
	(pc) =	sbr.rel @p0 .LBB2_2-.Ltmp2, $4  }
0x81: {  	s26 =	sadd.s32 s8, s26;
	[tilespmem:s28+$0xA850] =	vst v2;
	v0 =	vadd.f32 v0, v63  }
0x82: {  	s26 =	sshll.u32 s26, $0x4;
	[tilespmem:s28+$0xA860] =	vst v1  }
0x83: {  	s26 =	sadd.s32 s5, s26;
	[tilespmem:s28+$0xA870] =	vst v0  }
0x84: {  	[hbm4b:s26+s4] =	stream.linear.scatter [tilespmem:s16], [sflag:$0x6], $0x2800, $0x38;
	[tilespmem:$0x12000] =	vst v63  }
0x85: {  	_ =	swait.ge [sflag:s18], $0x2800  }
0x86: {  	[sflag:s18] =	ssyncset.done $0x0  }
0x87: {  	[sflag:s18] =	ssyncadd.s32 $0xFFFFD800  }
0x88: {  	_ =	swait.ge [sflag:s19], $0x2800  }
0x89: {  	[sflag:s19] =	ssyncset.done $0x0  }
0x8a: {  	s25 =	simm.s32 $0x0;
	[sflag:s19] =	ssyncadd.s32 $0xFFFFD800  }
0x8b: {  	v7 =	vld [tilespmem:s25+$0xD000]  }
0x8c: {  	v11 =	vld [tilespmem:s25+$0xD010]  }
0x8d: {  	v5 =	vld [tilespmem:s25+$0xD020]  }
0x8e: {  	v4 =	vld [tilespmem:s25+$0xD030]  }
0x8f: {  	v3 =	vld [tilespmem:s25+$0xD040]  }
0x90: {  	v2 =	vld [tilespmem:s25+$0xD050]  }
0x91: {  	v1 =	vld [tilespmem:s25+$0xD060]  }
0x92: {  	v0 =	vld [tilespmem:s25+$0xD070]  }
0x93: {  	v12 =	vld [tilespmem:s25+$0x8000]  }
0x94: {  	v13 =	vld [tilespmem:s25+$0x8010]  }
0x95: {  	v10 =	vld [tilespmem:s25+$0x8020]  }
0x96: {  	v9 =	vld [tilespmem:s25+$0x8030]  }
0x97: {  	v8 =	vld [tilespmem:s25+$0x8040]  }
0x98: {  	v6 =	vld [tilespmem:s25+$0x8050];
	v12 =	vadd.f32 v7, v12  }
0x99: {  	s26 =	simm.s32 $0x200;
	v11 =	vadd.f32 v11, v13;
	v7 =	vld [tilespmem:s25+$0x8060]  }
.LBB2_8:
0x9a: {  	s28 =	sshra.s32 s26, $0x2;
	p0 =	sne.s32 s26, $0x9E00;
	[tilespmem:s25+$0x8000] =	vst v12;
	v5 =	vadd.f32 v5, v10;
	v10 =	vld [tilespmem:s25+$0x8070]  }
0x9b: {  	v12 =	vld [tilespmem:s28+$0xD000];
	[tilespmem:s25+$0x8010] =	vst v11;
	v4 =	vadd.f32 v4, v9  }
0x9c: {  	v11 =	vld [tilespmem:s28+$0xD010];
	[tilespmem:s25+$0x8020] =	vst v5;
	v3 =	vadd.f32 v3, v8  }
0x9d: {  	v5 =	vld [tilespmem:s28+$0xD020];
	[tilespmem:s25+$0x8030] =	vst v4;
	v2 =	vadd.f32 v2, v6  }
0x9e: {  	v4 =	vld [tilespmem:s28+$0xD030];
	[tilespmem:s25+$0x8040] =	vst v3;
	v1 =	vadd.f32 v1, v7  }
0x9f: {  	v3 =	vld [tilespmem:s28+$0xD040];
	[tilespmem:s25+$0x8050] =	vst v2;
	v0 =	vadd.f32 v0, v10  }
0xa0: {  	v2 =	vld [tilespmem:s28+$0xD050];
	[tilespmem:s25+$0x8060] =	vst v1  }
0xa1: {  	v1 =	vld [tilespmem:s28+$0xD060];
	[tilespmem:s25+$0x8070] =	vst v0;
	s25 =	smov.u32 s28  }
0xa2: {  	v0 =	vld [tilespmem:s25+$0xD070]  }
0xa3: {  	v6 =	vld [tilespmem:s25+$0x8000]  }
0xa4: {  	v7 =	vld [tilespmem:s25+$0x8010]  }
.Ltmp3:
0xa5: {  	v10 =	vld [tilespmem:s25+$0x8020];
	(pc) =	sbr.rel @p0 .LBB2_8-.Ltmp3, $4  }
0xa6: {  	v9 =	vld [tilespmem:s25+$0x8030]  }
0xa7: {  	v8 =	vld [tilespmem:s25+$0x8040]  }
0xa8: {  	v12 =	vadd.f32 v12, v6;
	v6 =	vld [tilespmem:s25+$0x8050]  }
0xa9: {  	s26 =	sadd.s32 $0x200, s26;
	v11 =	vadd.f32 v11, v7;
	v7 =	vld [tilespmem:s25+$0x8060]  }
0xaa: {  	[tilespmem:s25+$0x8000] =	vst v12;
	v5 =	vadd.f32 v5, v10;
	v63 =	vld [tilespmem:s25+$0x8070]  }
0xab: {  	[tilespmem:s25+$0x8010] =	vst v11;
	v4 =	vadd.f32 v4, v9  }
0xac: {  	[tilespmem:s25+$0x8020] =	vst v5;
	v3 =	vadd.f32 v3, v8  }
0xad: {  	[tilespmem:s25+$0x8030] =	vst v4;
	v2 =	vadd.f32 v2, v6  }
0xae: {  	[tilespmem:s25+$0x8040] =	vst v3;
	v1 =	vadd.f32 v1, v7  }
0xaf: {  	[tilespmem:s25+$0x8050] =	vst v2;
	v0 =	vadd.f32 v0, v63  }
0xb0: {  	[tilespmem:s25+$0x8060] =	vst v1  }
0xb1: {  	s24 =	sadd.s32 $0x1, s24;
	[tilespmem:s25+$0x8070] =	vst v0  }
0xb2: {  	[hbm4b:s9+s4] =	stream.linear.scatter [tilespmem:s14], [sflag:$0x5], $0x2800, $0x38;
	[tilespmem:$0x12000] =	vst v63  }
0xb3: {  	p0 =	sne.s32 s24, s10;
	_ =	swait.ge [sflag:s23], $0x2800  }
.Ltmp4:
0xb4: {  	[sflag:s23] =	ssyncset.done $0x0;
	(pc) =	sbr.rel @p0 .LBB2_1-.Ltmp4, $4  }
0xb5: {  	[sflag:s23] =	ssyncadd.s32 $0xFFFFD800  }
0xb6: {  	_ =	swait.ge [sflag:s20], $0x2800  }
0xb7: {  	[sflag:s20] =	ssyncset.done $0x0  }
0xb8: {  	[sflag:s20] =	ssyncadd.s32 $0xFFFFD800  }
0xb9: {  	_ =	sfence.sel $0x180000  }
0xba: {  	[bflag:$0x0] =	sbarrier.arrive $0xFFFF  }
0xbb: {  	p0 =	sne.s32 s0, $0x0;
	_ =	strace $0x90000047  }
0xbc: {  	s0 =	sadd.s32 @!p0 $0x100000, s2;
	[bflag:$0x2] =	sbarrier.arrive $0xFFFF  }
0xbd: {  	[sflag:s0] =	ssyncadd.tile.s32 @!p0 $0x1;
	_ =	shalt  }
.Lfunc_end2:
_tile_overlayer_lowered:
.L_overlay_start_2:
0xbe: {  	(tag) =	ssettag $0x2  }
0xbf: {  	s0 =	rddreg [dreg:$0x0];
	s2 =	stileid.u32  }
0xc0: {  	s1 =	rddreg [dreg:$0x1];
	p0 =	sne.s32 s2, $0x0  }
0xc1: {  	s3 =	rddreg [dreg:$0x2];
	[bflag:$0x3] =	sbarrier.arrive $0xFFFF;
	s2 =	simm.s32 @!p0 $0x1C07  }
0xc2: {  	[timem:s3], [sflag:s2] =	dma.local @!p0 [hbm:s0], s1  }
0xc3: {  	s0 =	simm.s32 @!p0 $0x7  }
0xc4: {  	_ =	swait.ge @!p0 [sflag:s0], s1  }
0xc5: {  	s1 =	ssub.s32 @!p0 $0x0, s1;
	[sflag:s0] =	ssyncset.done @!p0 $0x0  }
0xc6: {  	[sflag:s0] =	ssyncadd.s32 @!p0 s1  }
0xc7: {  	[bflag:$0x3] =	sbarrier.arrive $0xFFFF  }
0xc8: {  	_ =	shalt  }

</sc_bundles>
